<compile_context>
chip_gen: v7x
topology: tpu7x:2x2x1
jax: 0.10.2.dev20260603
libtpu: 0.0.44.dev20260713+nightly
codegen_flags: <defaults>
</compile_context>

<pallas_src>
import jax
import jax.numpy as jnp
from jax import lax
from jax.experimental import pallas as pl
from jax.experimental.pallas import tpu as pltpu
from jax.experimental.pallas import tpu_sc as plsc

DM = 768
NF = 32768
K = 64
BT = 32
FT = 2048
NT = NF // FT
LANES = 16
NCK = FT
FP = 128

_SIGN = -(2**31)


def _sortable(bits):
    return bits ^ (lax.shift_right_arithmetic(bits, 31) & 0x7FFFFFFF)


def _enc_body(x_ref, w_ref, b_ref, pre_ref, tcf_ref, cm_ref):
    i = pl.program_id(0)
    acc = lax.dot_general(
        x_ref[...], w_ref[...],
        dimension_numbers=(((1,), (1,)), ((), ())),
        preferred_element_type=jnp.float32,
    )
    pre = acc + b_ref[...]
    pre_ref[:, pl.ds(i * FT, FT)] = pre

    @pl.when(i == 0)
    def _():
        cm_ref[...] = pre

    @pl.when(i > 0)
    def _():
        cm_ref[...] = jnp.maximum(cm_ref[...], pre)

    @pl.when(i == NT - 1)
    def _():
        s = _sortable(lax.bitcast_convert_type(cm_ref[...], jnp.int32))

        def bit_step(t, p):
            cand = p | lax.shift_left(jnp.int32(1), jnp.int32(31) - t)
            t_s = cand ^ _SIGN
            cnt = jnp.sum((s >= t_s).astype(jnp.int32), axis=1, keepdims=True)
            return jnp.where(cnt >= K, cand, p)

        p = lax.fori_loop(0, 32, bit_step, jnp.zeros((BT, 1), jnp.int32))
        tcf = lax.bitcast_convert_type(_sortable(p ^ _SIGN), jnp.float32)
        tcf_ref[...] = jnp.broadcast_to(tcf, (BT, 128))


def _encode_select(x, w_enc, b_enc):
    return pl.pallas_call(
        _enc_body,
        grid=(NT,),
        in_specs=[
            pl.BlockSpec((BT, DM), lambda i: (0, 0)),
            pl.BlockSpec((FT, DM), lambda i: (i, 0)),
            pl.BlockSpec((1, FT), lambda i: (0, i)),
        ],
        out_specs=[
            pl.BlockSpec((BT, NF), lambda i: (0, 0)),
            pl.BlockSpec((BT, 128), lambda i: (0, 0)),
            pl.BlockSpec((BT, NCK), lambda i: (0, 0)),
        ],
        out_shape=[
            jax.ShapeDtypeStruct((BT, NF), jnp.float32),
            jax.ShapeDtypeStruct((BT, 128), jnp.float32),
            jax.ShapeDtypeStruct((BT, NCK), jnp.float32),
        ],
    )(x, w_enc, b_enc.reshape(1, NF))


def _splat(ref, j):
    return plsc.load_gather(ref, [lax.broadcast(j, (LANES,))])


def _sc_body(pre_hbm, tcf_hbm, cmax_hbm, d_hbm,
             codes_hbm, recon_hbm,
             row_v, codes_v, cmax_v, tcf_v, cid_v, cand_v,
             idx_v, val_v, rowsa_v, rowsb_v, acc_v,
             sem, semb, semc):
    b = lax.axis_index("s") * 2 + lax.axis_index("c")
    rowcp = pltpu.async_copy(pre_hbm.at[b], row_v, semb)
    pltpu.sync_copy(tcf_hbm.at[b, pl.ds(0, LANES)], tcf_v)
    pltpu.sync_copy(cmax_hbm.at[b], cmax_v)
    tcf = tcf_v[...]
    lanes = lax.broadcasted_iota(jnp.int32, (LANES,), 0)
    z16i = jnp.zeros((LANES,), jnp.int32)
    z16f = jnp.zeros((LANES,), jnp.float32)
    neg16 = plsc.bitcast(lax.broadcast(jnp.int32(_SIGN), (LANES,)), jnp.float32)
    idx_v[pl.ds(K, LANES)] = z16i

    @plsc.parallel_loop(0, NF // LANES, 1, unroll=8, carry=jnp.int32(0))
    def _zf(c, cr):
        codes_v[pl.ds(c * LANES, LANES)] = z16f
        return cr

    def sup(c, n):
        msk = cmax_v[pl.ds(c * LANES, LANES)] >= tcf
        cidv = c * LANES + lanes
        plsc.store_compressed(cid_v.at[pl.ds(n, LANES)], cidv, mask=msk)
        return n + plsc.all_reduce_population_count(msk)[0]

    ncand = lax.fori_loop(0, NCK // LANES, sup, jnp.int32(0))
    fast = ncand <= FP

    rowcp.wait()

    def gidx_of(j):
        return _splat(cid_v, j) + NCK * lanes

    def read_row_s(j):
        v = plsc.load_gather(row_v, [gidx_of(j)])
        return _sortable(lax.bitcast_convert_type(v, jnp.int32))

    def read_cand_s(j):
        return plsc.bitcast(cand_v[pl.ds(j * LANES, LANES)], jnp.int32)

    tcs = _sortable(lax.bitcast_convert_type(tcf, jnp.int32))[0]

    def select_and_scan(read_s, count_loop, scan_trip):
        def count2(ts):
            def body(j, acc2):
                ge, gt = acc2
                s = read_s(j)
                return (ge + plsc.all_reduce_population_count(s >= ts)[0],
                        gt + plsc.all_reduce_population_count(s > ts)[0])
            return count_loop(body, (jnp.int32(0), jnp.int32(0)))

        def count_ge(ts):
            def body(j, acc2):
                s = read_s(j)
                return acc2 + plsc.all_reduce_population_count(s >= ts)[0]
            return count_loop(body, jnp.int32(0))

        def bit_step(t, p):
            candbit = p | lax.shift_left(jnp.int32(1), jnp.int32(31) - t)
            t_s = candbit ^ _SIGN
            cnt = lax.cond(t_s <= tcs, lambda: jnp.int32(K),
                           lambda: count_ge(t_s))
            return jnp.where(cnt >= K, candbit, p)

        thr = lax.fori_loop(0, 32, bit_step, jnp.int32(0)) ^ _SIGN
        cge, g = count2(thr)
        e = cge - g
        m = K - g
        thrv = lax.broadcast(thr, (LANES,))

        @pl.when(e == m)
        def _():
            def scan_all(j, n):
                s = read_s(j)
                keep = s >= thrv
                v = lax.bitcast_convert_type(_sortable(s), jnp.float32)
                nk = plsc.all_reduce_population_count(keep)[0]

                @pl.when(nk > 0)
                def _():
                    plsc.store_compressed(idx_v.at[pl.ds(n, LANES)],
                                          gidx_of(j), mask=keep)
                    plsc.store_compressed(val_v.at[pl.ds(n, LANES)], v,
                                          mask=keep)

                return n + nk

            lax.fori_loop(0, scan_trip, scan_all, jnp.int32(0))

        @pl.when(e != m)
        def _():
            def scan_gt(j, n):
                s = read_s(j)
                keep = s > thrv
                v = lax.bitcast_convert_type(_sortable(s), jnp.float32)
                nk = plsc.all_reduce_population_count(keep)[0]

                @pl.when(nk > 0)
                def _():
                    plsc.store_compressed(idx_v.at[pl.ds(n, LANES)],
                                          gidx_of(j), mask=keep)
                    plsc.store_compressed(val_v.at[pl.ds(n, LANES)], v,
                                          mask=keep)

                return n + nk

            ng = lax.fori_loop(0, scan_trip, scan_gt, jnp.int32(0))

            def jbit(t, p):
                step = lax.shift_left(jnp.int32(1), jnp.int32(14) - t)
                trial = p + step - 1

                def cntj(j, acc2):
                    s = read_s(j)
                    hit = (s == thrv) & (gidx_of(j) <= trial)
                    return acc2 + plsc.all_reduce_population_count(hit)[0]

                cnt = lax.fori_loop(0, scan_trip, cntj, jnp.int32(0))
                return jnp.where(cnt >= m, p, p + step)

            jstar = lax.fori_loop(0, 15, jbit, jnp.int32(0))

            def scan_eq(j, n):
                s = read_s(j)
                gidx = gidx_of(j)
                keep = (s == thrv) & (gidx <= jstar)
                v = lax.bitcast_convert_type(_sortable(s), jnp.float32)
                nk = plsc.all_reduce_population_count(keep)[0]

                @pl.when(nk > 0)
                def _():
                    plsc.store_compressed(idx_v.at[pl.ds(n, LANES)], gidx,
                                          mask=keep)
                    plsc.store_compressed(val_v.at[pl.ds(n, LANES)], v,
                                          mask=keep)

                return n + nk

            lax.fori_loop(0, scan_trip, scan_eq, ng)

    @pl.when(fast)
    def _():
        def conv_one(j, cr):
            cand_v[pl.ds(j * LANES, LANES)] = plsc.bitcast(read_row_s(j),
                                                           jnp.float32)
            return cr

        lax.fori_loop(0, ncand, conv_one, jnp.int32(0))

        def padc(j, cr):
            cand_v[pl.ds(j * LANES, LANES)] = neg16
            return cr

        lax.fori_loop(ncand, FP, padc, jnp.int32(0))

        def count_loop(body, init):
            return plsc.parallel_loop(0, FP, 1, unroll=8, carry=init)(body)

        select_and_scan(read_cand_s, count_loop, jnp.int32(FP))

    @pl.when(jnp.logical_not(fast))
    def _():
        def count_loop(body, init):
            return lax.fori_loop(0, ncand, body, init)

        select_and_scan(read_row_s, count_loop, ncand)

    dcp1 = pltpu.async_copy(d_hbm.at[idx_v.at[pl.ds(0, K // 2)]], rowsa_v, sem)
    dcp2 = pltpu.async_copy(d_hbm.at[idx_v.at[pl.ds(K // 2, K // 2)]],
                            rowsb_v, semb)

    for q in range(K // LANES):
        plsc.store_scatter(codes_v, [idx_v[pl.ds(q * LANES, LANES)]],
                           val_v[pl.ds(q * LANES, LANES)])
    ccp = pltpu.async_copy(codes_v, codes_hbm.at[b], semc)

    @plsc.parallel_loop(0, DM // LANES, 1, unroll=8, carry=jnp.int32(0))
    def _za(c, cr):
        acc_v[pl.ds(c * LANES, LANES)] = z16f
        return cr

    def acc_half(rows_v, kbase):
        def kstep(k, cr):
            vk1 = _splat(val_v, kbase + 2 * k)
            vk2 = _splat(val_v, kbase + 2 * k + 1)

            @plsc.parallel_loop(0, DM // LANES, 1, unroll=8,
                                carry=jnp.int32(0))
            def _fma(c, cr2):
                sl = pl.ds(c * LANES, LANES)
                plsc.addupdate(acc_v.at[sl],
                               vk1 * rows_v[2 * k, sl]
                               + vk2 * rows_v[2 * k + 1, sl])
                return cr2

            return cr

        lax.fori_loop(0, K // 4, kstep, jnp.int32(0))

    dcp1.wait()
    acc_half(rowsa_v, 0)
    dcp2.wait()
    acc_half(rowsb_v, K // 2)
    pltpu.sync_copy(acc_v, recon_hbm.at[b])
    ccp.wait()


def _sc_decode(pre, tcf, cmax, d):
    mesh = plsc.VectorSubcoreMesh(core_axis_name="c", subcore_axis_name="s")
    fn = pl.kernel(
        _sc_body,
        out_type=[
            jax.ShapeDtypeStruct((BT, NF), jnp.float32),
            jax.ShapeDtypeStruct((BT, DM), jnp.float32),
        ],
        mesh=mesh,
        scratch_types=[
            pltpu.VMEM((NF,), jnp.float32),
            pltpu.VMEM((NF,), jnp.float32),
            pltpu.VMEM((NCK,), jnp.float32),
            pltpu.VMEM((LANES,), jnp.float32),
            pltpu.VMEM((NCK + LANES,), jnp.int32),
            pltpu.VMEM((FP * LANES + LANES,), jnp.float32),
            pltpu.VMEM((K + LANES,), jnp.int32),
            pltpu.VMEM((K + LANES,), jnp.float32),
            pltpu.VMEM((K // 2, DM), jnp.float32),
            pltpu.VMEM((K // 2, DM), jnp.float32),
            pltpu.VMEM((DM,), jnp.float32),
            pltpu.SemaphoreType.DMA,
            pltpu.SemaphoreType.DMA,
            pltpu.SemaphoreType.DMA,
        ],
        compiler_params=pltpu.CompilerParams(needs_layout_passes=False),
    )
    return fn(pre, tcf, cmax, d)


def kernel(x, W_enc, b_enc, D):
    pre, tcf, cmax = _encode_select(x, W_enc, b_enc)
    codes, recon = _sc_decode(pre, tcf, cmax, D)
    return (recon, codes, pre)

# --- scband reference (transcript-rebuilt; emitter-appended) ---
"""Pipeline reference for scband-standard-sae-27745488732933 (READ-ONLY COPY).

The authoritative reference and input builder live on the scoring server;
editing this copy changes nothing except your own understanding.
"""

import jax, jax.numpy as jnp
import numpy as np

D_MODEL = 768
N_FEATURES = 32768
TOP_K = 64
BATCH = 32


def setup_inputs(seed: int = 0) -> dict:
    key = jax.random.key(seed)
    k1, k2, k3 = jax.random.split(key, 3)
    x = jax.random.normal(k1, (BATCH, D_MODEL), dtype=jnp.float32)
    # encoder Linear(d_model -> n_features): weight [n_features, d_model], kaiming-uniform-like scale
    bound = float(np.sqrt(6.0 / D_MODEL))
    W_enc = jax.random.uniform(k2, (N_FEATURES, D_MODEL), dtype=jnp.float32, minval=-bound, maxval=bound)
    b_enc = jnp.zeros((N_FEATURES,), dtype=jnp.float32)
    # dictionary [n_features, d_model], unit-norm rows
    D_raw = jax.random.uniform(k3, (N_FEATURES, D_MODEL), dtype=jnp.float32, minval=-bound, maxval=bound)
    D = D_raw / (jnp.linalg.norm(D_raw, axis=-1, keepdims=True) + 1e-12)
    return {"x": x, "W_enc": W_enc, "b_enc": b_enc, "D": D}


def reference(x, W_enc, b_enc, D):
    # Encode: pre_codes = Linear(x)
    pre_codes = x @ W_enc.T + b_enc
    # TopK masking: keep top_k activations per row, zero the rest
    topk_vals, topk_idx = jax.lax.top_k(pre_codes, TOP_K)
    rows = jnp.arange(pre_codes.shape[0])[:, None]
    codes = jnp.zeros_like(pre_codes).at[rows, topk_idx].set(topk_vals)
    # Decode: x_hat = codes @ D
    reconstruction = codes @ D
    return (reconstruction, codes, pre_codes)

if __name__ == "__main__":
    import jax
    _d = setup_inputs()
    print(jax.jit(kernel)(*tuple(_d.values())))

</pallas_src>

<mosaic_0001>
#map = affine_map<(d0, d1) -> (0, 0)>
module attributes {stable_mosaic.version = 14 : i64} {
  func.func @_sc_body(%arg0: i32, %arg1: i32, %arg2: memref<32x32768xf32, #tpu.memory_space<hbm>>, %arg3: memref<32x128xf32, #tpu.memory_space<hbm>>, %arg4: memref<32x2048xf32, #tpu.memory_space<hbm>>, %arg5: memref<32768x768xf32, #tpu.memory_space<hbm>>, %arg6: memref<32x32768xf32, #tpu.memory_space<hbm>>, %arg7: memref<32x768xf32, #tpu.memory_space<hbm>>, %arg8: memref<32768xf32, #tpu.memory_space<vmem>>, %arg9: memref<32768xf32, #tpu.memory_space<vmem>>, %arg10: memref<2048xf32, #tpu.memory_space<vmem>>, %arg11: memref<16xf32, #tpu.memory_space<vmem>>, %arg12: memref<2064xi32, #tpu.memory_space<vmem>>, %arg13: memref<2064xf32, #tpu.memory_space<vmem>>, %arg14: memref<80xi32, #tpu.memory_space<vmem>>, %arg15: memref<80xf32, #tpu.memory_space<vmem>>, %arg16: memref<32x768xf32, #tpu.memory_space<vmem>>, %arg17: memref<32x768xf32, #tpu.memory_space<vmem>>, %arg18: memref<768xf32, #tpu.memory_space<vmem>>, %arg19: memref<!tpu.dma_semaphore, #tpu.memory_space<semaphore_mem>>, %arg20: memref<!tpu.dma_semaphore, #tpu.memory_space<semaphore_mem>>, %arg21: memref<!tpu.dma_semaphore, #tpu.memory_space<semaphore_mem>>) attributes {dimension_semantics = [#tpu.dimension_semantics<core_parallel>, #tpu.dimension_semantics<subcore_parallel>], iteration_bounds = array<i64: 2, 16>, scalar_prefetch = 0 : i64, scratch_operands = 14 : i64, tpu.core_type = #tpu.core_type<sc_vector_subcore>, window_params = [{transform_indices = #map}, {transform_indices = #map}, {transform_indices = #map}, {transform_indices = #map}, {transform_indices = #map}, {transform_indices = #map}]} {
    %mul3A = arith.constant 2 : i32
    %mul3A_0 = arith.muli %arg1, %mul3A : i32
    %add3A = arith.addi %mul3A_0, %arg0 : i32
    %dma_start3A = arith.constant 0 : i32
    %dma_start3A_1 = tpu.memref_slice %arg2[%add3A, %dma_start3A] : memref<32x32768xf32, #tpu.memory_space<hbm>> -> memref<1x32768xf32, #tpu.memory_space<hbm>>
    %dma_start3A_2 = tpu.memref_squeeze %dma_start3A_1 : memref<1x32768xf32, #tpu.memory_space<hbm>> -> memref<32768xf32, #tpu.memory_space<hbm>>
    %dma_start3A_3 = arith.constant 0 : i32
    %dma_start3A_4 = tpu.memref_slice %arg2[%add3A, %dma_start3A_3] : memref<32x32768xf32, #tpu.memory_space<hbm>> -> memref<1x32768xf32, #tpu.memory_space<hbm>>
    %dma_start3A_5 = tpu.memref_squeeze %dma_start3A_4 : memref<1x32768xf32, #tpu.memory_space<hbm>> -> memref<32768xf32, #tpu.memory_space<hbm>>
    tpu.enqueue_dma source(%dma_start3A_5 : memref<32768xf32, #tpu.memory_space<hbm>>) target(%arg8 : memref<32768xf32, #tpu.memory_space<vmem>>) target_semaphore(%arg20 : memref<!tpu.dma_semaphore, #tpu.memory_space<semaphore_mem>>)
    "tpu.region"() ({
      %run_scoped3A = tpu.sem_alloc : memref<!tpu.dma_semaphore, #tpu.memory_space<semaphore_mem>>
      %dma_start3A_103 = arith.constant 0 : i32
      %dma_start3A_104 = tpu.memref_slice %arg3[%add3A, %dma_start3A_103] : memref<32x128xf32, #tpu.memory_space<hbm>> -> memref<1x16xf32, #tpu.memory_space<hbm>>
      %dma_start3A_105 = tpu.memref_squeeze %dma_start3A_104 : memref<1x16xf32, #tpu.memory_space<hbm>> -> memref<16xf32, #tpu.memory_space<hbm>>
      %dma_start3A_106 = arith.constant 0 : i32
      %dma_start3A_107 = tpu.memref_slice %arg3[%add3A, %dma_start3A_106] : memref<32x128xf32, #tpu.memory_space<hbm>> -> memref<1x16xf32, #tpu.memory_space<hbm>>
      %dma_start3A_108 = tpu.memref_squeeze %dma_start3A_107 : memref<1x16xf32, #tpu.memory_space<hbm>> -> memref<16xf32, #tpu.memory_space<hbm>>
      tpu.enqueue_dma source(%dma_start3A_108 : memref<16xf32, #tpu.memory_space<hbm>>) target(%arg11 : memref<16xf32, #tpu.memory_space<vmem>>) target_semaphore(%run_scoped3A : memref<!tpu.dma_semaphore, #tpu.memory_space<semaphore_mem>>)
      %dma_wait3A_109 = arith.constant 0 : i32
      %dma_wait3A_110 = tpu.memref_slice %arg3[%add3A, %dma_wait3A_109] : memref<32x128xf32, #tpu.memory_space<hbm>> -> memref<1x16xf32, #tpu.memory_space<hbm>>
      %dma_wait3A_111 = tpu.memref_squeeze %dma_wait3A_110 : memref<1x16xf32, #tpu.memory_space<hbm>> -> memref<16xf32, #tpu.memory_space<hbm>>
      %dma_wait3A_112 = arith.constant 0 : i32
      %dma_wait3A_113 = tpu.memref_slice %arg3[%add3A, %dma_wait3A_112] : memref<32x128xf32, #tpu.memory_space<hbm>> -> memref<1x16xf32, #tpu.memory_space<hbm>>
      %dma_wait3A_114 = tpu.memref_squeeze %dma_wait3A_113 : memref<1x16xf32, #tpu.memory_space<hbm>> -> memref<16xf32, #tpu.memory_space<hbm>>
      tpu.wait_dma2 semaphore(%run_scoped3A : memref<!tpu.dma_semaphore, #tpu.memory_space<semaphore_mem>>) src(%dma_wait3A_114 : memref<16xf32, #tpu.memory_space<hbm>>) dst(%arg11 : memref<16xf32, #tpu.memory_space<vmem>>)
      tpu.yield
    }) : () -> ()
    "tpu.region"() ({
      %run_scoped3A = tpu.sem_alloc : memref<!tpu.dma_semaphore, #tpu.memory_space<semaphore_mem>>
      %dma_start3A_103 = arith.constant 0 : i32
      %dma_start3A_104 = tpu.memref_slice %arg4[%add3A, %dma_start3A_103] : memref<32x2048xf32, #tpu.memory_space<hbm>> -> memref<1x2048xf32, #tpu.memory_space<hbm>>
      %dma_start3A_105 = tpu.memref_squeeze %dma_start3A_104 : memref<1x2048xf32, #tpu.memory_space<hbm>> -> memref<2048xf32, #tpu.memory_space<hbm>>
      %dma_start3A_106 = arith.constant 0 : i32
      %dma_start3A_107 = tpu.memref_slice %arg4[%add3A, %dma_start3A_106] : memref<32x2048xf32, #tpu.memory_space<hbm>> -> memref<1x2048xf32, #tpu.memory_space<hbm>>
      %dma_start3A_108 = tpu.memref_squeeze %dma_start3A_107 : memref<1x2048xf32, #tpu.memory_space<hbm>> -> memref<2048xf32, #tpu.memory_space<hbm>>
      tpu.enqueue_dma source(%dma_start3A_108 : memref<2048xf32, #tpu.memory_space<hbm>>) target(%arg10 : memref<2048xf32, #tpu.memory_space<vmem>>) target_semaphore(%run_scoped3A : memref<!tpu.dma_semaphore, #tpu.memory_space<semaphore_mem>>)
      %dma_wait3A_109 = arith.constant 0 : i32
      %dma_wait3A_110 = tpu.memref_slice %arg4[%add3A, %dma_wait3A_109] : memref<32x2048xf32, #tpu.memory_space<hbm>> -> memref<1x2048xf32, #tpu.memory_space<hbm>>
      %dma_wait3A_111 = tpu.memref_squeeze %dma_wait3A_110 : memref<1x2048xf32, #tpu.memory_space<hbm>> -> memref<2048xf32, #tpu.memory_space<hbm>>
      %dma_wait3A_112 = arith.constant 0 : i32
      %dma_wait3A_113 = tpu.memref_slice %arg4[%add3A, %dma_wait3A_112] : memref<32x2048xf32, #tpu.memory_space<hbm>> -> memref<1x2048xf32, #tpu.memory_space<hbm>>
      %dma_wait3A_114 = tpu.memref_squeeze %dma_wait3A_113 : memref<1x2048xf32, #tpu.memory_space<hbm>> -> memref<2048xf32, #tpu.memory_space<hbm>>
      tpu.wait_dma2 semaphore(%run_scoped3A : memref<!tpu.dma_semaphore, #tpu.memory_space<semaphore_mem>>) src(%dma_wait3A_114 : memref<2048xf32, #tpu.memory_space<hbm>>) dst(%arg10 : memref<2048xf32, #tpu.memory_space<vmem>>)
      tpu.yield
    }) : () -> ()
    %get3A = arith.constant 0 : index
    %get3A_6 = tpu.vector_load %arg11[%get3A] {strides = array<i32>} : memref<16xf32, #tpu.memory_space<vmem>>, vector<16xf32>,
    %iota3A = tpu.iota {dimensions = array<i32: 0>} : vector<16xi32>
    %broadcast_in_dim3A = arith.constant 0 : i32
    %broadcast_in_dim3A_7 = vector.broadcast %broadcast_in_dim3A : i32 to vector<16xi32>
    %broadcast_in_dim3A_8 = arith.constant 0.000000e+00 : f32
    %broadcast_in_dim3A_9 = vector.broadcast %broadcast_in_dim3A_8 : f32 to vector<16xf32>
    %broadcast_in_dim3A_10 = arith.constant -2147483648 : i32
    %broadcast_in_dim3A_11 = vector.broadcast %broadcast_in_dim3A_10 : i32 to vector<16xi32>
    %bitcast3A = vector.bitcast %broadcast_in_dim3A_11 : vector<16xi32> to vector<16xf32>
    %swap3A = arith.constant 64 : index
    %swap3A_12 = tpu.vector_load %arg14[%swap3A] {strides = array<i32>} : memref<80xi32, #tpu.memory_space<vmem>>, vector<16xi32>,
    tpu.vector_store %arg14[%swap3A], %broadcast_in_dim3A_7 {strides = array<i32>} : memref<80xi32, #tpu.memory_space<vmem>>, vector<16xi32>,
    %parallel_loop3A = arith.constant 0 : i32
    %parallel_loop3A_13 = arith.constant 2048 : i32
    %parallel_loop3A_14 = arith.constant 1 : i32
    %parallel_loop3A_15 = arith.constant 0 : i32
    %parallel_loop3A_16 = scf.for %parallel_loop3A_103 = %parallel_loop3A to %parallel_loop3A_13 step %parallel_loop3A_14 iter_args(%parallel_loop3A_104 = %parallel_loop3A_15) -> (i32)  : i32 {
      %parallel_loop3A_105 = arith.constant 16 : i32
      %parallel_loop3A_106 = arith.muli %parallel_loop3A_103, %parallel_loop3A_105 : i32
      %parallel_loop3A_107 = arith.index_cast %parallel_loop3A_106 : i32 to index
      %parallel_loop3A_108 = tpu.vector_load %arg9[%parallel_loop3A_107] {strides = array<i32>} : memref<32768xf32, #tpu.memory_space<vmem>>, vector<16xf32>,
      tpu.vector_store %arg9[%parallel_loop3A_107], %broadcast_in_dim3A_9 {strides = array<i32>} : memref<32768xf32, #tpu.memory_space<vmem>>, vector<16xf32>,
      scf.yield %parallel_loop3A_104 : i32
    } {sc.loop_unroll_factor = 8 : i64, sc.parallel_access}
    %scan3A = arith.constant 0 : i32
    %scan3A_17 = arith.constant 0 : i32
    %scan3A_18 = arith.constant 128 : i32
    %scan3A_19 = arith.addi %scan3A_17, %scan3A_18 : i32
    %scan3A_20 = arith.constant 1 : i32
    %scan3A_21 = scf.for %scan3A_103 = %scan3A_17 to %scan3A_19 step %scan3A_20 iter_args(%scan3A_104 = %scan3A) -> (i32)  : i32 {
      %mul3A_105 = arith.constant 16 : i32
      %mul3A_106 = arith.muli %scan3A_103, %mul3A_105 : i32
      %get3A_107 = arith.index_cast %mul3A_106 : i32 to index
      %get3A_108 = tpu.vector_load %arg10[%get3A_107] {strides = array<i32>} : memref<2048xf32, #tpu.memory_space<vmem>>, vector<16xf32>,
      %ge3A = arith.cmpf oge, %get3A_108, %get3A_6 : vector<16xf32>
      %mul3A_109 = arith.constant 16 : i32
      %mul3A_110 = arith.muli %scan3A_103, %mul3A_109 : i32
      %add3A_111 = vector.broadcast %mul3A_110 : i32 to vector<16xi32>
      %add3A_112 = arith.addi %add3A_111, %iota3A : vector<16xi32>
      %swap3A_113 = arith.index_cast %scan3A_104 : i32 to index
      %swap3A_114 = tpu.vector_load %arg12[%swap3A_113] masked %ge3A {strides = array<i32>} : memref<2064xi32, #tpu.memory_space<vmem>>, vector<16xi32>, vector<16xi1>
      tpu.vector_store %arg12[%swap3A_113], %add3A_112 masked %ge3A {strides = array<i32>} : memref<2064xi32, #tpu.memory_space<vmem>>, vector<16xi32>, vector<16xi1>
      %all_reduce_population_count3A = tpu.all_reduce %ge3A {dim = 0 : i64, kind = #tpu.reduction_kind<sum>} : vector<16xi1> -> vector<16xi32>
      %slice3A_115 = vector.extract_strided_slice %all_reduce_population_count3A {offsets = [0], sizes = [1], strides = [1]} : vector<16xi32> to vector<1xi32>
      %squeeze3A_116 = vector.extract %slice3A_115[0] : i32 from vector<1xi32>
      %add3A_117 = arith.addi %scan3A_104, %squeeze3A_116 : i32
      scf.yield %add3A_117 : i32
    }
    %scan3A_22 = arith.constant 128 : i32
    %le3A = arith.constant 128 : i32
    %le3A_23 = arith.cmpi sle, %scan3A_21, %le3A : i32
    %dma_wait3A = arith.constant 0 : i32
    %dma_wait3A_24 = tpu.memref_slice %arg2[%add3A, %dma_wait3A] : memref<32x32768xf32, #tpu.memory_space<hbm>> -> memref<1x32768xf32, #tpu.memory_space<hbm>>
    %dma_wait3A_25 = tpu.memref_squeeze %dma_wait3A_24 : memref<1x32768xf32, #tpu.memory_space<hbm>> -> memref<32768xf32, #tpu.memory_space<hbm>>
    %dma_wait3A_26 = arith.constant 0 : i32
    %dma_wait3A_27 = tpu.memref_slice %arg2[%add3A, %dma_wait3A_26] : memref<32x32768xf32, #tpu.memory_space<hbm>> -> memref<1x32768xf32, #tpu.memory_space<hbm>>
    %dma_wait3A_28 = tpu.memref_squeeze %dma_wait3A_27 : memref<1x32768xf32, #tpu.memory_space<hbm>> -> memref<32768xf32, #tpu.memory_space<hbm>>
    tpu.wait_dma2 semaphore(%arg20 : memref<!tpu.dma_semaphore, #tpu.memory_space<semaphore_mem>>) src(%dma_wait3A_28 : memref<32768xf32, #tpu.memory_space<hbm>>) dst(%arg8 : memref<32768xf32, #tpu.memory_space<vmem>>)
    %bitcast_convert_type3A = tpu.bitcast %get3A_6 : vector<16xf32> -> vector<16xi32>
    %shift_right_arithmetic3A = arith.constant 31 : i32
    %shift_right_arithmetic3A_29 = vector.broadcast %shift_right_arithmetic3A : i32 to vector<16xi32>
    %shift_right_arithmetic3A_30 = arith.shrsi %bitcast_convert_type3A, %shift_right_arithmetic3A_29 : vector<16xi32>
    %and3A = arith.constant 2147483647 : i32
    %and3A_31 = vector.broadcast %and3A : i32 to vector<16xi32>
    %and3A_32 = arith.andi %shift_right_arithmetic3A_30, %and3A_31 : vector<16xi32>
    %xor3A = arith.xori %bitcast_convert_type3A, %and3A_32 : vector<16xi32>
    %slice3A = vector.extract_strided_slice %xor3A {offsets = [0], sizes = [1], strides = [1]} : vector<16xi32> to vector<1xi32>
    %squeeze3A = vector.extract %slice3A[0] : i32 from vector<1xi32>
    %convert_element_type3A = arith.extui %le3A_23 : i1 to i32
    %cond3A = arith.constant 0 : i32
    %cond3A_33 = arith.cmpi ne, %convert_element_type3A, %cond3A : i32
    scf.if %cond3A_33 {
      %while3A = arith.constant 0 : i32
      %while3A_103 = arith.constant 0 : i32
      %while3A_104 = arith.subi %scan3A_21, %while3A_103 : i32
      %while3A_105 = arith.addi %while3A_103, %while3A_104 : i32
      %while3A_106 = arith.constant 1 : i32
      %while3A_107 = arith.divsi %while3A_104, %while3A_106 : i32
      %while3A_108 = arith.muli %while3A_107, %while3A_106 : i32
      %while3A_109 = arith.addi %while3A_103, %while3A_108 : i32
      %while3A_110 = arith.constant 1 : i32
      scf.for %while3A_148 = %while3A_103 to %while3A_109 step %while3A_110  : i32 {
        %broadcast_in_dim3A_149 = vector.broadcast %while3A_148 : i32 to vector<16xi32>
        %gather3A = tpu.vector_load_idx %arg12[%broadcast_in_dim3A_149] : memref<2064xi32, #tpu.memory_space<vmem>>[vector<16xi32>], vector<16xi32>,
        %mul3A_150 = arith.constant 2048 : i32
        %mul3A_151 = vector.broadcast %mul3A_150 : i32 to vector<16xi32>
        %mul3A_152 = arith.muli %mul3A_151, %iota3A : vector<16xi32>
        %add3A_153 = arith.addi %gather3A, %mul3A_152 : vector<16xi32>
        %gather3A_154 = tpu.vector_load_idx %arg8[%add3A_153] : memref<32768xf32, #tpu.memory_space<vmem>>[vector<16xi32>], vector<16xf32>,
        %bitcast_convert_type3A_155 = tpu.bitcast %gather3A_154 : vector<16xf32> -> vector<16xi32>
        %shift_right_arithmetic3A_156 = arith.constant 31 : i32
        %shift_right_arithmetic3A_157 = vector.broadcast %shift_right_arithmetic3A_156 : i32 to vector<16xi32>
        %shift_right_arithmetic3A_158 = arith.shrsi %bitcast_convert_type3A_155, %shift_right_arithmetic3A_157 : vector<16xi32>
        %and3A_159 = arith.constant 2147483647 : i32
        %and3A_160 = vector.broadcast %and3A_159 : i32 to vector<16xi32>
        %and3A_161 = arith.andi %shift_right_arithmetic3A_158, %and3A_160 : vector<16xi32>
        %xor3A_162 = arith.xori %bitcast_convert_type3A_155, %and3A_161 : vector<16xi32>
        %bitcast3A_163 = vector.bitcast %xor3A_162 : vector<16xi32> to vector<16xf32>
        %mul3A_164 = arith.constant 16 : i32
        %mul3A_165 = arith.muli %while3A_148, %mul3A_164 : i32
        %swap3A_166 = arith.index_cast %mul3A_165 : i32 to index
        %swap3A_167 = tpu.vector_load %arg13[%swap3A_166] {strides = array<i32>} : memref<2064xf32, #tpu.memory_space<vmem>>, vector<16xf32>,
        tpu.vector_store %arg13[%swap3A_166], %bitcast3A_163 {strides = array<i32>} : memref<2064xf32, #tpu.memory_space<vmem>>, vector<16xf32>,
      }
      %while3A_111 = arith.constant 1 : i32
      scf.for %while3A_148 = %while3A_109 to %while3A_105 step %while3A_111  : i32 {
        %broadcast_in_dim3A_149 = vector.broadcast %while3A_148 : i32 to vector<16xi32>
        %gather3A = tpu.vector_load_idx %arg12[%broadcast_in_dim3A_149] : memref<2064xi32, #tpu.memory_space<vmem>>[vector<16xi32>], vector<16xi32>,
        %mul3A_150 = arith.constant 2048 : i32
        %mul3A_151 = vector.broadcast %mul3A_150 : i32 to vector<16xi32>
        %mul3A_152 = arith.muli %mul3A_151, %iota3A : vector<16xi32>
        %add3A_153 = arith.addi %gather3A, %mul3A_152 : vector<16xi32>
        %gather3A_154 = tpu.vector_load_idx %arg8[%add3A_153] : memref<32768xf32, #tpu.memory_space<vmem>>[vector<16xi32>], vector<16xf32>,
        %bitcast_convert_type3A_155 = tpu.bitcast %gather3A_154 : vector<16xf32> -> vector<16xi32>
        %shift_right_arithmetic3A_156 = arith.constant 31 : i32
        %shift_right_arithmetic3A_157 = vector.broadcast %shift_right_arithmetic3A_156 : i32 to vector<16xi32>
        %shift_right_arithmetic3A_158 = arith.shrsi %bitcast_convert_type3A_155, %shift_right_arithmetic3A_157 : vector<16xi32>
        %and3A_159 = arith.constant 2147483647 : i32
        %and3A_160 = vector.broadcast %and3A_159 : i32 to vector<16xi32>
        %and3A_161 = arith.andi %shift_right_arithmetic3A_158, %and3A_160 : vector<16xi32>
        %xor3A_162 = arith.xori %bitcast_convert_type3A_155, %and3A_161 : vector<16xi32>
        %bitcast3A_163 = vector.bitcast %xor3A_162 : vector<16xi32> to vector<16xf32>
        %mul3A_164 = arith.constant 16 : i32
        %mul3A_165 = arith.muli %while3A_148, %mul3A_164 : i32
        %swap3A_166 = arith.index_cast %mul3A_165 : i32 to index
        %swap3A_167 = tpu.vector_load %arg13[%swap3A_166] {strides = array<i32>} : memref<2064xf32, #tpu.memory_space<vmem>>, vector<16xf32>,
        tpu.vector_store %arg13[%swap3A_166], %bitcast3A_163 {strides = array<i32>} : memref<2064xf32, #tpu.memory_space<vmem>>, vector<16xf32>,
      }
      %while3A_112 = arith.constant 0 : i32
      %while3A_113 = arith.constant 128 : i32
      %while3A_114 = arith.subi %while3A_113, %scan3A_21 : i32
      %while3A_115 = arith.addi %scan3A_21, %while3A_114 : i32
      %while3A_116 = arith.constant 1 : i32
      %while3A_117 = arith.divsi %while3A_114, %while3A_116 : i32
      %while3A_118 = arith.muli %while3A_117, %while3A_116 : i32
      %while3A_119 = arith.addi %scan3A_21, %while3A_118 : i32
      %while3A_120 = arith.constant 1 : i32
      scf.for %while3A_148 = %scan3A_21 to %while3A_119 step %while3A_120  : i32 {
        %mul3A_149 = arith.constant 16 : i32
        %mul3A_150 = arith.muli %while3A_148, %mul3A_149 : i32
        %swap3A_151 = arith.index_cast %mul3A_150 : i32 to index
        %swap3A_152 = tpu.vector_load %arg13[%swap3A_151] {strides = array<i32>} : memref<2064xf32, #tpu.memory_space<vmem>>, vector<16xf32>,
        tpu.vector_store %arg13[%swap3A_151], %bitcast3A {strides = array<i32>} : memref<2064xf32, #tpu.memory_space<vmem>>, vector<16xf32>,
      }
      %while3A_121 = arith.constant 1 : i32
      scf.for %while3A_148 = %while3A_119 to %while3A_115 step %while3A_121  : i32 {
        %mul3A_149 = arith.constant 16 : i32
        %mul3A_150 = arith.muli %while3A_148, %mul3A_149 : i32
        %swap3A_151 = arith.index_cast %mul3A_150 : i32 to index
        %swap3A_152 = tpu.vector_load %arg13[%swap3A_151] {strides = array<i32>} : memref<2064xf32, #tpu.memory_space<vmem>>, vector<16xf32>,
        tpu.vector_store %arg13[%swap3A_151], %bitcast3A {strides = array<i32>} : memref<2064xf32, #tpu.memory_space<vmem>>, vector<16xf32>,
      }
      %scan3A_122 = arith.constant 0 : i32
      %scan3A_123 = arith.constant 0 : i32
      %scan3A_124 = arith.constant 32 : i32
      %scan3A_125 = arith.addi %scan3A_123, %scan3A_124 : i32
      %scan3A_126 = arith.constant 1 : i32
      %scan3A_127 = scf.for %scan3A_148 = %scan3A_123 to %scan3A_125 step %scan3A_126 iter_args(%scan3A_149 = %scan3A_122) -> (i32)  : i32 {
        %sub3A_150 = arith.constant 31 : i32
        %sub3A_151 = arith.subi %sub3A_150, %scan3A_148 : i32
        %shift_left3A = arith.constant 1 : i32
        %shift_left3A_152 = arith.shli %shift_left3A, %sub3A_151 : i32
        %or3A = arith.ori %scan3A_149, %shift_left3A_152 : i32
        %xor3A_153 = arith.constant -2147483648 : i32
        %xor3A_154 = arith.xori %or3A, %xor3A_153 : i32
        %le3A_155 = arith.cmpi sle, %xor3A_154, %squeeze3A : i32
        %convert_element_type3A_156 = arith.extui %le3A_155 : i1 to i32
        %cond3A_157 = arith.constant 0 : i32
        %cond3A_158 = arith.cmpi ne, %convert_element_type3A_156, %cond3A_157 : i32
        %cond3A_159 = scf.if %cond3A_158 -> (i32) {
          %cond3A_161 = arith.constant 64 : i32
          scf.yield %cond3A_161 : i32
        } else {
          %parallel_loop3A_161 = arith.constant 0 : i32
          %parallel_loop3A_162 = arith.constant 128 : i32
          %parallel_loop3A_163 = arith.constant 1 : i32
          %parallel_loop3A_164 = arith.constant 0 : i32
          %parallel_loop3A_165 = scf.for %parallel_loop3A_166 = %parallel_loop3A_161 to %parallel_loop3A_162 step %parallel_loop3A_163 iter_args(%parallel_loop3A_167 = %parallel_loop3A_164) -> (i32)  : i32 {
            %parallel_loop3A_168 = arith.constant 16 : i32
            %parallel_loop3A_169 = arith.muli %parallel_loop3A_166, %parallel_loop3A_168 : i32
            %parallel_loop3A_170 = arith.index_cast %parallel_loop3A_169 : i32 to index
            %parallel_loop3A_171 = tpu.vector_load %arg13[%parallel_loop3A_170] {strides = array<i32>} : memref<2064xf32, #tpu.memory_space<vmem>>, vector<16xf32>,
            %parallel_loop3A_172 = vector.bitcast %parallel_loop3A_171 : vector<16xf32> to vector<16xi32>
            %parallel_loop3A_173 = vector.broadcast %xor3A_154 : i32 to vector<16xi32>
            %parallel_loop3A_174 = arith.cmpi sge, %parallel_loop3A_172, %parallel_loop3A_173 : vector<16xi32>
            %parallel_loop3A_175 = tpu.all_reduce %parallel_loop3A_174 {dim = 0 : i64, kind = #tpu.reduction_kind<sum>} : vector<16xi1> -> vector<16xi32>
            %parallel_loop3A_176 = vector.extract_strided_slice %parallel_loop3A_175 {offsets = [0], sizes = [1], strides = [1]} : vector<16xi32> to vector<1xi32>
            %parallel_loop3A_177 = vector.extract %parallel_loop3A_176[0] : i32 from vector<1xi32>
            %parallel_loop3A_178 = arith.addi %parallel_loop3A_167, %parallel_loop3A_177 : i32
            scf.yield %parallel_loop3A_178 : i32
          } {sc.loop_unroll_factor = 8 : i64, sc.parallel_access}
          scf.yield %parallel_loop3A_165 : i32
        }
        %ge3A = arith.constant 64 : i32
        %ge3A_160 = arith.cmpi sge, %cond3A_159, %ge3A : i32
        %select_n3A = arith.select %ge3A_160, %or3A, %scan3A_149 : i32
        scf.yield %select_n3A : i32
      }
      %scan3A_128 = arith.constant 32 : i32
      %xor3A_129 = arith.constant -2147483648 : i32
      %xor3A_130 = arith.xori %scan3A_127, %xor3A_129 : i32
      %parallel_loop3A_131 = arith.constant 0 : i32
      %parallel_loop3A_132 = arith.constant 128 : i32
      %parallel_loop3A_133 = arith.constant 1 : i32
      %parallel_loop3A_134 = arith.constant 0 : i32
      %parallel_loop3A_135 = arith.constant 0 : i32
      %parallel_loop3A_136:2 = scf.for %parallel_loop3A_148 = %parallel_loop3A_131 to %parallel_loop3A_132 step %parallel_loop3A_133 iter_args(%parallel_loop3A_149 = %parallel_loop3A_134, %parallel_loop3A_150 = %parallel_loop3A_135) -> (i32, i32)  : i32 {
        %parallel_loop3A_151 = arith.constant 16 : i32
        %parallel_loop3A_152 = arith.muli %parallel_loop3A_148, %parallel_loop3A_151 : i32
        %parallel_loop3A_153 = arith.index_cast %parallel_loop3A_152 : i32 to index
        %parallel_loop3A_154 = tpu.vector_load %arg13[%parallel_loop3A_153] {strides = array<i32>} : memref<2064xf32, #tpu.memory_space<vmem>>, vector<16xf32>,
        %parallel_loop3A_155 = vector.bitcast %parallel_loop3A_154 : vector<16xf32> to vector<16xi32>
        %parallel_loop3A_156 = vector.broadcast %xor3A_130 : i32 to vector<16xi32>
        %parallel_loop3A_157 = arith.cmpi sge, %parallel_loop3A_155, %parallel_loop3A_156 : vector<16xi32>
        %parallel_loop3A_158 = tpu.all_reduce %parallel_loop3A_157 {dim = 0 : i64, kind = #tpu.reduction_kind<sum>} : vector<16xi1> -> vector<16xi32>
        %parallel_loop3A_159 = vector.extract_strided_slice %parallel_loop3A_158 {offsets = [0], sizes = [1], strides = [1]} : vector<16xi32> to vector<1xi32>
        %parallel_loop3A_160 = vector.extract %parallel_loop3A_159[0] : i32 from vector<1xi32>
        %parallel_loop3A_161 = arith.addi %parallel_loop3A_149, %parallel_loop3A_160 : i32
        %parallel_loop3A_162 = vector.broadcast %xor3A_130 : i32 to vector<16xi32>
        %parallel_loop3A_163 = arith.cmpi sgt, %parallel_loop3A_155, %parallel_loop3A_162 : vector<16xi32>
        %parallel_loop3A_164 = tpu.all_reduce %parallel_loop3A_163 {dim = 0 : i64, kind = #tpu.reduction_kind<sum>} : vector<16xi1> -> vector<16xi32>
        %parallel_loop3A_165 = vector.extract_strided_slice %parallel_loop3A_164 {offsets = [0], sizes = [1], strides = [1]} : vector<16xi32> to vector<1xi32>
        %parallel_loop3A_166 = vector.extract %parallel_loop3A_165[0] : i32 from vector<1xi32>
        %parallel_loop3A_167 = arith.addi %parallel_loop3A_150, %parallel_loop3A_166 : i32
        scf.yield %parallel_loop3A_161, %parallel_loop3A_167 : i32, i32
      } {sc.loop_unroll_factor = 8 : i64, sc.parallel_access}
      %sub3A = arith.subi %parallel_loop3A_136#0, %parallel_loop3A_136#1 : i32
      %sub3A_137 = arith.constant 64 : i32
      %sub3A_138 = arith.subi %sub3A_137, %parallel_loop3A_136#1 : i32
      %broadcast_in_dim3A_139 = vector.broadcast %xor3A_130 : i32 to vector<16xi32>
      %eq3A = arith.cmpi eq, %sub3A, %sub3A_138 : i32
      %convert_element_type3A_140 = arith.extui %eq3A : i1 to i32
      %cond3A_141 = arith.constant 128 : i32
      %cond3A_142 = arith.constant 0 : i32
      %cond3A_143 = arith.cmpi ne, %convert_element_type3A_140, %cond3A_142 : i32
      scf.if %cond3A_143 {
        %while3A_148 = arith.constant 0 : i32
        %while3A_149 = arith.constant 0 : i32
        %while3A_150 = arith.subi %cond3A_141, %while3A_148 : i32
        %while3A_151 = arith.addi %while3A_148, %while3A_150 : i32
        %while3A_152 = arith.constant 1 : i32
        %while3A_153 = arith.divsi %while3A_150, %while3A_152 : i32
        %while3A_154 = arith.muli %while3A_153, %while3A_152 : i32
        %while3A_155 = arith.addi %while3A_148, %while3A_154 : i32
        %while3A_156 = arith.constant 1 : i32
        %while3A_157 = scf.for %while3A_160 = %while3A_148 to %while3A_155 step %while3A_156 iter_args(%while3A_161 = %while3A_149) -> (i32)  : i32 {
          %mul3A_162 = arith.constant 16 : i32
          %mul3A_163 = arith.muli %while3A_160, %mul3A_162 : i32
          %get3A_164 = arith.index_cast %mul3A_163 : i32 to index
          %get3A_165 = tpu.vector_load %arg13[%get3A_164] {strides = array<i32>} : memref<2064xf32, #tpu.memory_space<vmem>>, vector<16xf32>,
          %bitcast3A_166 = vector.bitcast %get3A_165 : vector<16xf32> to vector<16xi32>
          %ge3A = arith.cmpi sge, %bitcast3A_166, %broadcast_in_dim3A_139 : vector<16xi32>
          %shift_right_arithmetic3A_167 = arith.constant 31 : i32
          %shift_right_arithmetic3A_168 = vector.broadcast %shift_right_arithmetic3A_167 : i32 to vector<16xi32>
          %shift_right_arithmetic3A_169 = arith.shrsi %bitcast3A_166, %shift_right_arithmetic3A_168 : vector<16xi32>
          %and3A_170 = arith.constant 2147483647 : i32
          %and3A_171 = vector.broadcast %and3A_170 : i32 to vector<16xi32>
          %and3A_172 = arith.andi %shift_right_arithmetic3A_169, %and3A_171 : vector<16xi32>
          %xor3A_173 = arith.xori %bitcast3A_166, %and3A_172 : vector<16xi32>
          %bitcast_convert_type3A_174 = tpu.bitcast %xor3A_173 : vector<16xi32> -> vector<16xf32>
          %all_reduce_population_count3A = tpu.all_reduce %ge3A {dim = 0 : i64, kind = #tpu.reduction_kind<sum>} : vector<16xi1> -> vector<16xi32>
          %slice3A_175 = vector.extract_strided_slice %all_reduce_population_count3A {offsets = [0], sizes = [1], strides = [1]} : vector<16xi32> to vector<1xi32>
          %squeeze3A_176 = vector.extract %slice3A_175[0] : i32 from vector<1xi32>
          %gt3A = arith.constant 0 : i32
          %gt3A_177 = arith.cmpi sgt, %squeeze3A_176, %gt3A : i32
          %convert_element_type3A_178 = arith.extui %gt3A_177 : i1 to i32
          %cond3A_179 = arith.constant 0 : i32
          %cond3A_180 = arith.cmpi ne, %convert_element_type3A_178, %cond3A_179 : i32
          scf.if %cond3A_180 {
            %broadcast_in_dim3A_182 = vector.broadcast %while3A_160 : i32 to vector<16xi32>
            %gather3A = tpu.vector_load_idx %arg12[%broadcast_in_dim3A_182] : memref<2064xi32, #tpu.memory_space<vmem>>[vector<16xi32>], vector<16xi32>,
            %mul3A_183 = arith.constant 2048 : i32
            %mul3A_184 = vector.broadcast %mul3A_183 : i32 to vector<16xi32>
            %mul3A_185 = arith.muli %mul3A_184, %iota3A : vector<16xi32>
            %add3A_186 = arith.addi %gather3A, %mul3A_185 : vector<16xi32>
            %swap3A_187 = arith.index_cast %while3A_161 : i32 to index
            %swap3A_188 = tpu.vector_load %arg14[%swap3A_187] masked %ge3A {strides = array<i32>} : memref<80xi32, #tpu.memory_space<vmem>>, vector<16xi32>, vector<16xi1>
            tpu.vector_store %arg14[%swap3A_187], %add3A_186 masked %ge3A {strides = array<i32>} : memref<80xi32, #tpu.memory_space<vmem>>, vector<16xi32>, vector<16xi1>
            %swap3A_189 = arith.index_cast %while3A_161 : i32 to index
            %swap3A_190 = tpu.vector_load %arg15[%swap3A_189] masked %ge3A {strides = array<i32>} : memref<80xf32, #tpu.memory_space<vmem>>, vector<16xf32>, vector<16xi1>
            tpu.vector_store %arg15[%swap3A_189], %bitcast_convert_type3A_174 masked %ge3A {strides = array<i32>} : memref<80xf32, #tpu.memory_space<vmem>>, vector<16xf32>, vector<16xi1>
          } else {
          }
          %add3A_181 = arith.addi %while3A_161, %squeeze3A_176 : i32
          scf.yield %add3A_181 : i32
        }
        %while3A_158 = arith.constant 1 : i32
        %while3A_159 = scf.for %while3A_160 = %while3A_155 to %while3A_151 step %while3A_158 iter_args(%while3A_161 = %while3A_157) -> (i32)  : i32 {
          %mul3A_162 = arith.constant 16 : i32
          %mul3A_163 = arith.muli %while3A_160, %mul3A_162 : i32
          %get3A_164 = arith.index_cast %mul3A_163 : i32 to index
          %get3A_165 = tpu.vector_load %arg13[%get3A_164] {strides = array<i32>} : memref<2064xf32, #tpu.memory_space<vmem>>, vector<16xf32>,
          %bitcast3A_166 = vector.bitcast %get3A_165 : vector<16xf32> to vector<16xi32>
          %ge3A = arith.cmpi sge, %bitcast3A_166, %broadcast_in_dim3A_139 : vector<16xi32>
          %shift_right_arithmetic3A_167 = arith.constant 31 : i32
          %shift_right_arithmetic3A_168 = vector.broadcast %shift_right_arithmetic3A_167 : i32 to vector<16xi32>
          %shift_right_arithmetic3A_169 = arith.shrsi %bitcast3A_166, %shift_right_arithmetic3A_168 : vector<16xi32>
          %and3A_170 = arith.constant 2147483647 : i32
          %and3A_171 = vector.broadcast %and3A_170 : i32 to vector<16xi32>
          %and3A_172 = arith.andi %shift_right_arithmetic3A_169, %and3A_171 : vector<16xi32>
          %xor3A_173 = arith.xori %bitcast3A_166, %and3A_172 : vector<16xi32>
          %bitcast_convert_type3A_174 = tpu.bitcast %xor3A_173 : vector<16xi32> -> vector<16xf32>
          %all_reduce_population_count3A = tpu.all_reduce %ge3A {dim = 0 : i64, kind = #tpu.reduction_kind<sum>} : vector<16xi1> -> vector<16xi32>
          %slice3A_175 = vector.extract_strided_slice %all_reduce_population_count3A {offsets = [0], sizes = [1], strides = [1]} : vector<16xi32> to vector<1xi32>
          %squeeze3A_176 = vector.extract %slice3A_175[0] : i32 from vector<1xi32>
          %gt3A = arith.constant 0 : i32
          %gt3A_177 = arith.cmpi sgt, %squeeze3A_176, %gt3A : i32
          %convert_element_type3A_178 = arith.extui %gt3A_177 : i1 to i32
          %cond3A_179 = arith.constant 0 : i32
          %cond3A_180 = arith.cmpi ne, %convert_element_type3A_178, %cond3A_179 : i32
          scf.if %cond3A_180 {
            %broadcast_in_dim3A_182 = vector.broadcast %while3A_160 : i32 to vector<16xi32>
            %gather3A = tpu.vector_load_idx %arg12[%broadcast_in_dim3A_182] : memref<2064xi32, #tpu.memory_space<vmem>>[vector<16xi32>], vector<16xi32>,
            %mul3A_183 = arith.constant 2048 : i32
            %mul3A_184 = vector.broadcast %mul3A_183 : i32 to vector<16xi32>
            %mul3A_185 = arith.muli %mul3A_184, %iota3A : vector<16xi32>
            %add3A_186 = arith.addi %gather3A, %mul3A_185 : vector<16xi32>
            %swap3A_187 = arith.index_cast %while3A_161 : i32 to index
            %swap3A_188 = tpu.vector_load %arg14[%swap3A_187] masked %ge3A {strides = array<i32>} : memref<80xi32, #tpu.memory_space<vmem>>, vector<16xi32>, vector<16xi1>
            tpu.vector_store %arg14[%swap3A_187], %add3A_186 masked %ge3A {strides = array<i32>} : memref<80xi32, #tpu.memory_space<vmem>>, vector<16xi32>, vector<16xi1>
            %swap3A_189 = arith.index_cast %while3A_161 : i32 to index
            %swap3A_190 = tpu.vector_load %arg15[%swap3A_189] masked %ge3A {strides = array<i32>} : memref<80xf32, #tpu.memory_space<vmem>>, vector<16xf32>, vector<16xi1>
            tpu.vector_store %arg15[%swap3A_189], %bitcast_convert_type3A_174 masked %ge3A {strides = array<i32>} : memref<80xf32, #tpu.memory_space<vmem>>, vector<16xf32>, vector<16xi1>
          } else {
          }
          %add3A_181 = arith.addi %while3A_161, %squeeze3A_176 : i32
          scf.yield %add3A_181 : i32
        }
      } else {
      }
      %ne3A = arith.cmpi ne, %sub3A, %sub3A_138 : i32
      %convert_element_type3A_144 = arith.extui %ne3A : i1 to i32
      %cond3A_145 = arith.constant 128 : i32
      %cond3A_146 = arith.constant 0 : i32
      %cond3A_147 = arith.cmpi ne, %convert_element_type3A_144, %cond3A_146 : i32
      scf.if %cond3A_147 {
        %while3A_148 = arith.constant 0 : i32
        %while3A_149 = arith.constant 0 : i32
        %while3A_150 = arith.subi %cond3A_145, %while3A_148 : i32
        %while3A_151 = arith.addi %while3A_148, %while3A_150 : i32
        %while3A_152 = arith.constant 1 : i32
        %while3A_153 = arith.divsi %while3A_150, %while3A_152 : i32
        %while3A_154 = arith.muli %while3A_153, %while3A_152 : i32
        %while3A_155 = arith.addi %while3A_148, %while3A_154 : i32
        %while3A_156 = arith.constant 1 : i32
        %while3A_157 = scf.for %while3A_178 = %while3A_148 to %while3A_155 step %while3A_156 iter_args(%while3A_179 = %while3A_149) -> (i32)  : i32 {
          %mul3A_180 = arith.constant 16 : i32
          %mul3A_181 = arith.muli %while3A_178, %mul3A_180 : i32
          %get3A_182 = arith.index_cast %mul3A_181 : i32 to index
          %get3A_183 = tpu.vector_load %arg13[%get3A_182] {strides = array<i32>} : memref<2064xf32, #tpu.memory_space<vmem>>, vector<16xf32>,
          %bitcast3A_184 = vector.bitcast %get3A_183 : vector<16xf32> to vector<16xi32>
          %gt3A = arith.cmpi sgt, %bitcast3A_184, %broadcast_in_dim3A_139 : vector<16xi32>
          %shift_right_arithmetic3A_185 = arith.constant 31 : i32
          %shift_right_arithmetic3A_186 = vector.broadcast %shift_right_arithmetic3A_185 : i32 to vector<16xi32>
          %shift_right_arithmetic3A_187 = arith.shrsi %bitcast3A_184, %shift_right_arithmetic3A_186 : vector<16xi32>
          %and3A_188 = arith.constant 2147483647 : i32
          %and3A_189 = vector.broadcast %and3A_188 : i32 to vector<16xi32>
          %and3A_190 = arith.andi %shift_right_arithmetic3A_187, %and3A_189 : vector<16xi32>
          %xor3A_191 = arith.xori %bitcast3A_184, %and3A_190 : vector<16xi32>
          %bitcast_convert_type3A_192 = tpu.bitcast %xor3A_191 : vector<16xi32> -> vector<16xf32>
          %all_reduce_population_count3A = tpu.all_reduce %gt3A {dim = 0 : i64, kind = #tpu.reduction_kind<sum>} : vector<16xi1> -> vector<16xi32>
          %slice3A_193 = vector.extract_strided_slice %all_reduce_population_count3A {offsets = [0], sizes = [1], strides = [1]} : vector<16xi32> to vector<1xi32>
          %squeeze3A_194 = vector.extract %slice3A_193[0] : i32 from vector<1xi32>
          %gt3A_195 = arith.constant 0 : i32
          %gt3A_196 = arith.cmpi sgt, %squeeze3A_194, %gt3A_195 : i32
          %convert_element_type3A_197 = arith.extui %gt3A_196 : i1 to i32
          %cond3A_198 = arith.constant 0 : i32
          %cond3A_199 = arith.cmpi ne, %convert_element_type3A_197, %cond3A_198 : i32
          scf.if %cond3A_199 {
            %broadcast_in_dim3A_201 = vector.broadcast %while3A_178 : i32 to vector<16xi32>
            %gather3A = tpu.vector_load_idx %arg12[%broadcast_in_dim3A_201] : memref<2064xi32, #tpu.memory_space<vmem>>[vector<16xi32>], vector<16xi32>,
            %mul3A_202 = arith.constant 2048 : i32
            %mul3A_203 = vector.broadcast %mul3A_202 : i32 to vector<16xi32>
            %mul3A_204 = arith.muli %mul3A_203, %iota3A : vector<16xi32>
            %add3A_205 = arith.addi %gather3A, %mul3A_204 : vector<16xi32>
            %swap3A_206 = arith.index_cast %while3A_179 : i32 to index
            %swap3A_207 = tpu.vector_load %arg14[%swap3A_206] masked %gt3A {strides = array<i32>} : memref<80xi32, #tpu.memory_space<vmem>>, vector<16xi32>, vector<16xi1>
            tpu.vector_store %arg14[%swap3A_206], %add3A_205 masked %gt3A {strides = array<i32>} : memref<80xi32, #tpu.memory_space<vmem>>, vector<16xi32>, vector<16xi1>
            %swap3A_208 = arith.index_cast %while3A_179 : i32 to index
            %swap3A_209 = tpu.vector_load %arg15[%swap3A_208] masked %gt3A {strides = array<i32>} : memref<80xf32, #tpu.memory_space<vmem>>, vector<16xf32>, vector<16xi1>
            tpu.vector_store %arg15[%swap3A_208], %bitcast_convert_type3A_192 masked %gt3A {strides = array<i32>} : memref<80xf32, #tpu.memory_space<vmem>>, vector<16xf32>, vector<16xi1>
          } else {
          }
          %add3A_200 = arith.addi %while3A_179, %squeeze3A_194 : i32
          scf.yield %add3A_200 : i32
        }
        %while3A_158 = arith.constant 1 : i32
        %while3A_159 = scf.for %while3A_178 = %while3A_155 to %while3A_151 step %while3A_158 iter_args(%while3A_179 = %while3A_157) -> (i32)  : i32 {
          %mul3A_180 = arith.constant 16 : i32
          %mul3A_181 = arith.muli %while3A_178, %mul3A_180 : i32
          %get3A_182 = arith.index_cast %mul3A_181 : i32 to index
          %get3A_183 = tpu.vector_load %arg13[%get3A_182] {strides = array<i32>} : memref<2064xf32, #tpu.memory_space<vmem>>, vector<16xf32>,
          %bitcast3A_184 = vector.bitcast %get3A_183 : vector<16xf32> to vector<16xi32>
          %gt3A = arith.cmpi sgt, %bitcast3A_184, %broadcast_in_dim3A_139 : vector<16xi32>
          %shift_right_arithmetic3A_185 = arith.constant 31 : i32
          %shift_right_arithmetic3A_186 = vector.broadcast %shift_right_arithmetic3A_185 : i32 to vector<16xi32>
          %shift_right_arithmetic3A_187 = arith.shrsi %bitcast3A_184, %shift_right_arithmetic3A_186 : vector<16xi32>
          %and3A_188 = arith.constant 2147483647 : i32
          %and3A_189 = vector.broadcast %and3A_188 : i32 to vector<16xi32>
          %and3A_190 = arith.andi %shift_right_arithmetic3A_187, %and3A_189 : vector<16xi32>
          %xor3A_191 = arith.xori %bitcast3A_184, %and3A_190 : vector<16xi32>
          %bitcast_convert_type3A_192 = tpu.bitcast %xor3A_191 : vector<16xi32> -> vector<16xf32>
          %all_reduce_population_count3A = tpu.all_reduce %gt3A {dim = 0 : i64, kind = #tpu.reduction_kind<sum>} : vector<16xi1> -> vector<16xi32>
          %slice3A_193 = vector.extract_strided_slice %all_reduce_population_count3A {offsets = [0], sizes = [1], strides = [1]} : vector<16xi32> to vector<1xi32>
          %squeeze3A_194 = vector.extract %slice3A_193[0] : i32 from vector<1xi32>
          %gt3A_195 = arith.constant 0 : i32
          %gt3A_196 = arith.cmpi sgt, %squeeze3A_194, %gt3A_195 : i32
          %convert_element_type3A_197 = arith.extui %gt3A_196 : i1 to i32
          %cond3A_198 = arith.constant 0 : i32
          %cond3A_199 = arith.cmpi ne, %convert_element_type3A_197, %cond3A_198 : i32
          scf.if %cond3A_199 {
            %broadcast_in_dim3A_201 = vector.broadcast %while3A_178 : i32 to vector<16xi32>
            %gather3A = tpu.vector_load_idx %arg12[%broadcast_in_dim3A_201] : memref<2064xi32, #tpu.memory_space<vmem>>[vector<16xi32>], vector<16xi32>,
            %mul3A_202 = arith.constant 2048 : i32
            %mul3A_203 = vector.broadcast %mul3A_202 : i32 to vector<16xi32>
            %mul3A_204 = arith.muli %mul3A_203, %iota3A : vector<16xi32>
            %add3A_205 = arith.addi %gather3A, %mul3A_204 : vector<16xi32>
            %swap3A_206 = arith.index_cast %while3A_179 : i32 to index
            %swap3A_207 = tpu.vector_load %arg14[%swap3A_206] masked %gt3A {strides = array<i32>} : memref<80xi32, #tpu.memory_space<vmem>>, vector<16xi32>, vector<16xi1>
            tpu.vector_store %arg14[%swap3A_206], %add3A_205 masked %gt3A {strides = array<i32>} : memref<80xi32, #tpu.memory_space<vmem>>, vector<16xi32>, vector<16xi1>
            %swap3A_208 = arith.index_cast %while3A_179 : i32 to index
            %swap3A_209 = tpu.vector_load %arg15[%swap3A_208] masked %gt3A {strides = array<i32>} : memref<80xf32, #tpu.memory_space<vmem>>, vector<16xf32>, vector<16xi1>
            tpu.vector_store %arg15[%swap3A_208], %bitcast_convert_type3A_192 masked %gt3A {strides = array<i32>} : memref<80xf32, #tpu.memory_space<vmem>>, vector<16xf32>, vector<16xi1>
          } else {
          }
          %add3A_200 = arith.addi %while3A_179, %squeeze3A_194 : i32
          scf.yield %add3A_200 : i32
        }
        %scan3A_160 = arith.constant 0 : i32
        %scan3A_161 = arith.constant 0 : i32
        %scan3A_162 = arith.constant 15 : i32
        %scan3A_163 = arith.addi %scan3A_161, %scan3A_162 : i32
        %scan3A_164 = arith.constant 1 : i32
        %scan3A_165 = scf.for %scan3A_178 = %scan3A_161 to %scan3A_163 step %scan3A_164 iter_args(%scan3A_179 = %scan3A_160) -> (i32)  : i32 {
          %sub3A_180 = arith.constant 14 : i32
          %sub3A_181 = arith.subi %sub3A_180, %scan3A_178 : i32
          %shift_left3A = arith.constant 1 : i32
          %shift_left3A_182 = arith.shli %shift_left3A, %sub3A_181 : i32
          %add3A_183 = arith.addi %scan3A_179, %shift_left3A_182 : i32
          %sub3A_184 = arith.constant 1 : i32
          %sub3A_185 = arith.subi %add3A_183, %sub3A_184 : i32
          %while3A_186 = arith.constant 0 : i32
          %while3A_187 = arith.constant 0 : i32
          %while3A_188 = arith.subi %cond3A_145, %while3A_186 : i32
          %while3A_189 = arith.addi %while3A_186, %while3A_188 : i32
          %while3A_190 = arith.constant 1 : i32
          %while3A_191 = arith.divsi %while3A_188, %while3A_190 : i32
          %while3A_192 = arith.muli %while3A_191, %while3A_190 : i32
          %while3A_193 = arith.addi %while3A_186, %while3A_192 : i32
          %while3A_194 = arith.constant 1 : i32
          %while3A_195 = scf.for %while3A_199 = %while3A_186 to %while3A_193 step %while3A_194 iter_args(%while3A_200 = %while3A_187) -> (i32)  : i32 {
            %mul3A_201 = arith.constant 16 : i32
            %mul3A_202 = arith.muli %while3A_199, %mul3A_201 : i32
            %get3A_203 = arith.index_cast %mul3A_202 : i32 to index
            %get3A_204 = tpu.vector_load %arg13[%get3A_203] {strides = array<i32>} : memref<2064xf32, #tpu.memory_space<vmem>>, vector<16xf32>,
            %bitcast3A_205 = vector.bitcast %get3A_204 : vector<16xf32> to vector<16xi32>
            %eq3A_206 = arith.cmpi eq, %bitcast3A_205, %broadcast_in_dim3A_139 : vector<16xi32>
            %broadcast_in_dim3A_207 = vector.broadcast %while3A_199 : i32 to vector<16xi32>
            %gather3A = tpu.vector_load_idx %arg12[%broadcast_in_dim3A_207] : memref<2064xi32, #tpu.memory_space<vmem>>[vector<16xi32>], vector<16xi32>,
            %mul3A_208 = arith.constant 2048 : i32
            %mul3A_209 = vector.broadcast %mul3A_208 : i32 to vector<16xi32>
            %mul3A_210 = arith.muli %mul3A_209, %iota3A : vector<16xi32>
            %add3A_211 = arith.addi %gather3A, %mul3A_210 : vector<16xi32>
            %le3A_212 = vector.broadcast %sub3A_185 : i32 to vector<16xi32>
            %le3A_213 = arith.cmpi sle, %add3A_211, %le3A_212 : vector<16xi32>
            %and3A_214 = arith.andi %eq3A_206, %le3A_213 : vector<16xi1>
            %all_reduce_population_count3A = tpu.all_reduce %and3A_214 {dim = 0 : i64, kind = #tpu.reduction_kind<sum>} : vector<16xi1> -> vector<16xi32>
            %slice3A_215 = vector.extract_strided_slice %all_reduce_population_count3A {offsets = [0], sizes = [1], strides = [1]} : vector<16xi32> to vector<1xi32>
            %squeeze3A_216 = vector.extract %slice3A_215[0] : i32 from vector<1xi32>
            %add3A_217 = arith.addi %while3A_200, %squeeze3A_216 : i32
            scf.yield %add3A_217 : i32
          }
          %while3A_196 = arith.constant 1 : i32
          %while3A_197 = scf.for %while3A_199 = %while3A_193 to %while3A_189 step %while3A_196 iter_args(%while3A_200 = %while3A_195) -> (i32)  : i32 {
            %mul3A_201 = arith.constant 16 : i32
            %mul3A_202 = arith.muli %while3A_199, %mul3A_201 : i32
            %get3A_203 = arith.index_cast %mul3A_202 : i32 to index
            %get3A_204 = tpu.vector_load %arg13[%get3A_203] {strides = array<i32>} : memref<2064xf32, #tpu.memory_space<vmem>>, vector<16xf32>,
            %bitcast3A_205 = vector.bitcast %get3A_204 : vector<16xf32> to vector<16xi32>
            %eq3A_206 = arith.cmpi eq, %bitcast3A_205, %broadcast_in_dim3A_139 : vector<16xi32>
            %broadcast_in_dim3A_207 = vector.broadcast %while3A_199 : i32 to vector<16xi32>
            %gather3A = tpu.vector_load_idx %arg12[%broadcast_in_dim3A_207] : memref<2064xi32, #tpu.memory_space<vmem>>[vector<16xi32>], vector<16xi32>,
            %mul3A_208 = arith.constant 2048 : i32
            %mul3A_209 = vector.broadcast %mul3A_208 : i32 to vector<16xi32>
            %mul3A_210 = arith.muli %mul3A_209, %iota3A : vector<16xi32>
            %add3A_211 = arith.addi %gather3A, %mul3A_210 : vector<16xi32>
            %le3A_212 = vector.broadcast %sub3A_185 : i32 to vector<16xi32>
            %le3A_213 = arith.cmpi sle, %add3A_211, %le3A_212 : vector<16xi32>
            %and3A_214 = arith.andi %eq3A_206, %le3A_213 : vector<16xi1>
            %all_reduce_population_count3A = tpu.all_reduce %and3A_214 {dim = 0 : i64, kind = #tpu.reduction_kind<sum>} : vector<16xi1> -> vector<16xi32>
            %slice3A_215 = vector.extract_strided_slice %all_reduce_population_count3A {offsets = [0], sizes = [1], strides = [1]} : vector<16xi32> to vector<1xi32>
            %squeeze3A_216 = vector.extract %slice3A_215[0] : i32 from vector<1xi32>
            %add3A_217 = arith.addi %while3A_200, %squeeze3A_216 : i32
            scf.yield %add3A_217 : i32
          }
          %ge3A = arith.cmpi sge, %while3A_197, %sub3A_138 : i32
          %add3A_198 = arith.addi %scan3A_179, %shift_left3A_182 : i32
          %select_n3A = arith.select %ge3A, %scan3A_179, %add3A_198 : i32
          scf.yield %select_n3A : i32
        }
        %scan3A_166 = arith.constant 15 : i32
        %while3A_167 = arith.constant 0 : i32
        %while3A_168 = arith.subi %cond3A_145, %while3A_167 : i32
        %while3A_169 = arith.addi %while3A_167, %while3A_168 : i32
        %while3A_170 = arith.constant 1 : i32
        %while3A_171 = arith.divsi %while3A_168, %while3A_170 : i32
        %while3A_172 = arith.muli %while3A_171, %while3A_170 : i32
        %while3A_173 = arith.addi %while3A_167, %while3A_172 : i32
        %while3A_174 = arith.constant 1 : i32
        %while3A_175 = scf.for %while3A_178 = %while3A_167 to %while3A_173 step %while3A_174 iter_args(%while3A_179 = %while3A_159) -> (i32)  : i32 {
          %mul3A_180 = arith.constant 16 : i32
          %mul3A_181 = arith.muli %while3A_178, %mul3A_180 : i32
          %get3A_182 = arith.index_cast %mul3A_181 : i32 to index
          %get3A_183 = tpu.vector_load %arg13[%get3A_182] {strides = array<i32>} : memref<2064xf32, #tpu.memory_space<vmem>>, vector<16xf32>,
          %bitcast3A_184 = vector.bitcast %get3A_183 : vector<16xf32> to vector<16xi32>
          %broadcast_in_dim3A_185 = vector.broadcast %while3A_178 : i32 to vector<16xi32>
          %gather3A = tpu.vector_load_idx %arg12[%broadcast_in_dim3A_185] : memref<2064xi32, #tpu.memory_space<vmem>>[vector<16xi32>], vector<16xi32>,
          %mul3A_186 = arith.constant 2048 : i32
          %mul3A_187 = vector.broadcast %mul3A_186 : i32 to vector<16xi32>
          %mul3A_188 = arith.muli %mul3A_187, %iota3A : vector<16xi32>
          %add3A_189 = arith.addi %gather3A, %mul3A_188 : vector<16xi32>
          %eq3A_190 = arith.cmpi eq, %bitcast3A_184, %broadcast_in_dim3A_139 : vector<16xi32>
          %le3A_191 = vector.broadcast %scan3A_165 : i32 to vector<16xi32>
          %le3A_192 = arith.cmpi sle, %add3A_189, %le3A_191 : vector<16xi32>
          %and3A_193 = arith.andi %eq3A_190, %le3A_192 : vector<16xi1>
          %shift_right_arithmetic3A_194 = arith.constant 31 : i32
          %shift_right_arithmetic3A_195 = vector.broadcast %shift_right_arithmetic3A_194 : i32 to vector<16xi32>
          %shift_right_arithmetic3A_196 = arith.shrsi %bitcast3A_184, %shift_right_arithmetic3A_195 : vector<16xi32>
          %and3A_197 = arith.constant 2147483647 : i32
          %and3A_198 = vector.broadcast %and3A_197 : i32 to vector<16xi32>
          %and3A_199 = arith.andi %shift_right_arithmetic3A_196, %and3A_198 : vector<16xi32>
          %xor3A_200 = arith.xori %bitcast3A_184, %and3A_199 : vector<16xi32>
          %bitcast_convert_type3A_201 = tpu.bitcast %xor3A_200 : vector<16xi32> -> vector<16xf32>
          %all_reduce_population_count3A = tpu.all_reduce %and3A_193 {dim = 0 : i64, kind = #tpu.reduction_kind<sum>} : vector<16xi1> -> vector<16xi32>
          %slice3A_202 = vector.extract_strided_slice %all_reduce_population_count3A {offsets = [0], sizes = [1], strides = [1]} : vector<16xi32> to vector<1xi32>
          %squeeze3A_203 = vector.extract %slice3A_202[0] : i32 from vector<1xi32>
          %gt3A = arith.constant 0 : i32
          %gt3A_204 = arith.cmpi sgt, %squeeze3A_203, %gt3A : i32
          %convert_element_type3A_205 = arith.extui %gt3A_204 : i1 to i32
          %cond3A_206 = arith.constant 0 : i32
          %cond3A_207 = arith.cmpi ne, %convert_element_type3A_205, %cond3A_206 : i32
          scf.if %cond3A_207 {
            %swap3A_209 = arith.index_cast %while3A_179 : i32 to index
            %swap3A_210 = tpu.vector_load %arg14[%swap3A_209] masked %and3A_193 {strides = array<i32>} : memref<80xi32, #tpu.memory_space<vmem>>, vector<16xi32>, vector<16xi1>
            tpu.vector_store %arg14[%swap3A_209], %add3A_189 masked %and3A_193 {strides = array<i32>} : memref<80xi32, #tpu.memory_space<vmem>>, vector<16xi32>, vector<16xi1>
            %swap3A_211 = arith.index_cast %while3A_179 : i32 to index
            %swap3A_212 = tpu.vector_load %arg15[%swap3A_211] masked %and3A_193 {strides = array<i32>} : memref<80xf32, #tpu.memory_space<vmem>>, vector<16xf32>, vector<16xi1>
            tpu.vector_store %arg15[%swap3A_211], %bitcast_convert_type3A_201 masked %and3A_193 {strides = array<i32>} : memref<80xf32, #tpu.memory_space<vmem>>, vector<16xf32>, vector<16xi1>
          } else {
          }
          %add3A_208 = arith.addi %while3A_179, %squeeze3A_203 : i32
          scf.yield %add3A_208 : i32
        }
        %while3A_176 = arith.constant 1 : i32
        %while3A_177 = scf.for %while3A_178 = %while3A_173 to %while3A_169 step %while3A_176 iter_args(%while3A_179 = %while3A_175) -> (i32)  : i32 {
          %mul3A_180 = arith.constant 16 : i32
          %mul3A_181 = arith.muli %while3A_178, %mul3A_180 : i32
          %get3A_182 = arith.index_cast %mul3A_181 : i32 to index
          %get3A_183 = tpu.vector_load %arg13[%get3A_182] {strides = array<i32>} : memref<2064xf32, #tpu.memory_space<vmem>>, vector<16xf32>,
          %bitcast3A_184 = vector.bitcast %get3A_183 : vector<16xf32> to vector<16xi32>
          %broadcast_in_dim3A_185 = vector.broadcast %while3A_178 : i32 to vector<16xi32>
          %gather3A = tpu.vector_load_idx %arg12[%broadcast_in_dim3A_185] : memref<2064xi32, #tpu.memory_space<vmem>>[vector<16xi32>], vector<16xi32>,
          %mul3A_186 = arith.constant 2048 : i32
          %mul3A_187 = vector.broadcast %mul3A_186 : i32 to vector<16xi32>
          %mul3A_188 = arith.muli %mul3A_187, %iota3A : vector<16xi32>
          %add3A_189 = arith.addi %gather3A, %mul3A_188 : vector<16xi32>
          %eq3A_190 = arith.cmpi eq, %bitcast3A_184, %broadcast_in_dim3A_139 : vector<16xi32>
          %le3A_191 = vector.broadcast %scan3A_165 : i32 to vector<16xi32>
          %le3A_192 = arith.cmpi sle, %add3A_189, %le3A_191 : vector<16xi32>
          %and3A_193 = arith.andi %eq3A_190, %le3A_192 : vector<16xi1>
          %shift_right_arithmetic3A_194 = arith.constant 31 : i32
          %shift_right_arithmetic3A_195 = vector.broadcast %shift_right_arithmetic3A_194 : i32 to vector<16xi32>
          %shift_right_arithmetic3A_196 = arith.shrsi %bitcast3A_184, %shift_right_arithmetic3A_195 : vector<16xi32>
          %and3A_197 = arith.constant 2147483647 : i32
          %and3A_198 = vector.broadcast %and3A_197 : i32 to vector<16xi32>
          %and3A_199 = arith.andi %shift_right_arithmetic3A_196, %and3A_198 : vector<16xi32>
          %xor3A_200 = arith.xori %bitcast3A_184, %and3A_199 : vector<16xi32>
          %bitcast_convert_type3A_201 = tpu.bitcast %xor3A_200 : vector<16xi32> -> vector<16xf32>
          %all_reduce_population_count3A = tpu.all_reduce %and3A_193 {dim = 0 : i64, kind = #tpu.reduction_kind<sum>} : vector<16xi1> -> vector<16xi32>
          %slice3A_202 = vector.extract_strided_slice %all_reduce_population_count3A {offsets = [0], sizes = [1], strides = [1]} : vector<16xi32> to vector<1xi32>
          %squeeze3A_203 = vector.extract %slice3A_202[0] : i32 from vector<1xi32>
          %gt3A = arith.constant 0 : i32
          %gt3A_204 = arith.cmpi sgt, %squeeze3A_203, %gt3A : i32
          %convert_element_type3A_205 = arith.extui %gt3A_204 : i1 to i32
          %cond3A_206 = arith.constant 0 : i32
          %cond3A_207 = arith.cmpi ne, %convert_element_type3A_205, %cond3A_206 : i32
          scf.if %cond3A_207 {
            %swap3A_209 = arith.index_cast %while3A_179 : i32 to index
            %swap3A_210 = tpu.vector_load %arg14[%swap3A_209] masked %and3A_193 {strides = array<i32>} : memref<80xi32, #tpu.memory_space<vmem>>, vector<16xi32>, vector<16xi1>
            tpu.vector_store %arg14[%swap3A_209], %add3A_189 masked %and3A_193 {strides = array<i32>} : memref<80xi32, #tpu.memory_space<vmem>>, vector<16xi32>, vector<16xi1>
            %swap3A_211 = arith.index_cast %while3A_179 : i32 to index
            %swap3A_212 = tpu.vector_load %arg15[%swap3A_211] masked %and3A_193 {strides = array<i32>} : memref<80xf32, #tpu.memory_space<vmem>>, vector<16xf32>, vector<16xi1>
            tpu.vector_store %arg15[%swap3A_211], %bitcast_convert_type3A_201 masked %and3A_193 {strides = array<i32>} : memref<80xf32, #tpu.memory_space<vmem>>, vector<16xf32>, vector<16xi1>
          } else {
          }
          %add3A_208 = arith.addi %while3A_179, %squeeze3A_203 : i32
          scf.yield %add3A_208 : i32
        }
      } else {
      }
    } else {
    }
    %not3A = arith.constant true
    %not3A_34 = arith.xori %le3A_23, %not3A : i1
    %convert_element_type3A_35 = arith.extui %not3A_34 : i1 to i32
    %cond3A_36 = arith.constant 0 : i32
    %cond3A_37 = arith.cmpi ne, %convert_element_type3A_35, %cond3A_36 : i32
    scf.if %cond3A_37 {
      %scan3A_103 = arith.constant 0 : i32
      %scan3A_104 = arith.constant 0 : i32
      %scan3A_105 = arith.constant 32 : i32
      %scan3A_106 = arith.addi %scan3A_104, %scan3A_105 : i32
      %scan3A_107 = arith.constant 1 : i32
      %scan3A_108 = scf.for %scan3A_133 = %scan3A_104 to %scan3A_106 step %scan3A_107 iter_args(%scan3A_134 = %scan3A_103) -> (i32)  : i32 {
        %sub3A_135 = arith.constant 31 : i32
        %sub3A_136 = arith.subi %sub3A_135, %scan3A_133 : i32
        %shift_left3A = arith.constant 1 : i32
        %shift_left3A_137 = arith.shli %shift_left3A, %sub3A_136 : i32
        %or3A = arith.ori %scan3A_134, %shift_left3A_137 : i32
        %xor3A_138 = arith.constant -2147483648 : i32
        %xor3A_139 = arith.xori %or3A, %xor3A_138 : i32
        %le3A_140 = arith.cmpi sle, %xor3A_139, %squeeze3A : i32
        %convert_element_type3A_141 = arith.extui %le3A_140 : i1 to i32
        %cond3A_142 = arith.constant 0 : i32
        %cond3A_143 = arith.cmpi ne, %convert_element_type3A_141, %cond3A_142 : i32
        %cond3A_144 = scf.if %cond3A_143 -> (i32) {
          %cond3A_146 = arith.constant 64 : i32
          scf.yield %cond3A_146 : i32
        } else {
          %while3A_146 = arith.constant 0 : i32
          %while3A_147 = arith.constant 0 : i32
          %while3A_148 = arith.subi %scan3A_21, %while3A_146 : i32
          %while3A_149 = arith.addi %while3A_146, %while3A_148 : i32
          %while3A_150 = arith.constant 1 : i32
          %while3A_151 = arith.divsi %while3A_148, %while3A_150 : i32
          %while3A_152 = arith.muli %while3A_151, %while3A_150 : i32
          %while3A_153 = arith.addi %while3A_146, %while3A_152 : i32
          %while3A_154 = arith.constant 1 : i32
          %while3A_155 = scf.for %while3A_158 = %while3A_146 to %while3A_153 step %while3A_154 iter_args(%while3A_159 = %while3A_147) -> (i32)  : i32 {
            %broadcast_in_dim3A_160 = vector.broadcast %while3A_158 : i32 to vector<16xi32>
            %gather3A = tpu.vector_load_idx %arg12[%broadcast_in_dim3A_160] : memref<2064xi32, #tpu.memory_space<vmem>>[vector<16xi32>], vector<16xi32>,
            %mul3A_161 = arith.constant 2048 : i32
            %mul3A_162 = vector.broadcast %mul3A_161 : i32 to vector<16xi32>
            %mul3A_163 = arith.muli %mul3A_162, %iota3A : vector<16xi32>
            %add3A_164 = arith.addi %gather3A, %mul3A_163 : vector<16xi32>
            %gather3A_165 = tpu.vector_load_idx %arg8[%add3A_164] : memref<32768xf32, #tpu.memory_space<vmem>>[vector<16xi32>], vector<16xf32>,
            %bitcast_convert_type3A_166 = tpu.bitcast %gather3A_165 : vector<16xf32> -> vector<16xi32>
            %shift_right_arithmetic3A_167 = arith.constant 31 : i32
            %shift_right_arithmetic3A_168 = vector.broadcast %shift_right_arithmetic3A_167 : i32 to vector<16xi32>
            %shift_right_arithmetic3A_169 = arith.shrsi %bitcast_convert_type3A_166, %shift_right_arithmetic3A_168 : vector<16xi32>
            %and3A_170 = arith.constant 2147483647 : i32
            %and3A_171 = vector.broadcast %and3A_170 : i32 to vector<16xi32>
            %and3A_172 = arith.andi %shift_right_arithmetic3A_169, %and3A_171 : vector<16xi32>
            %xor3A_173 = arith.xori %bitcast_convert_type3A_166, %and3A_172 : vector<16xi32>
            %ge3A_174 = vector.broadcast %xor3A_139 : i32 to vector<16xi32>
            %ge3A_175 = arith.cmpi sge, %xor3A_173, %ge3A_174 : vector<16xi32>
            %all_reduce_population_count3A = tpu.all_reduce %ge3A_175 {dim = 0 : i64, kind = #tpu.reduction_kind<sum>} : vector<16xi1> -> vector<16xi32>
            %slice3A_176 = vector.extract_strided_slice %all_reduce_population_count3A {offsets = [0], sizes = [1], strides = [1]} : vector<16xi32> to vector<1xi32>
            %squeeze3A_177 = vector.extract %slice3A_176[0] : i32 from vector<1xi32>
            %add3A_178 = arith.addi %while3A_159, %squeeze3A_177 : i32
            scf.yield %add3A_178 : i32
          }
          %while3A_156 = arith.constant 1 : i32
          %while3A_157 = scf.for %while3A_158 = %while3A_153 to %while3A_149 step %while3A_156 iter_args(%while3A_159 = %while3A_155) -> (i32)  : i32 {
            %broadcast_in_dim3A_160 = vector.broadcast %while3A_158 : i32 to vector<16xi32>
            %gather3A = tpu.vector_load_idx %arg12[%broadcast_in_dim3A_160] : memref<2064xi32, #tpu.memory_space<vmem>>[vector<16xi32>], vector<16xi32>,
            %mul3A_161 = arith.constant 2048 : i32
            %mul3A_162 = vector.broadcast %mul3A_161 : i32 to vector<16xi32>
            %mul3A_163 = arith.muli %mul3A_162, %iota3A : vector<16xi32>
            %add3A_164 = arith.addi %gather3A, %mul3A_163 : vector<16xi32>
            %gather3A_165 = tpu.vector_load_idx %arg8[%add3A_164] : memref<32768xf32, #tpu.memory_space<vmem>>[vector<16xi32>], vector<16xf32>,
            %bitcast_convert_type3A_166 = tpu.bitcast %gather3A_165 : vector<16xf32> -> vector<16xi32>
            %shift_right_arithmetic3A_167 = arith.constant 31 : i32
            %shift_right_arithmetic3A_168 = vector.broadcast %shift_right_arithmetic3A_167 : i32 to vector<16xi32>
            %shift_right_arithmetic3A_169 = arith.shrsi %bitcast_convert_type3A_166, %shift_right_arithmetic3A_168 : vector<16xi32>
            %and3A_170 = arith.constant 2147483647 : i32
            %and3A_171 = vector.broadcast %and3A_170 : i32 to vector<16xi32>
            %and3A_172 = arith.andi %shift_right_arithmetic3A_169, %and3A_171 : vector<16xi32>
            %xor3A_173 = arith.xori %bitcast_convert_type3A_166, %and3A_172 : vector<16xi32>
            %ge3A_174 = vector.broadcast %xor3A_139 : i32 to vector<16xi32>
            %ge3A_175 = arith.cmpi sge, %xor3A_173, %ge3A_174 : vector<16xi32>
            %all_reduce_population_count3A = tpu.all_reduce %ge3A_175 {dim = 0 : i64, kind = #tpu.reduction_kind<sum>} : vector<16xi1> -> vector<16xi32>
            %slice3A_176 = vector.extract_strided_slice %all_reduce_population_count3A {offsets = [0], sizes = [1], strides = [1]} : vector<16xi32> to vector<1xi32>
            %squeeze3A_177 = vector.extract %slice3A_176[0] : i32 from vector<1xi32>
            %add3A_178 = arith.addi %while3A_159, %squeeze3A_177 : i32
            scf.yield %add3A_178 : i32
          }
          scf.yield %while3A_157 : i32
        }
        %ge3A = arith.constant 64 : i32
        %ge3A_145 = arith.cmpi sge, %cond3A_144, %ge3A : i32
        %select_n3A = arith.select %ge3A_145, %or3A, %scan3A_134 : i32
        scf.yield %select_n3A : i32
      }
      %scan3A_109 = arith.constant 32 : i32
      %xor3A_110 = arith.constant -2147483648 : i32
      %xor3A_111 = arith.xori %scan3A_108, %xor3A_110 : i32
      %while3A = arith.constant 0 : i32
      %while3A_112 = arith.constant 0 : i32
      %while3A_113 = arith.constant 0 : i32
      %while3A_114 = arith.subi %scan3A_21, %while3A : i32
      %while3A_115 = arith.addi %while3A, %while3A_114 : i32
      %while3A_116 = arith.constant 1 : i32
      %while3A_117 = arith.divsi %while3A_114, %while3A_116 : i32
      %while3A_118 = arith.muli %while3A_117, %while3A_116 : i32
      %while3A_119 = arith.addi %while3A, %while3A_118 : i32
      %while3A_120 = arith.constant 1 : i32
      %while3A_121:2 = scf.for %while3A_133 = %while3A to %while3A_119 step %while3A_120 iter_args(%while3A_134 = %while3A_112, %while3A_135 = %while3A_113) -> (i32, i32)  : i32 {
        %broadcast_in_dim3A_136 = vector.broadcast %while3A_133 : i32 to vector<16xi32>
        %gather3A = tpu.vector_load_idx %arg12[%broadcast_in_dim3A_136] : memref<2064xi32, #tpu.memory_space<vmem>>[vector<16xi32>], vector<16xi32>,
        %mul3A_137 = arith.constant 2048 : i32
        %mul3A_138 = vector.broadcast %mul3A_137 : i32 to vector<16xi32>
        %mul3A_139 = arith.muli %mul3A_138, %iota3A : vector<16xi32>
        %add3A_140 = arith.addi %gather3A, %mul3A_139 : vector<16xi32>
        %gather3A_141 = tpu.vector_load_idx %arg8[%add3A_140] : memref<32768xf32, #tpu.memory_space<vmem>>[vector<16xi32>], vector<16xf32>,
        %bitcast_convert_type3A_142 = tpu.bitcast %gather3A_141 : vector<16xf32> -> vector<16xi32>
        %shift_right_arithmetic3A_143 = arith.constant 31 : i32
        %shift_right_arithmetic3A_144 = vector.broadcast %shift_right_arithmetic3A_143 : i32 to vector<16xi32>
        %shift_right_arithmetic3A_145 = arith.shrsi %bitcast_convert_type3A_142, %shift_right_arithmetic3A_144 : vector<16xi32>
        %and3A_146 = arith.constant 2147483647 : i32
        %and3A_147 = vector.broadcast %and3A_146 : i32 to vector<16xi32>
        %and3A_148 = arith.andi %shift_right_arithmetic3A_145, %and3A_147 : vector<16xi32>
        %xor3A_149 = arith.xori %bitcast_convert_type3A_142, %and3A_148 : vector<16xi32>
        %ge3A = vector.broadcast %xor3A_111 : i32 to vector<16xi32>
        %ge3A_150 = arith.cmpi sge, %xor3A_149, %ge3A : vector<16xi32>
        %all_reduce_population_count3A = tpu.all_reduce %ge3A_150 {dim = 0 : i64, kind = #tpu.reduction_kind<sum>} : vector<16xi1> -> vector<16xi32>
        %slice3A_151 = vector.extract_strided_slice %all_reduce_population_count3A {offsets = [0], sizes = [1], strides = [1]} : vector<16xi32> to vector<1xi32>
        %squeeze3A_152 = vector.extract %slice3A_151[0] : i32 from vector<1xi32>
        %add3A_153 = arith.addi %while3A_134, %squeeze3A_152 : i32
        %gt3A = vector.broadcast %xor3A_111 : i32 to vector<16xi32>
        %gt3A_154 = arith.cmpi sgt, %xor3A_149, %gt3A : vector<16xi32>
        %all_reduce_population_count3A_155 = tpu.all_reduce %gt3A_154 {dim = 0 : i64, kind = #tpu.reduction_kind<sum>} : vector<16xi1> -> vector<16xi32>
        %slice3A_156 = vector.extract_strided_slice %all_reduce_population_count3A_155 {offsets = [0], sizes = [1], strides = [1]} : vector<16xi32> to vector<1xi32>
        %squeeze3A_157 = vector.extract %slice3A_156[0] : i32 from vector<1xi32>
        %add3A_158 = arith.addi %while3A_135, %squeeze3A_157 : i32
        scf.yield %add3A_153, %add3A_158 : i32, i32
      }
      %while3A_122 = arith.constant 1 : i32
      %while3A_123:2 = scf.for %while3A_133 = %while3A_119 to %while3A_115 step %while3A_122 iter_args(%while3A_134 = %while3A_121#0, %while3A_135 = %while3A_121#1) -> (i32, i32)  : i32 {
        %broadcast_in_dim3A_136 = vector.broadcast %while3A_133 : i32 to vector<16xi32>
        %gather3A = tpu.vector_load_idx %arg12[%broadcast_in_dim3A_136] : memref<2064xi32, #tpu.memory_space<vmem>>[vector<16xi32>], vector<16xi32>,
        %mul3A_137 = arith.constant 2048 : i32
        %mul3A_138 = vector.broadcast %mul3A_137 : i32 to vector<16xi32>
        %mul3A_139 = arith.muli %mul3A_138, %iota3A : vector<16xi32>
        %add3A_140 = arith.addi %gather3A, %mul3A_139 : vector<16xi32>
        %gather3A_141 = tpu.vector_load_idx %arg8[%add3A_140] : memref<32768xf32, #tpu.memory_space<vmem>>[vector<16xi32>], vector<16xf32>,
        %bitcast_convert_type3A_142 = tpu.bitcast %gather3A_141 : vector<16xf32> -> vector<16xi32>
        %shift_right_arithmetic3A_143 = arith.constant 31 : i32
        %shift_right_arithmetic3A_144 = vector.broadcast %shift_right_arithmetic3A_143 : i32 to vector<16xi32>
        %shift_right_arithmetic3A_145 = arith.shrsi %bitcast_convert_type3A_142, %shift_right_arithmetic3A_144 : vector<16xi32>
        %and3A_146 = arith.constant 2147483647 : i32
        %and3A_147 = vector.broadcast %and3A_146 : i32 to vector<16xi32>
        %and3A_148 = arith.andi %shift_right_arithmetic3A_145, %and3A_147 : vector<16xi32>
        %xor3A_149 = arith.xori %bitcast_convert_type3A_142, %and3A_148 : vector<16xi32>
        %ge3A = vector.broadcast %xor3A_111 : i32 to vector<16xi32>
        %ge3A_150 = arith.cmpi sge, %xor3A_149, %ge3A : vector<16xi32>
        %all_reduce_population_count3A = tpu.all_reduce %ge3A_150 {dim = 0 : i64, kind = #tpu.reduction_kind<sum>} : vector<16xi1> -> vector<16xi32>
        %slice3A_151 = vector.extract_strided_slice %all_reduce_population_count3A {offsets = [0], sizes = [1], strides = [1]} : vector<16xi32> to vector<1xi32>
        %squeeze3A_152 = vector.extract %slice3A_151[0] : i32 from vector<1xi32>
        %add3A_153 = arith.addi %while3A_134, %squeeze3A_152 : i32
        %gt3A = vector.broadcast %xor3A_111 : i32 to vector<16xi32>
        %gt3A_154 = arith.cmpi sgt, %xor3A_149, %gt3A : vector<16xi32>
        %all_reduce_population_count3A_155 = tpu.all_reduce %gt3A_154 {dim = 0 : i64, kind = #tpu.reduction_kind<sum>} : vector<16xi1> -> vector<16xi32>
        %slice3A_156 = vector.extract_strided_slice %all_reduce_population_count3A_155 {offsets = [0], sizes = [1], strides = [1]} : vector<16xi32> to vector<1xi32>
        %squeeze3A_157 = vector.extract %slice3A_156[0] : i32 from vector<1xi32>
        %add3A_158 = arith.addi %while3A_135, %squeeze3A_157 : i32
        scf.yield %add3A_153, %add3A_158 : i32, i32
      }
      %sub3A = arith.subi %while3A_123#0, %while3A_123#1 : i32
      %sub3A_124 = arith.constant 64 : i32
      %sub3A_125 = arith.subi %sub3A_124, %while3A_123#1 : i32
      %broadcast_in_dim3A_126 = vector.broadcast %xor3A_111 : i32 to vector<16xi32>
      %eq3A = arith.cmpi eq, %sub3A, %sub3A_125 : i32
      %convert_element_type3A_127 = arith.extui %eq3A : i1 to i32
      %cond3A_128 = arith.constant 0 : i32
      %cond3A_129 = arith.cmpi ne, %convert_element_type3A_127, %cond3A_128 : i32
      scf.if %cond3A_129 {
        %while3A_133 = arith.constant 0 : i32
        %while3A_134 = arith.constant 0 : i32
        %while3A_135 = arith.subi %scan3A_21, %while3A_133 : i32
        %while3A_136 = arith.addi %while3A_133, %while3A_135 : i32
        %while3A_137 = arith.constant 1 : i32
        %while3A_138 = arith.divsi %while3A_135, %while3A_137 : i32
        %while3A_139 = arith.muli %while3A_138, %while3A_137 : i32
        %while3A_140 = arith.addi %while3A_133, %while3A_139 : i32
        %while3A_141 = arith.constant 1 : i32
        %while3A_142 = scf.for %while3A_145 = %while3A_133 to %while3A_140 step %while3A_141 iter_args(%while3A_146 = %while3A_134) -> (i32)  : i32 {
          %broadcast_in_dim3A_147 = vector.broadcast %while3A_145 : i32 to vector<16xi32>
          %gather3A = tpu.vector_load_idx %arg12[%broadcast_in_dim3A_147] : memref<2064xi32, #tpu.memory_space<vmem>>[vector<16xi32>], vector<16xi32>,
          %mul3A_148 = arith.constant 2048 : i32
          %mul3A_149 = vector.broadcast %mul3A_148 : i32 to vector<16xi32>
          %mul3A_150 = arith.muli %mul3A_149, %iota3A : vector<16xi32>
          %add3A_151 = arith.addi %gather3A, %mul3A_150 : vector<16xi32>
          %gather3A_152 = tpu.vector_load_idx %arg8[%add3A_151] : memref<32768xf32, #tpu.memory_space<vmem>>[vector<16xi32>], vector<16xf32>,
          %bitcast_convert_type3A_153 = tpu.bitcast %gather3A_152 : vector<16xf32> -> vector<16xi32>
          %shift_right_arithmetic3A_154 = arith.constant 31 : i32
          %shift_right_arithmetic3A_155 = vector.broadcast %shift_right_arithmetic3A_154 : i32 to vector<16xi32>
          %shift_right_arithmetic3A_156 = arith.shrsi %bitcast_convert_type3A_153, %shift_right_arithmetic3A_155 : vector<16xi32>
          %and3A_157 = arith.constant 2147483647 : i32
          %and3A_158 = vector.broadcast %and3A_157 : i32 to vector<16xi32>
          %and3A_159 = arith.andi %shift_right_arithmetic3A_156, %and3A_158 : vector<16xi32>
          %xor3A_160 = arith.xori %bitcast_convert_type3A_153, %and3A_159 : vector<16xi32>
          %ge3A = arith.cmpi sge, %xor3A_160, %broadcast_in_dim3A_126 : vector<16xi32>
          %shift_right_arithmetic3A_161 = arith.constant 31 : i32
          %shift_right_arithmetic3A_162 = vector.broadcast %shift_right_arithmetic3A_161 : i32 to vector<16xi32>
          %shift_right_arithmetic3A_163 = arith.shrsi %xor3A_160, %shift_right_arithmetic3A_162 : vector<16xi32>
          %and3A_164 = arith.constant 2147483647 : i32
          %and3A_165 = vector.broadcast %and3A_164 : i32 to vector<16xi32>
          %and3A_166 = arith.andi %shift_right_arithmetic3A_163, %and3A_165 : vector<16xi32>
          %xor3A_167 = arith.xori %xor3A_160, %and3A_166 : vector<16xi32>
          %bitcast_convert_type3A_168 = tpu.bitcast %xor3A_167 : vector<16xi32> -> vector<16xf32>
          %all_reduce_population_count3A = tpu.all_reduce %ge3A {dim = 0 : i64, kind = #tpu.reduction_kind<sum>} : vector<16xi1> -> vector<16xi32>
          %slice3A_169 = vector.extract_strided_slice %all_reduce_population_count3A {offsets = [0], sizes = [1], strides = [1]} : vector<16xi32> to vector<1xi32>
          %squeeze3A_170 = vector.extract %slice3A_169[0] : i32 from vector<1xi32>
          %gt3A = arith.constant 0 : i32
          %gt3A_171 = arith.cmpi sgt, %squeeze3A_170, %gt3A : i32
          %convert_element_type3A_172 = arith.extui %gt3A_171 : i1 to i32
          %cond3A_173 = arith.constant 0 : i32
          %cond3A_174 = arith.cmpi ne, %convert_element_type3A_172, %cond3A_173 : i32
          scf.if %cond3A_174 {
            %broadcast_in_dim3A_176 = vector.broadcast %while3A_145 : i32 to vector<16xi32>
            %gather3A_177 = tpu.vector_load_idx %arg12[%broadcast_in_dim3A_176] : memref<2064xi32, #tpu.memory_space<vmem>>[vector<16xi32>], vector<16xi32>,
            %mul3A_178 = arith.constant 2048 : i32
            %mul3A_179 = vector.broadcast %mul3A_178 : i32 to vector<16xi32>
            %mul3A_180 = arith.muli %mul3A_179, %iota3A : vector<16xi32>
            %add3A_181 = arith.addi %gather3A_177, %mul3A_180 : vector<16xi32>
            %swap3A_182 = arith.index_cast %while3A_146 : i32 to index
            %swap3A_183 = tpu.vector_load %arg14[%swap3A_182] masked %ge3A {strides = array<i32>} : memref<80xi32, #tpu.memory_space<vmem>>, vector<16xi32>, vector<16xi1>
            tpu.vector_store %arg14[%swap3A_182], %add3A_181 masked %ge3A {strides = array<i32>} : memref<80xi32, #tpu.memory_space<vmem>>, vector<16xi32>, vector<16xi1>
            %swap3A_184 = arith.index_cast %while3A_146 : i32 to index
            %swap3A_185 = tpu.vector_load %arg15[%swap3A_184] masked %ge3A {strides = array<i32>} : memref<80xf32, #tpu.memory_space<vmem>>, vector<16xf32>, vector<16xi1>
            tpu.vector_store %arg15[%swap3A_184], %bitcast_convert_type3A_168 masked %ge3A {strides = array<i32>} : memref<80xf32, #tpu.memory_space<vmem>>, vector<16xf32>, vector<16xi1>
          } else {
          }
          %add3A_175 = arith.addi %while3A_146, %squeeze3A_170 : i32
          scf.yield %add3A_175 : i32
        }
        %while3A_143 = arith.constant 1 : i32
        %while3A_144 = scf.for %while3A_145 = %while3A_140 to %while3A_136 step %while3A_143 iter_args(%while3A_146 = %while3A_142) -> (i32)  : i32 {
          %broadcast_in_dim3A_147 = vector.broadcast %while3A_145 : i32 to vector<16xi32>
          %gather3A = tpu.vector_load_idx %arg12[%broadcast_in_dim3A_147] : memref<2064xi32, #tpu.memory_space<vmem>>[vector<16xi32>], vector<16xi32>,
          %mul3A_148 = arith.constant 2048 : i32
          %mul3A_149 = vector.broadcast %mul3A_148 : i32 to vector<16xi32>
          %mul3A_150 = arith.muli %mul3A_149, %iota3A : vector<16xi32>
          %add3A_151 = arith.addi %gather3A, %mul3A_150 : vector<16xi32>
          %gather3A_152 = tpu.vector_load_idx %arg8[%add3A_151] : memref<32768xf32, #tpu.memory_space<vmem>>[vector<16xi32>], vector<16xf32>,
          %bitcast_convert_type3A_153 = tpu.bitcast %gather3A_152 : vector<16xf32> -> vector<16xi32>
          %shift_right_arithmetic3A_154 = arith.constant 31 : i32
          %shift_right_arithmetic3A_155 = vector.broadcast %shift_right_arithmetic3A_154 : i32 to vector<16xi32>
          %shift_right_arithmetic3A_156 = arith.shrsi %bitcast_convert_type3A_153, %shift_right_arithmetic3A_155 : vector<16xi32>
          %and3A_157 = arith.constant 2147483647 : i32
          %and3A_158 = vector.broadcast %and3A_157 : i32 to vector<16xi32>
          %and3A_159 = arith.andi %shift_right_arithmetic3A_156, %and3A_158 : vector<16xi32>
          %xor3A_160 = arith.xori %bitcast_convert_type3A_153, %and3A_159 : vector<16xi32>
          %ge3A = arith.cmpi sge, %xor3A_160, %broadcast_in_dim3A_126 : vector<16xi32>
          %shift_right_arithmetic3A_161 = arith.constant 31 : i32
          %shift_right_arithmetic3A_162 = vector.broadcast %shift_right_arithmetic3A_161 : i32 to vector<16xi32>
          %shift_right_arithmetic3A_163 = arith.shrsi %xor3A_160, %shift_right_arithmetic3A_162 : vector<16xi32>
          %and3A_164 = arith.constant 2147483647 : i32
          %and3A_165 = vector.broadcast %and3A_164 : i32 to vector<16xi32>
          %and3A_166 = arith.andi %shift_right_arithmetic3A_163, %and3A_165 : vector<16xi32>
          %xor3A_167 = arith.xori %xor3A_160, %and3A_166 : vector<16xi32>
          %bitcast_convert_type3A_168 = tpu.bitcast %xor3A_167 : vector<16xi32> -> vector<16xf32>
          %all_reduce_population_count3A = tpu.all_reduce %ge3A {dim = 0 : i64, kind = #tpu.reduction_kind<sum>} : vector<16xi1> -> vector<16xi32>
          %slice3A_169 = vector.extract_strided_slice %all_reduce_population_count3A {offsets = [0], sizes = [1], strides = [1]} : vector<16xi32> to vector<1xi32>
          %squeeze3A_170 = vector.extract %slice3A_169[0] : i32 from vector<1xi32>
          %gt3A = arith.constant 0 : i32
          %gt3A_171 = arith.cmpi sgt, %squeeze3A_170, %gt3A : i32
          %convert_element_type3A_172 = arith.extui %gt3A_171 : i1 to i32
          %cond3A_173 = arith.constant 0 : i32
          %cond3A_174 = arith.cmpi ne, %convert_element_type3A_172, %cond3A_173 : i32
          scf.if %cond3A_174 {
            %broadcast_in_dim3A_176 = vector.broadcast %while3A_145 : i32 to vector<16xi32>
            %gather3A_177 = tpu.vector_load_idx %arg12[%broadcast_in_dim3A_176] : memref<2064xi32, #tpu.memory_space<vmem>>[vector<16xi32>], vector<16xi32>,
            %mul3A_178 = arith.constant 2048 : i32
            %mul3A_179 = vector.broadcast %mul3A_178 : i32 to vector<16xi32>
            %mul3A_180 = arith.muli %mul3A_179, %iota3A : vector<16xi32>
            %add3A_181 = arith.addi %gather3A_177, %mul3A_180 : vector<16xi32>
            %swap3A_182 = arith.index_cast %while3A_146 : i32 to index
            %swap3A_183 = tpu.vector_load %arg14[%swap3A_182] masked %ge3A {strides = array<i32>} : memref<80xi32, #tpu.memory_space<vmem>>, vector<16xi32>, vector<16xi1>
            tpu.vector_store %arg14[%swap3A_182], %add3A_181 masked %ge3A {strides = array<i32>} : memref<80xi32, #tpu.memory_space<vmem>>, vector<16xi32>, vector<16xi1>
            %swap3A_184 = arith.index_cast %while3A_146 : i32 to index
            %swap3A_185 = tpu.vector_load %arg15[%swap3A_184] masked %ge3A {strides = array<i32>} : memref<80xf32, #tpu.memory_space<vmem>>, vector<16xf32>, vector<16xi1>
            tpu.vector_store %arg15[%swap3A_184], %bitcast_convert_type3A_168 masked %ge3A {strides = array<i32>} : memref<80xf32, #tpu.memory_space<vmem>>, vector<16xf32>, vector<16xi1>
          } else {
          }
          %add3A_175 = arith.addi %while3A_146, %squeeze3A_170 : i32
          scf.yield %add3A_175 : i32
        }
      } else {
      }
      %ne3A = arith.cmpi ne, %sub3A, %sub3A_125 : i32
      %convert_element_type3A_130 = arith.extui %ne3A : i1 to i32
      %cond3A_131 = arith.constant 0 : i32
      %cond3A_132 = arith.cmpi ne, %convert_element_type3A_130, %cond3A_131 : i32
      scf.if %cond3A_132 {
        %while3A_133 = arith.constant 0 : i32
        %while3A_134 = arith.constant 0 : i32
        %while3A_135 = arith.subi %scan3A_21, %while3A_133 : i32
        %while3A_136 = arith.addi %while3A_133, %while3A_135 : i32
        %while3A_137 = arith.constant 1 : i32
        %while3A_138 = arith.divsi %while3A_135, %while3A_137 : i32
        %while3A_139 = arith.muli %while3A_138, %while3A_137 : i32
        %while3A_140 = arith.addi %while3A_133, %while3A_139 : i32
        %while3A_141 = arith.constant 1 : i32
        %while3A_142 = scf.for %while3A_163 = %while3A_133 to %while3A_140 step %while3A_141 iter_args(%while3A_164 = %while3A_134) -> (i32)  : i32 {
          %broadcast_in_dim3A_165 = vector.broadcast %while3A_163 : i32 to vector<16xi32>
          %gather3A = tpu.vector_load_idx %arg12[%broadcast_in_dim3A_165] : memref<2064xi32, #tpu.memory_space<vmem>>[vector<16xi32>], vector<16xi32>,
          %mul3A_166 = arith.constant 2048 : i32
          %mul3A_167 = vector.broadcast %mul3A_166 : i32 to vector<16xi32>
          %mul3A_168 = arith.muli %mul3A_167, %iota3A : vector<16xi32>
          %add3A_169 = arith.addi %gather3A, %mul3A_168 : vector<16xi32>
          %gather3A_170 = tpu.vector_load_idx %arg8[%add3A_169] : memref<32768xf32, #tpu.memory_space<vmem>>[vector<16xi32>], vector<16xf32>,
          %bitcast_convert_type3A_171 = tpu.bitcast %gather3A_170 : vector<16xf32> -> vector<16xi32>
          %shift_right_arithmetic3A_172 = arith.constant 31 : i32
          %shift_right_arithmetic3A_173 = vector.broadcast %shift_right_arithmetic3A_172 : i32 to vector<16xi32>
          %shift_right_arithmetic3A_174 = arith.shrsi %bitcast_convert_type3A_171, %shift_right_arithmetic3A_173 : vector<16xi32>
          %and3A_175 = arith.constant 2147483647 : i32
          %and3A_176 = vector.broadcast %and3A_175 : i32 to vector<16xi32>
          %and3A_177 = arith.andi %shift_right_arithmetic3A_174, %and3A_176 : vector<16xi32>
          %xor3A_178 = arith.xori %bitcast_convert_type3A_171, %and3A_177 : vector<16xi32>
          %gt3A = arith.cmpi sgt, %xor3A_178, %broadcast_in_dim3A_126 : vector<16xi32>
          %shift_right_arithmetic3A_179 = arith.constant 31 : i32
          %shift_right_arithmetic3A_180 = vector.broadcast %shift_right_arithmetic3A_179 : i32 to vector<16xi32>
          %shift_right_arithmetic3A_181 = arith.shrsi %xor3A_178, %shift_right_arithmetic3A_180 : vector<16xi32>
          %and3A_182 = arith.constant 2147483647 : i32
          %and3A_183 = vector.broadcast %and3A_182 : i32 to vector<16xi32>
          %and3A_184 = arith.andi %shift_right_arithmetic3A_181, %and3A_183 : vector<16xi32>
          %xor3A_185 = arith.xori %xor3A_178, %and3A_184 : vector<16xi32>
          %bitcast_convert_type3A_186 = tpu.bitcast %xor3A_185 : vector<16xi32> -> vector<16xf32>
          %all_reduce_population_count3A = tpu.all_reduce %gt3A {dim = 0 : i64, kind = #tpu.reduction_kind<sum>} : vector<16xi1> -> vector<16xi32>
          %slice3A_187 = vector.extract_strided_slice %all_reduce_population_count3A {offsets = [0], sizes = [1], strides = [1]} : vector<16xi32> to vector<1xi32>
          %squeeze3A_188 = vector.extract %slice3A_187[0] : i32 from vector<1xi32>
          %gt3A_189 = arith.constant 0 : i32
          %gt3A_190 = arith.cmpi sgt, %squeeze3A_188, %gt3A_189 : i32
          %convert_element_type3A_191 = arith.extui %gt3A_190 : i1 to i32
          %cond3A_192 = arith.constant 0 : i32
          %cond3A_193 = arith.cmpi ne, %convert_element_type3A_191, %cond3A_192 : i32
          scf.if %cond3A_193 {
            %broadcast_in_dim3A_195 = vector.broadcast %while3A_163 : i32 to vector<16xi32>
            %gather3A_196 = tpu.vector_load_idx %arg12[%broadcast_in_dim3A_195] : memref<2064xi32, #tpu.memory_space<vmem>>[vector<16xi32>], vector<16xi32>,
            %mul3A_197 = arith.constant 2048 : i32
            %mul3A_198 = vector.broadcast %mul3A_197 : i32 to vector<16xi32>
            %mul3A_199 = arith.muli %mul3A_198, %iota3A : vector<16xi32>
            %add3A_200 = arith.addi %gather3A_196, %mul3A_199 : vector<16xi32>
            %swap3A_201 = arith.index_cast %while3A_164 : i32 to index
            %swap3A_202 = tpu.vector_load %arg14[%swap3A_201] masked %gt3A {strides = array<i32>} : memref<80xi32, #tpu.memory_space<vmem>>, vector<16xi32>, vector<16xi1>
            tpu.vector_store %arg14[%swap3A_201], %add3A_200 masked %gt3A {strides = array<i32>} : memref<80xi32, #tpu.memory_space<vmem>>, vector<16xi32>, vector<16xi1>
            %swap3A_203 = arith.index_cast %while3A_164 : i32 to index
            %swap3A_204 = tpu.vector_load %arg15[%swap3A_203] masked %gt3A {strides = array<i32>} : memref<80xf32, #tpu.memory_space<vmem>>, vector<16xf32>, vector<16xi1>
            tpu.vector_store %arg15[%swap3A_203], %bitcast_convert_type3A_186 masked %gt3A {strides = array<i32>} : memref<80xf32, #tpu.memory_space<vmem>>, vector<16xf32>, vector<16xi1>
          } else {
          }
          %add3A_194 = arith.addi %while3A_164, %squeeze3A_188 : i32
          scf.yield %add3A_194 : i32
        }
        %while3A_143 = arith.constant 1 : i32
        %while3A_144 = scf.for %while3A_163 = %while3A_140 to %while3A_136 step %while3A_143 iter_args(%while3A_164 = %while3A_142) -> (i32)  : i32 {
          %broadcast_in_dim3A_165 = vector.broadcast %while3A_163 : i32 to vector<16xi32>
          %gather3A = tpu.vector_load_idx %arg12[%broadcast_in_dim3A_165] : memref<2064xi32, #tpu.memory_space<vmem>>[vector<16xi32>], vector<16xi32>,
          %mul3A_166 = arith.constant 2048 : i32
          %mul3A_167 = vector.broadcast %mul3A_166 : i32 to vector<16xi32>
          %mul3A_168 = arith.muli %mul3A_167, %iota3A : vector<16xi32>
          %add3A_169 = arith.addi %gather3A, %mul3A_168 : vector<16xi32>
          %gather3A_170 = tpu.vector_load_idx %arg8[%add3A_169] : memref<32768xf32, #tpu.memory_space<vmem>>[vector<16xi32>], vector<16xf32>,
          %bitcast_convert_type3A_171 = tpu.bitcast %gather3A_170 : vector<16xf32> -> vector<16xi32>
          %shift_right_arithmetic3A_172 = arith.constant 31 : i32
          %shift_right_arithmetic3A_173 = vector.broadcast %shift_right_arithmetic3A_172 : i32 to vector<16xi32>
          %shift_right_arithmetic3A_174 = arith.shrsi %bitcast_convert_type3A_171, %shift_right_arithmetic3A_173 : vector<16xi32>
          %and3A_175 = arith.constant 2147483647 : i32
          %and3A_176 = vector.broadcast %and3A_175 : i32 to vector<16xi32>
          %and3A_177 = arith.andi %shift_right_arithmetic3A_174, %and3A_176 : vector<16xi32>
          %xor3A_178 = arith.xori %bitcast_convert_type3A_171, %and3A_177 : vector<16xi32>
          %gt3A = arith.cmpi sgt, %xor3A_178, %broadcast_in_dim3A_126 : vector<16xi32>
          %shift_right_arithmetic3A_179 = arith.constant 31 : i32
          %shift_right_arithmetic3A_180 = vector.broadcast %shift_right_arithmetic3A_179 : i32 to vector<16xi32>
          %shift_right_arithmetic3A_181 = arith.shrsi %xor3A_178, %shift_right_arithmetic3A_180 : vector<16xi32>
          %and3A_182 = arith.constant 2147483647 : i32
          %and3A_183 = vector.broadcast %and3A_182 : i32 to vector<16xi32>
          %and3A_184 = arith.andi %shift_right_arithmetic3A_181, %and3A_183 : vector<16xi32>
          %xor3A_185 = arith.xori %xor3A_178, %and3A_184 : vector<16xi32>
          %bitcast_convert_type3A_186 = tpu.bitcast %xor3A_185 : vector<16xi32> -> vector<16xf32>
          %all_reduce_population_count3A = tpu.all_reduce %gt3A {dim = 0 : i64, kind = #tpu.reduction_kind<sum>} : vector<16xi1> -> vector<16xi32>
          %slice3A_187 = vector.extract_strided_slice %all_reduce_population_count3A {offsets = [0], sizes = [1], strides = [1]} : vector<16xi32> to vector<1xi32>
          %squeeze3A_188 = vector.extract %slice3A_187[0] : i32 from vector<1xi32>
          %gt3A_189 = arith.constant 0 : i32
          %gt3A_190 = arith.cmpi sgt, %squeeze3A_188, %gt3A_189 : i32
          %convert_element_type3A_191 = arith.extui %gt3A_190 : i1 to i32
          %cond3A_192 = arith.constant 0 : i32
          %cond3A_193 = arith.cmpi ne, %convert_element_type3A_191, %cond3A_192 : i32
          scf.if %cond3A_193 {
            %broadcast_in_dim3A_195 = vector.broadcast %while3A_163 : i32 to vector<16xi32>
            %gather3A_196 = tpu.vector_load_idx %arg12[%broadcast_in_dim3A_195] : memref<2064xi32, #tpu.memory_space<vmem>>[vector<16xi32>], vector<16xi32>,
            %mul3A_197 = arith.constant 2048 : i32
            %mul3A_198 = vector.broadcast %mul3A_197 : i32 to vector<16xi32>
            %mul3A_199 = arith.muli %mul3A_198, %iota3A : vector<16xi32>
            %add3A_200 = arith.addi %gather3A_196, %mul3A_199 : vector<16xi32>
            %swap3A_201 = arith.index_cast %while3A_164 : i32 to index
            %swap3A_202 = tpu.vector_load %arg14[%swap3A_201] masked %gt3A {strides = array<i32>} : memref<80xi32, #tpu.memory_space<vmem>>, vector<16xi32>, vector<16xi1>
            tpu.vector_store %arg14[%swap3A_201], %add3A_200 masked %gt3A {strides = array<i32>} : memref<80xi32, #tpu.memory_space<vmem>>, vector<16xi32>, vector<16xi1>
            %swap3A_203 = arith.index_cast %while3A_164 : i32 to index
            %swap3A_204 = tpu.vector_load %arg15[%swap3A_203] masked %gt3A {strides = array<i32>} : memref<80xf32, #tpu.memory_space<vmem>>, vector<16xf32>, vector<16xi1>
            tpu.vector_store %arg15[%swap3A_203], %bitcast_convert_type3A_186 masked %gt3A {strides = array<i32>} : memref<80xf32, #tpu.memory_space<vmem>>, vector<16xf32>, vector<16xi1>
          } else {
          }
          %add3A_194 = arith.addi %while3A_164, %squeeze3A_188 : i32
          scf.yield %add3A_194 : i32
        }
        %scan3A_145 = arith.constant 0 : i32
        %scan3A_146 = arith.constant 0 : i32
        %scan3A_147 = arith.constant 15 : i32
        %scan3A_148 = arith.addi %scan3A_146, %scan3A_147 : i32
        %scan3A_149 = arith.constant 1 : i32
        %scan3A_150 = scf.for %scan3A_163 = %scan3A_146 to %scan3A_148 step %scan3A_149 iter_args(%scan3A_164 = %scan3A_145) -> (i32)  : i32 {
          %sub3A_165 = arith.constant 14 : i32
          %sub3A_166 = arith.subi %sub3A_165, %scan3A_163 : i32
          %shift_left3A = arith.constant 1 : i32
          %shift_left3A_167 = arith.shli %shift_left3A, %sub3A_166 : i32
          %add3A_168 = arith.addi %scan3A_164, %shift_left3A_167 : i32
          %sub3A_169 = arith.constant 1 : i32
          %sub3A_170 = arith.subi %add3A_168, %sub3A_169 : i32
          %while3A_171 = arith.constant 0 : i32
          %while3A_172 = arith.constant 0 : i32
          %while3A_173 = arith.subi %scan3A_21, %while3A_171 : i32
          %while3A_174 = arith.addi %while3A_171, %while3A_173 : i32
          %while3A_175 = arith.constant 1 : i32
          %while3A_176 = arith.divsi %while3A_173, %while3A_175 : i32
          %while3A_177 = arith.muli %while3A_176, %while3A_175 : i32
          %while3A_178 = arith.addi %while3A_171, %while3A_177 : i32
          %while3A_179 = arith.constant 1 : i32
          %while3A_180 = scf.for %while3A_184 = %while3A_171 to %while3A_178 step %while3A_179 iter_args(%while3A_185 = %while3A_172) -> (i32)  : i32 {
            %broadcast_in_dim3A_186 = vector.broadcast %while3A_184 : i32 to vector<16xi32>
            %gather3A = tpu.vector_load_idx %arg12[%broadcast_in_dim3A_186] : memref<2064xi32, #tpu.memory_space<vmem>>[vector<16xi32>], vector<16xi32>,
            %mul3A_187 = arith.constant 2048 : i32
            %mul3A_188 = vector.broadcast %mul3A_187 : i32 to vector<16xi32>
            %mul3A_189 = arith.muli %mul3A_188, %iota3A : vector<16xi32>
            %add3A_190 = arith.addi %gather3A, %mul3A_189 : vector<16xi32>
            %gather3A_191 = tpu.vector_load_idx %arg8[%add3A_190] : memref<32768xf32, #tpu.memory_space<vmem>>[vector<16xi32>], vector<16xf32>,
            %bitcast_convert_type3A_192 = tpu.bitcast %gather3A_191 : vector<16xf32> -> vector<16xi32>
            %shift_right_arithmetic3A_193 = arith.constant 31 : i32
            %shift_right_arithmetic3A_194 = vector.broadcast %shift_right_arithmetic3A_193 : i32 to vector<16xi32>
            %shift_right_arithmetic3A_195 = arith.shrsi %bitcast_convert_type3A_192, %shift_right_arithmetic3A_194 : vector<16xi32>
            %and3A_196 = arith.constant 2147483647 : i32
            %and3A_197 = vector.broadcast %and3A_196 : i32 to vector<16xi32>
            %and3A_198 = arith.andi %shift_right_arithmetic3A_195, %and3A_197 : vector<16xi32>
            %xor3A_199 = arith.xori %bitcast_convert_type3A_192, %and3A_198 : vector<16xi32>
            %eq3A_200 = arith.cmpi eq, %xor3A_199, %broadcast_in_dim3A_126 : vector<16xi32>
            %broadcast_in_dim3A_201 = vector.broadcast %while3A_184 : i32 to vector<16xi32>
            %gather3A_202 = tpu.vector_load_idx %arg12[%broadcast_in_dim3A_201] : memref<2064xi32, #tpu.memory_space<vmem>>[vector<16xi32>], vector<16xi32>,
            %mul3A_203 = arith.constant 2048 : i32
            %mul3A_204 = vector.broadcast %mul3A_203 : i32 to vector<16xi32>
            %mul3A_205 = arith.muli %mul3A_204, %iota3A : vector<16xi32>
            %add3A_206 = arith.addi %gather3A_202, %mul3A_205 : vector<16xi32>
            %le3A_207 = vector.broadcast %sub3A_170 : i32 to vector<16xi32>
            %le3A_208 = arith.cmpi sle, %add3A_206, %le3A_207 : vector<16xi32>
            %and3A_209 = arith.andi %eq3A_200, %le3A_208 : vector<16xi1>
            %all_reduce_population_count3A = tpu.all_reduce %and3A_209 {dim = 0 : i64, kind = #tpu.reduction_kind<sum>} : vector<16xi1> -> vector<16xi32>
            %slice3A_210 = vector.extract_strided_slice %all_reduce_population_count3A {offsets = [0], sizes = [1], strides = [1]} : vector<16xi32> to vector<1xi32>
            %squeeze3A_211 = vector.extract %slice3A_210[0] : i32 from vector<1xi32>
            %add3A_212 = arith.addi %while3A_185, %squeeze3A_211 : i32
            scf.yield %add3A_212 : i32
          }
          %while3A_181 = arith.constant 1 : i32
          %while3A_182 = scf.for %while3A_184 = %while3A_178 to %while3A_174 step %while3A_181 iter_args(%while3A_185 = %while3A_180) -> (i32)  : i32 {
            %broadcast_in_dim3A_186 = vector.broadcast %while3A_184 : i32 to vector<16xi32>
            %gather3A = tpu.vector_load_idx %arg12[%broadcast_in_dim3A_186] : memref<2064xi32, #tpu.memory_space<vmem>>[vector<16xi32>], vector<16xi32>,
            %mul3A_187 = arith.constant 2048 : i32
            %mul3A_188 = vector.broadcast %mul3A_187 : i32 to vector<16xi32>
            %mul3A_189 = arith.muli %mul3A_188, %iota3A : vector<16xi32>
            %add3A_190 = arith.addi %gather3A, %mul3A_189 : vector<16xi32>
            %gather3A_191 = tpu.vector_load_idx %arg8[%add3A_190] : memref<32768xf32, #tpu.memory_space<vmem>>[vector<16xi32>], vector<16xf32>,
            %bitcast_convert_type3A_192 = tpu.bitcast %gather3A_191 : vector<16xf32> -> vector<16xi32>
            %shift_right_arithmetic3A_193 = arith.constant 31 : i32
            %shift_right_arithmetic3A_194 = vector.broadcast %shift_right_arithmetic3A_193 : i32 to vector<16xi32>
            %shift_right_arithmetic3A_195 = arith.shrsi %bitcast_convert_type3A_192, %shift_right_arithmetic3A_194 : vector<16xi32>
            %and3A_196 = arith.constant 2147483647 : i32
            %and3A_197 = vector.broadcast %and3A_196 : i32 to vector<16xi32>
            %and3A_198 = arith.andi %shift_right_arithmetic3A_195, %and3A_197 : vector<16xi32>
            %xor3A_199 = arith.xori %bitcast_convert_type3A_192, %and3A_198 : vector<16xi32>
            %eq3A_200 = arith.cmpi eq, %xor3A_199, %broadcast_in_dim3A_126 : vector<16xi32>
            %broadcast_in_dim3A_201 = vector.broadcast %while3A_184 : i32 to vector<16xi32>
            %gather3A_202 = tpu.vector_load_idx %arg12[%broadcast_in_dim3A_201] : memref<2064xi32, #tpu.memory_space<vmem>>[vector<16xi32>], vector<16xi32>,
            %mul3A_203 = arith.constant 2048 : i32
            %mul3A_204 = vector.broadcast %mul3A_203 : i32 to vector<16xi32>
            %mul3A_205 = arith.muli %mul3A_204, %iota3A : vector<16xi32>
            %add3A_206 = arith.addi %gather3A_202, %mul3A_205 : vector<16xi32>
            %le3A_207 = vector.broadcast %sub3A_170 : i32 to vector<16xi32>
            %le3A_208 = arith.cmpi sle, %add3A_206, %le3A_207 : vector<16xi32>
            %and3A_209 = arith.andi %eq3A_200, %le3A_208 : vector<16xi1>
            %all_reduce_population_count3A = tpu.all_reduce %and3A_209 {dim = 0 : i64, kind = #tpu.reduction_kind<sum>} : vector<16xi1> -> vector<16xi32>
            %slice3A_210 = vector.extract_strided_slice %all_reduce_population_count3A {offsets = [0], sizes = [1], strides = [1]} : vector<16xi32> to vector<1xi32>
            %squeeze3A_211 = vector.extract %slice3A_210[0] : i32 from vector<1xi32>
            %add3A_212 = arith.addi %while3A_185, %squeeze3A_211 : i32
            scf.yield %add3A_212 : i32
          }
          %ge3A = arith.cmpi sge, %while3A_182, %sub3A_125 : i32
          %add3A_183 = arith.addi %scan3A_164, %shift_left3A_167 : i32
          %select_n3A = arith.select %ge3A, %scan3A_164, %add3A_183 : i32
          scf.yield %select_n3A : i32
        }
        %scan3A_151 = arith.constant 15 : i32
        %while3A_152 = arith.constant 0 : i32
        %while3A_153 = arith.subi %scan3A_21, %while3A_152 : i32
        %while3A_154 = arith.addi %while3A_152, %while3A_153 : i32
        %while3A_155 = arith.constant 1 : i32
        %while3A_156 = arith.divsi %while3A_153, %while3A_155 : i32
        %while3A_157 = arith.muli %while3A_156, %while3A_155 : i32
        %while3A_158 = arith.addi %while3A_152, %while3A_157 : i32
        %while3A_159 = arith.constant 1 : i32
        %while3A_160 = scf.for %while3A_163 = %while3A_152 to %while3A_158 step %while3A_159 iter_args(%while3A_164 = %while3A_144) -> (i32)  : i32 {
          %broadcast_in_dim3A_165 = vector.broadcast %while3A_163 : i32 to vector<16xi32>
          %gather3A = tpu.vector_load_idx %arg12[%broadcast_in_dim3A_165] : memref<2064xi32, #tpu.memory_space<vmem>>[vector<16xi32>], vector<16xi32>,
          %mul3A_166 = arith.constant 2048 : i32
          %mul3A_167 = vector.broadcast %mul3A_166 : i32 to vector<16xi32>
          %mul3A_168 = arith.muli %mul3A_167, %iota3A : vector<16xi32>
          %add3A_169 = arith.addi %gather3A, %mul3A_168 : vector<16xi32>
          %gather3A_170 = tpu.vector_load_idx %arg8[%add3A_169] : memref<32768xf32, #tpu.memory_space<vmem>>[vector<16xi32>], vector<16xf32>,
          %bitcast_convert_type3A_171 = tpu.bitcast %gather3A_170 : vector<16xf32> -> vector<16xi32>
          %shift_right_arithmetic3A_172 = arith.constant 31 : i32
          %shift_right_arithmetic3A_173 = vector.broadcast %shift_right_arithmetic3A_172 : i32 to vector<16xi32>
          %shift_right_arithmetic3A_174 = arith.shrsi %bitcast_convert_type3A_171, %shift_right_arithmetic3A_173 : vector<16xi32>
          %and3A_175 = arith.constant 2147483647 : i32
          %and3A_176 = vector.broadcast %and3A_175 : i32 to vector<16xi32>
          %and3A_177 = arith.andi %shift_right_arithmetic3A_174, %and3A_176 : vector<16xi32>
          %xor3A_178 = arith.xori %bitcast_convert_type3A_171, %and3A_177 : vector<16xi32>
          %broadcast_in_dim3A_179 = vector.broadcast %while3A_163 : i32 to vector<16xi32>
          %gather3A_180 = tpu.vector_load_idx %arg12[%broadcast_in_dim3A_179] : memref<2064xi32, #tpu.memory_space<vmem>>[vector<16xi32>], vector<16xi32>,
          %mul3A_181 = arith.constant 2048 : i32
          %mul3A_182 = vector.broadcast %mul3A_181 : i32 to vector<16xi32>
          %mul3A_183 = arith.muli %mul3A_182, %iota3A : vector<16xi32>
          %add3A_184 = arith.addi %gather3A_180, %mul3A_183 : vector<16xi32>
          %eq3A_185 = arith.cmpi eq, %xor3A_178, %broadcast_in_dim3A_126 : vector<16xi32>
          %le3A_186 = vector.broadcast %scan3A_150 : i32 to vector<16xi32>
          %le3A_187 = arith.cmpi sle, %add3A_184, %le3A_186 : vector<16xi32>
          %and3A_188 = arith.andi %eq3A_185, %le3A_187 : vector<16xi1>
          %shift_right_arithmetic3A_189 = arith.constant 31 : i32
          %shift_right_arithmetic3A_190 = vector.broadcast %shift_right_arithmetic3A_189 : i32 to vector<16xi32>
          %shift_right_arithmetic3A_191 = arith.shrsi %xor3A_178, %shift_right_arithmetic3A_190 : vector<16xi32>
          %and3A_192 = arith.constant 2147483647 : i32
          %and3A_193 = vector.broadcast %and3A_192 : i32 to vector<16xi32>
          %and3A_194 = arith.andi %shift_right_arithmetic3A_191, %and3A_193 : vector<16xi32>
          %xor3A_195 = arith.xori %xor3A_178, %and3A_194 : vector<16xi32>
          %bitcast_convert_type3A_196 = tpu.bitcast %xor3A_195 : vector<16xi32> -> vector<16xf32>
          %all_reduce_population_count3A = tpu.all_reduce %and3A_188 {dim = 0 : i64, kind = #tpu.reduction_kind<sum>} : vector<16xi1> -> vector<16xi32>
          %slice3A_197 = vector.extract_strided_slice %all_reduce_population_count3A {offsets = [0], sizes = [1], strides = [1]} : vector<16xi32> to vector<1xi32>
          %squeeze3A_198 = vector.extract %slice3A_197[0] : i32 from vector<1xi32>
          %gt3A = arith.constant 0 : i32
          %gt3A_199 = arith.cmpi sgt, %squeeze3A_198, %gt3A : i32
          %convert_element_type3A_200 = arith.extui %gt3A_199 : i1 to i32
          %cond3A_201 = arith.constant 0 : i32
          %cond3A_202 = arith.cmpi ne, %convert_element_type3A_200, %cond3A_201 : i32
          scf.if %cond3A_202 {
            %swap3A_204 = arith.index_cast %while3A_164 : i32 to index
            %swap3A_205 = tpu.vector_load %arg14[%swap3A_204] masked %and3A_188 {strides = array<i32>} : memref<80xi32, #tpu.memory_space<vmem>>, vector<16xi32>, vector<16xi1>
            tpu.vector_store %arg14[%swap3A_204], %add3A_184 masked %and3A_188 {strides = array<i32>} : memref<80xi32, #tpu.memory_space<vmem>>, vector<16xi32>, vector<16xi1>
            %swap3A_206 = arith.index_cast %while3A_164 : i32 to index
            %swap3A_207 = tpu.vector_load %arg15[%swap3A_206] masked %and3A_188 {strides = array<i32>} : memref<80xf32, #tpu.memory_space<vmem>>, vector<16xf32>, vector<16xi1>
            tpu.vector_store %arg15[%swap3A_206], %bitcast_convert_type3A_196 masked %and3A_188 {strides = array<i32>} : memref<80xf32, #tpu.memory_space<vmem>>, vector<16xf32>, vector<16xi1>
          } else {
          }
          %add3A_203 = arith.addi %while3A_164, %squeeze3A_198 : i32
          scf.yield %add3A_203 : i32
        }
        %while3A_161 = arith.constant 1 : i32
        %while3A_162 = scf.for %while3A_163 = %while3A_158 to %while3A_154 step %while3A_161 iter_args(%while3A_164 = %while3A_160) -> (i32)  : i32 {
          %broadcast_in_dim3A_165 = vector.broadcast %while3A_163 : i32 to vector<16xi32>
          %gather3A = tpu.vector_load_idx %arg12[%broadcast_in_dim3A_165] : memref<2064xi32, #tpu.memory_space<vmem>>[vector<16xi32>], vector<16xi32>,
          %mul3A_166 = arith.constant 2048 : i32
          %mul3A_167 = vector.broadcast %mul3A_166 : i32 to vector<16xi32>
          %mul3A_168 = arith.muli %mul3A_167, %iota3A : vector<16xi32>
          %add3A_169 = arith.addi %gather3A, %mul3A_168 : vector<16xi32>
          %gather3A_170 = tpu.vector_load_idx %arg8[%add3A_169] : memref<32768xf32, #tpu.memory_space<vmem>>[vector<16xi32>], vector<16xf32>,
          %bitcast_convert_type3A_171 = tpu.bitcast %gather3A_170 : vector<16xf32> -> vector<16xi32>
          %shift_right_arithmetic3A_172 = arith.constant 31 : i32
          %shift_right_arithmetic3A_173 = vector.broadcast %shift_right_arithmetic3A_172 : i32 to vector<16xi32>
          %shift_right_arithmetic3A_174 = arith.shrsi %bitcast_convert_type3A_171, %shift_right_arithmetic3A_173 : vector<16xi32>
          %and3A_175 = arith.constant 2147483647 : i32
          %and3A_176 = vector.broadcast %and3A_175 : i32 to vector<16xi32>
          %and3A_177 = arith.andi %shift_right_arithmetic3A_174, %and3A_176 : vector<16xi32>
          %xor3A_178 = arith.xori %bitcast_convert_type3A_171, %and3A_177 : vector<16xi32>
          %broadcast_in_dim3A_179 = vector.broadcast %while3A_163 : i32 to vector<16xi32>
          %gather3A_180 = tpu.vector_load_idx %arg12[%broadcast_in_dim3A_179] : memref<2064xi32, #tpu.memory_space<vmem>>[vector<16xi32>], vector<16xi32>,
          %mul3A_181 = arith.constant 2048 : i32
          %mul3A_182 = vector.broadcast %mul3A_181 : i32 to vector<16xi32>
          %mul3A_183 = arith.muli %mul3A_182, %iota3A : vector<16xi32>
          %add3A_184 = arith.addi %gather3A_180, %mul3A_183 : vector<16xi32>
          %eq3A_185 = arith.cmpi eq, %xor3A_178, %broadcast_in_dim3A_126 : vector<16xi32>
          %le3A_186 = vector.broadcast %scan3A_150 : i32 to vector<16xi32>
          %le3A_187 = arith.cmpi sle, %add3A_184, %le3A_186 : vector<16xi32>
          %and3A_188 = arith.andi %eq3A_185, %le3A_187 : vector<16xi1>
          %shift_right_arithmetic3A_189 = arith.constant 31 : i32
          %shift_right_arithmetic3A_190 = vector.broadcast %shift_right_arithmetic3A_189 : i32 to vector<16xi32>
          %shift_right_arithmetic3A_191 = arith.shrsi %xor3A_178, %shift_right_arithmetic3A_190 : vector<16xi32>
          %and3A_192 = arith.constant 2147483647 : i32
          %and3A_193 = vector.broadcast %and3A_192 : i32 to vector<16xi32>
          %and3A_194 = arith.andi %shift_right_arithmetic3A_191, %and3A_193 : vector<16xi32>
          %xor3A_195 = arith.xori %xor3A_178, %and3A_194 : vector<16xi32>
          %bitcast_convert_type3A_196 = tpu.bitcast %xor3A_195 : vector<16xi32> -> vector<16xf32>
          %all_reduce_population_count3A = tpu.all_reduce %and3A_188 {dim = 0 : i64, kind = #tpu.reduction_kind<sum>} : vector<16xi1> -> vector<16xi32>
          %slice3A_197 = vector.extract_strided_slice %all_reduce_population_count3A {offsets = [0], sizes = [1], strides = [1]} : vector<16xi32> to vector<1xi32>
          %squeeze3A_198 = vector.extract %slice3A_197[0] : i32 from vector<1xi32>
          %gt3A = arith.constant 0 : i32
          %gt3A_199 = arith.cmpi sgt, %squeeze3A_198, %gt3A : i32
          %convert_element_type3A_200 = arith.extui %gt3A_199 : i1 to i32
          %cond3A_201 = arith.constant 0 : i32
          %cond3A_202 = arith.cmpi ne, %convert_element_type3A_200, %cond3A_201 : i32
          scf.if %cond3A_202 {
            %swap3A_204 = arith.index_cast %while3A_164 : i32 to index
            %swap3A_205 = tpu.vector_load %arg14[%swap3A_204] masked %and3A_188 {strides = array<i32>} : memref<80xi32, #tpu.memory_space<vmem>>, vector<16xi32>, vector<16xi1>
            tpu.vector_store %arg14[%swap3A_204], %add3A_184 masked %and3A_188 {strides = array<i32>} : memref<80xi32, #tpu.memory_space<vmem>>, vector<16xi32>, vector<16xi1>
            %swap3A_206 = arith.index_cast %while3A_164 : i32 to index
            %swap3A_207 = tpu.vector_load %arg15[%swap3A_206] masked %and3A_188 {strides = array<i32>} : memref<80xf32, #tpu.memory_space<vmem>>, vector<16xf32>, vector<16xi1>
            tpu.vector_store %arg15[%swap3A_206], %bitcast_convert_type3A_196 masked %and3A_188 {strides = array<i32>} : memref<80xf32, #tpu.memory_space<vmem>>, vector<16xf32>, vector<16xi1>
          } else {
          }
          %add3A_203 = arith.addi %while3A_164, %squeeze3A_198 : i32
          scf.yield %add3A_203 : i32
        }
      } else {
      }
    } else {
    }
    %dma_start3A_38 = arith.constant 0 : i32
    %dma_start3A_39 = tpu.memref_slice %arg14[%dma_start3A_38] : memref<80xi32, #tpu.memory_space<vmem>> -> memref<32xi32, #tpu.memory_space<vmem>>
    %dma_start3A_40 = arith.constant 0 : i32
    %dma_start3A_41 = arith.constant 0 : i32
    %dma_start3A_42 = tpu.memref_slice %arg5[%dma_start3A_40, %dma_start3A_41] : memref<32768x768xf32, #tpu.memory_space<hbm>> -> memref<32768x768xf32, #tpu.memory_space<hbm>>
    tpu.enqueue_indirect_dma source(%dma_start3A_42 : memref<32768x768xf32, #tpu.memory_space<hbm>>) target(%arg16 : memref<32x768xf32, #tpu.memory_space<vmem>>) offsets(%dma_start3A_39 : memref<32xi32, #tpu.memory_space<vmem>>) semaphore(%arg19 : memref<!tpu.dma_semaphore, #tpu.memory_space<semaphore_mem>>)
    %dma_start3A_43 = arith.constant 32 : i32
    %dma_start3A_44 = tpu.memref_slice %arg14[%dma_start3A_43] : memref<80xi32, #tpu.memory_space<vmem>> -> memref<32xi32, #tpu.memory_space<vmem>>
    %dma_start3A_45 = arith.constant 0 : i32
    %dma_start3A_46 = arith.constant 0 : i32
    %dma_start3A_47 = tpu.memref_slice %arg5[%dma_start3A_45, %dma_start3A_46] : memref<32768x768xf32, #tpu.memory_space<hbm>> -> memref<32768x768xf32, #tpu.memory_space<hbm>>
    tpu.enqueue_indirect_dma source(%dma_start3A_47 : memref<32768x768xf32, #tpu.memory_space<hbm>>) target(%arg17 : memref<32x768xf32, #tpu.memory_space<vmem>>) offsets(%dma_start3A_44 : memref<32xi32, #tpu.memory_space<vmem>>) semaphore(%arg20 : memref<!tpu.dma_semaphore, #tpu.memory_space<semaphore_mem>>)
    %get3A_48 = arith.constant 0 : index
    %get3A_49 = tpu.vector_load %arg14[%get3A_48] {strides = array<i32>} : memref<80xi32, #tpu.memory_space<vmem>>, vector<16xi32>,
    %get3A_50 = arith.constant 0 : index
    %get3A_51 = tpu.vector_load %arg15[%get3A_50] {strides = array<i32>} : memref<80xf32, #tpu.memory_space<vmem>>, vector<16xf32>,
    tpu.vector_store_idx %arg9[%get3A_49], %get3A_51 : memref<32768xf32, #tpu.memory_space<vmem>>[vector<16xi32>], vector<16xf32>,
    %get3A_52 = arith.constant 16 : index
    %get3A_53 = tpu.vector_load %arg14[%get3A_52] {strides = array<i32>} : memref<80xi32, #tpu.memory_space<vmem>>, vector<16xi32>,
    %get3A_54 = arith.constant 16 : index
    %get3A_55 = tpu.vector_load %arg15[%get3A_54] {strides = array<i32>} : memref<80xf32, #tpu.memory_space<vmem>>, vector<16xf32>,
    tpu.vector_store_idx %arg9[%get3A_53], %get3A_55 : memref<32768xf32, #tpu.memory_space<vmem>>[vector<16xi32>], vector<16xf32>,
    %get3A_56 = arith.constant 32 : index
    %get3A_57 = tpu.vector_load %arg14[%get3A_56] {strides = array<i32>} : memref<80xi32, #tpu.memory_space<vmem>>, vector<16xi32>,
    %get3A_58 = arith.constant 32 : index
    %get3A_59 = tpu.vector_load %arg15[%get3A_58] {strides = array<i32>} : memref<80xf32, #tpu.memory_space<vmem>>, vector<16xf32>,
    tpu.vector_store_idx %arg9[%get3A_57], %get3A_59 : memref<32768xf32, #tpu.memory_space<vmem>>[vector<16xi32>], vector<16xf32>,
    %get3A_60 = arith.constant 48 : index
    %get3A_61 = tpu.vector_load %arg14[%get3A_60] {strides = array<i32>} : memref<80xi32, #tpu.memory_space<vmem>>, vector<16xi32>,
    %get3A_62 = arith.constant 48 : index
    %get3A_63 = tpu.vector_load %arg15[%get3A_62] {strides = array<i32>} : memref<80xf32, #tpu.memory_space<vmem>>, vector<16xf32>,
    tpu.vector_store_idx %arg9[%get3A_61], %get3A_63 : memref<32768xf32, #tpu.memory_space<vmem>>[vector<16xi32>], vector<16xf32>,
    %dma_start3A_64 = arith.constant 0 : i32
    %dma_start3A_65 = tpu.memref_slice %arg6[%add3A, %dma_start3A_64] : memref<32x32768xf32, #tpu.memory_space<hbm>> -> memref<1x32768xf32, #tpu.memory_space<hbm>>
    %dma_start3A_66 = tpu.memref_squeeze %dma_start3A_65 : memref<1x32768xf32, #tpu.memory_space<hbm>> -> memref<32768xf32, #tpu.memory_space<hbm>>
    %dma_start3A_67 = arith.constant 0 : i32
    %dma_start3A_68 = tpu.memref_slice %arg6[%add3A, %dma_start3A_67] : memref<32x32768xf32, #tpu.memory_space<hbm>> -> memref<1x32768xf32, #tpu.memory_space<hbm>>
    %dma_start3A_69 = tpu.memref_squeeze %dma_start3A_68 : memref<1x32768xf32, #tpu.memory_space<hbm>> -> memref<32768xf32, #tpu.memory_space<hbm>>
    tpu.enqueue_dma source(%arg9 : memref<32768xf32, #tpu.memory_space<vmem>>) target(%dma_start3A_69 : memref<32768xf32, #tpu.memory_space<hbm>>) target_semaphore(%arg21 : memref<!tpu.dma_semaphore, #tpu.memory_space<semaphore_mem>>)
    %parallel_loop3A_70 = arith.constant 0 : i32
    %parallel_loop3A_71 = arith.constant 48 : i32
    %parallel_loop3A_72 = arith.constant 1 : i32
    %parallel_loop3A_73 = arith.constant 0 : i32
    %parallel_loop3A_74 = scf.for %parallel_loop3A_103 = %parallel_loop3A_70 to %parallel_loop3A_71 step %parallel_loop3A_72 iter_args(%parallel_loop3A_104 = %parallel_loop3A_73) -> (i32)  : i32 {
      %parallel_loop3A_105 = arith.constant 16 : i32
      %parallel_loop3A_106 = arith.muli %parallel_loop3A_103, %parallel_loop3A_105 : i32
      %parallel_loop3A_107 = arith.index_cast %parallel_loop3A_106 : i32 to index
      %parallel_loop3A_108 = tpu.vector_load %arg18[%parallel_loop3A_107] {strides = array<i32>} : memref<768xf32, #tpu.memory_space<vmem>>, vector<16xf32>,
      tpu.vector_store %arg18[%parallel_loop3A_107], %broadcast_in_dim3A_9 {strides = array<i32>} : memref<768xf32, #tpu.memory_space<vmem>>, vector<16xf32>,
      scf.yield %parallel_loop3A_104 : i32
    } {sc.loop_unroll_factor = 8 : i64, sc.parallel_access}
    %dma_wait3A_75 = arith.constant 0 : i32
    %dma_wait3A_76 = tpu.memref_slice %arg14[%dma_wait3A_75] : memref<80xi32, #tpu.memory_space<vmem>> -> memref<32xi32, #tpu.memory_space<vmem>>
    %dma_wait3A_77 = arith.constant 0 : i32
    %dma_wait3A_78 = arith.constant 0 : i32
    %dma_wait3A_79 = tpu.memref_slice %arg5[%dma_wait3A_77, %dma_wait3A_78] : memref<32768x768xf32, #tpu.memory_space<hbm>> -> memref<32768x768xf32, #tpu.memory_space<hbm>>
    tpu.wait_indirect_dma semaphore(%arg19 : memref<!tpu.dma_semaphore, #tpu.memory_space<semaphore_mem>>) src(%dma_wait3A_79 : memref<32768x768xf32, #tpu.memory_space<hbm>>) dst(%arg16 : memref<32x768xf32, #tpu.memory_space<vmem>>)
    %scan3A_80 = arith.constant 0 : i32
    %scan3A_81 = arith.constant 0 : i32
    %scan3A_82 = arith.constant 16 : i32
    %scan3A_83 = arith.addi %scan3A_81, %scan3A_82 : i32
    %scan3A_84 = arith.constant 1 : i32
    scf.for %scan3A_103 = %scan3A_81 to %scan3A_83 step %scan3A_84  : i32 {
      %mul3A_104 = arith.constant 2 : i32
      %mul3A_105 = arith.muli %mul3A_104, %scan3A_103 : i32
      %add3A_106 = arith.constant 0 : i32
      %add3A_107 = arith.addi %add3A_106, %mul3A_105 : i32
      %broadcast_in_dim3A_108 = vector.broadcast %add3A_107 : i32 to vector<16xi32>
      %gather3A = tpu.vector_load_idx %arg15[%broadcast_in_dim3A_108] : memref<80xf32, #tpu.memory_space<vmem>>[vector<16xi32>], vector<16xf32>,
      %mul3A_109 = arith.constant 2 : i32
      %mul3A_110 = arith.muli %mul3A_109, %scan3A_103 : i32
      %add3A_111 = arith.constant 0 : i32
      %add3A_112 = arith.addi %add3A_111, %mul3A_110 : i32
      %add3A_113 = arith.constant 1 : i32
      %add3A_114 = arith.addi %add3A_112, %add3A_113 : i32
      %broadcast_in_dim3A_115 = vector.broadcast %add3A_114 : i32 to vector<16xi32>
      %gather3A_116 = tpu.vector_load_idx %arg15[%broadcast_in_dim3A_115] : memref<80xf32, #tpu.memory_space<vmem>>[vector<16xi32>], vector<16xf32>,
      %parallel_loop3A_117 = arith.constant 0 : i32
      %parallel_loop3A_118 = arith.constant 48 : i32
      %parallel_loop3A_119 = arith.constant 1 : i32
      %parallel_loop3A_120 = arith.constant 0 : i32
      %parallel_loop3A_121 = scf.for %parallel_loop3A_122 = %parallel_loop3A_117 to %parallel_loop3A_118 step %parallel_loop3A_119 iter_args(%parallel_loop3A_123 = %parallel_loop3A_120) -> (i32)  : i32 {
        %parallel_loop3A_124 = arith.constant 16 : i32
        %parallel_loop3A_125 = arith.muli %parallel_loop3A_122, %parallel_loop3A_124 : i32
        %parallel_loop3A_126 = arith.constant 2 : i32
        %parallel_loop3A_127 = arith.muli %parallel_loop3A_126, %scan3A_103 : i32
        %parallel_loop3A_128 = arith.index_cast %parallel_loop3A_127 : i32 to index
        %parallel_loop3A_129 = arith.index_cast %parallel_loop3A_125 : i32 to index
        %parallel_loop3A_130 = tpu.vector_load %arg16[%parallel_loop3A_128, %parallel_loop3A_129] {strides = array<i32>} : memref<32x768xf32, #tpu.memory_space<vmem>>, vector<16xf32>,
        %parallel_loop3A_131 = arith.mulf %gather3A, %parallel_loop3A_130 : vector<16xf32>
        %parallel_loop3A_132 = arith.constant 2 : i32
        %parallel_loop3A_133 = arith.muli %parallel_loop3A_132, %scan3A_103 : i32
        %parallel_loop3A_134 = arith.constant 1 : i32
        %parallel_loop3A_135 = arith.addi %parallel_loop3A_133, %parallel_loop3A_134 : i32
        %parallel_loop3A_136 = arith.index_cast %parallel_loop3A_135 : i32 to index
        %parallel_loop3A_137 = arith.index_cast %parallel_loop3A_125 : i32 to index
        %parallel_loop3A_138 = tpu.vector_load %arg16[%parallel_loop3A_136, %parallel_loop3A_137] {strides = array<i32>} : memref<32x768xf32, #tpu.memory_space<vmem>>, vector<16xf32>,
        %parallel_loop3A_139 = arith.mulf %gather3A_116, %parallel_loop3A_138 : vector<16xf32>
        %parallel_loop3A_140 = arith.addf %parallel_loop3A_131, %parallel_loop3A_139 : vector<16xf32>
        %parallel_loop3A_141 = arith.index_cast %parallel_loop3A_125 : i32 to index
        %parallel_loop3A_142 = tpu.vector_load %arg18[%parallel_loop3A_141] {strides = array<i32>} : memref<768xf32, #tpu.memory_space<vmem>>, vector<16xf32>,
        tpu.vector_store %arg18[%parallel_loop3A_141], %parallel_loop3A_140 {add = true, strides = array<i32>} : memref<768xf32, #tpu.memory_space<vmem>>, vector<16xf32>,
        scf.yield %parallel_loop3A_123 : i32
      } {sc.loop_unroll_factor = 8 : i64, sc.parallel_access}
    }
    %scan3A_85 = arith.constant 16 : i32
    %dma_wait3A_86 = arith.constant 32 : i32
    %dma_wait3A_87 = tpu.memref_slice %arg14[%dma_wait3A_86] : memref<80xi32, #tpu.memory_space<vmem>> -> memref<32xi32, #tpu.memory_space<vmem>>
    %dma_wait3A_88 = arith.constant 0 : i32
    %dma_wait3A_89 = arith.constant 0 : i32
    %dma_wait3A_90 = tpu.memref_slice %arg5[%dma_wait3A_88, %dma_wait3A_89] : memref<32768x768xf32, #tpu.memory_space<hbm>> -> memref<32768x768xf32, #tpu.memory_space<hbm>>
    tpu.wait_indirect_dma semaphore(%arg20 : memref<!tpu.dma_semaphore, #tpu.memory_space<semaphore_mem>>) src(%dma_wait3A_90 : memref<32768x768xf32, #tpu.memory_space<hbm>>) dst(%arg17 : memref<32x768xf32, #tpu.memory_space<vmem>>)
    %scan3A_91 = arith.constant 0 : i32
    %scan3A_92 = arith.constant 0 : i32
    %scan3A_93 = arith.constant 16 : i32
    %scan3A_94 = arith.addi %scan3A_92, %scan3A_93 : i32
    %scan3A_95 = arith.constant 1 : i32
    scf.for %scan3A_103 = %scan3A_92 to %scan3A_94 step %scan3A_95  : i32 {
      %mul3A_104 = arith.constant 2 : i32
      %mul3A_105 = arith.muli %mul3A_104, %scan3A_103 : i32
      %add3A_106 = arith.constant 32 : i32
      %add3A_107 = arith.addi %add3A_106, %mul3A_105 : i32
      %broadcast_in_dim3A_108 = vector.broadcast %add3A_107 : i32 to vector<16xi32>
      %gather3A = tpu.vector_load_idx %arg15[%broadcast_in_dim3A_108] : memref<80xf32, #tpu.memory_space<vmem>>[vector<16xi32>], vector<16xf32>,
      %mul3A_109 = arith.constant 2 : i32
      %mul3A_110 = arith.muli %mul3A_109, %scan3A_103 : i32
      %add3A_111 = arith.constant 32 : i32
      %add3A_112 = arith.addi %add3A_111, %mul3A_110 : i32
      %add3A_113 = arith.constant 1 : i32
      %add3A_114 = arith.addi %add3A_112, %add3A_113 : i32
      %broadcast_in_dim3A_115 = vector.broadcast %add3A_114 : i32 to vector<16xi32>
      %gather3A_116 = tpu.vector_load_idx %arg15[%broadcast_in_dim3A_115] : memref<80xf32, #tpu.memory_space<vmem>>[vector<16xi32>], vector<16xf32>,
      %parallel_loop3A_117 = arith.constant 0 : i32
      %parallel_loop3A_118 = arith.constant 48 : i32
      %parallel_loop3A_119 = arith.constant 1 : i32
      %parallel_loop3A_120 = arith.constant 0 : i32
      %parallel_loop3A_121 = scf.for %parallel_loop3A_122 = %parallel_loop3A_117 to %parallel_loop3A_118 step %parallel_loop3A_119 iter_args(%parallel_loop3A_123 = %parallel_loop3A_120) -> (i32)  : i32 {
        %parallel_loop3A_124 = arith.constant 16 : i32
        %parallel_loop3A_125 = arith.muli %parallel_loop3A_122, %parallel_loop3A_124 : i32
        %parallel_loop3A_126 = arith.constant 2 : i32
        %parallel_loop3A_127 = arith.muli %parallel_loop3A_126, %scan3A_103 : i32
        %parallel_loop3A_128 = arith.index_cast %parallel_loop3A_127 : i32 to index
        %parallel_loop3A_129 = arith.index_cast %parallel_loop3A_125 : i32 to index
        %parallel_loop3A_130 = tpu.vector_load %arg17[%parallel_loop3A_128, %parallel_loop3A_129] {strides = array<i32>} : memref<32x768xf32, #tpu.memory_space<vmem>>, vector<16xf32>,
        %parallel_loop3A_131 = arith.mulf %gather3A, %parallel_loop3A_130 : vector<16xf32>
        %parallel_loop3A_132 = arith.constant 2 : i32
        %parallel_loop3A_133 = arith.muli %parallel_loop3A_132, %scan3A_103 : i32
        %parallel_loop3A_134 = arith.constant 1 : i32
        %parallel_loop3A_135 = arith.addi %parallel_loop3A_133, %parallel_loop3A_134 : i32
        %parallel_loop3A_136 = arith.index_cast %parallel_loop3A_135 : i32 to index
        %parallel_loop3A_137 = arith.index_cast %parallel_loop3A_125 : i32 to index
        %parallel_loop3A_138 = tpu.vector_load %arg17[%parallel_loop3A_136, %parallel_loop3A_137] {strides = array<i32>} : memref<32x768xf32, #tpu.memory_space<vmem>>, vector<16xf32>,
        %parallel_loop3A_139 = arith.mulf %gather3A_116, %parallel_loop3A_138 : vector<16xf32>
        %parallel_loop3A_140 = arith.addf %parallel_loop3A_131, %parallel_loop3A_139 : vector<16xf32>
        %parallel_loop3A_141 = arith.index_cast %parallel_loop3A_125 : i32 to index
        %parallel_loop3A_142 = tpu.vector_load %arg18[%parallel_loop3A_141] {strides = array<i32>} : memref<768xf32, #tpu.memory_space<vmem>>, vector<16xf32>,
        tpu.vector_store %arg18[%parallel_loop3A_141], %parallel_loop3A_140 {add = true, strides = array<i32>} : memref<768xf32, #tpu.memory_space<vmem>>, vector<16xf32>,
        scf.yield %parallel_loop3A_123 : i32
      } {sc.loop_unroll_factor = 8 : i64, sc.parallel_access}
    }
    %scan3A_96 = arith.constant 16 : i32
    "tpu.region"() ({
      %run_scoped3A = tpu.sem_alloc : memref<!tpu.dma_semaphore, #tpu.memory_space<semaphore_mem>>
      %dma_start3A_103 = arith.constant 0 : i32
      %dma_start3A_104 = tpu.memref_slice %arg7[%add3A, %dma_start3A_103] : memref<32x768xf32, #tpu.memory_space<hbm>> -> memref<1x768xf32, #tpu.memory_space<hbm>>
      %dma_start3A_105 = tpu.memref_squeeze %dma_start3A_104 : memref<1x768xf32, #tpu.memory_space<hbm>> -> memref<768xf32, #tpu.memory_space<hbm>>
      %dma_start3A_106 = arith.constant 0 : i32
      %dma_start3A_107 = tpu.memref_slice %arg7[%add3A, %dma_start3A_106] : memref<32x768xf32, #tpu.memory_space<hbm>> -> memref<1x768xf32, #tpu.memory_space<hbm>>
      %dma_start3A_108 = tpu.memref_squeeze %dma_start3A_107 : memref<1x768xf32, #tpu.memory_space<hbm>> -> memref<768xf32, #tpu.memory_space<hbm>>
      tpu.enqueue_dma source(%arg18 : memref<768xf32, #tpu.memory_space<vmem>>) target(%dma_start3A_108 : memref<768xf32, #tpu.memory_space<hbm>>) target_semaphore(%run_scoped3A : memref<!tpu.dma_semaphore, #tpu.memory_space<semaphore_mem>>)
      %dma_wait3A_109 = arith.constant 0 : i32
      %dma_wait3A_110 = tpu.memref_slice %arg7[%add3A, %dma_wait3A_109] : memref<32x768xf32, #tpu.memory_space<hbm>> -> memref<1x768xf32, #tpu.memory_space<hbm>>
      %dma_wait3A_111 = tpu.memref_squeeze %dma_wait3A_110 : memref<1x768xf32, #tpu.memory_space<hbm>> -> memref<768xf32, #tpu.memory_space<hbm>>
      %dma_wait3A_112 = arith.constant 0 : i32
      %dma_wait3A_113 = tpu.memref_slice %arg7[%add3A, %dma_wait3A_112] : memref<32x768xf32, #tpu.memory_space<hbm>> -> memref<1x768xf32, #tpu.memory_space<hbm>>
      %dma_wait3A_114 = tpu.memref_squeeze %dma_wait3A_113 : memref<1x768xf32, #tpu.memory_space<hbm>> -> memref<768xf32, #tpu.memory_space<hbm>>
      tpu.wait_dma2 semaphore(%run_scoped3A : memref<!tpu.dma_semaphore, #tpu.memory_space<semaphore_mem>>) src(%arg18 : memref<768xf32, #tpu.memory_space<vmem>>) dst(%dma_wait3A_114 : memref<768xf32, #tpu.memory_space<hbm>>)
      tpu.yield
    }) : () -> ()
    %dma_wait3A_97 = arith.constant 0 : i32
    %dma_wait3A_98 = tpu.memref_slice %arg6[%add3A, %dma_wait3A_97] : memref<32x32768xf32, #tpu.memory_space<hbm>> -> memref<1x32768xf32, #tpu.memory_space<hbm>>
    %dma_wait3A_99 = tpu.memref_squeeze %dma_wait3A_98 : memref<1x32768xf32, #tpu.memory_space<hbm>> -> memref<32768xf32, #tpu.memory_space<hbm>>
    %dma_wait3A_100 = arith.constant 0 : i32
    %dma_wait3A_101 = tpu.memref_slice %arg6[%add3A, %dma_wait3A_100] : memref<32x32768xf32, #tpu.memory_space<hbm>> -> memref<1x32768xf32, #tpu.memory_space<hbm>>
    %dma_wait3A_102 = tpu.memref_squeeze %dma_wait3A_101 : memref<1x32768xf32, #tpu.memory_space<hbm>> -> memref<32768xf32, #tpu.memory_space<hbm>>
    tpu.wait_dma2 semaphore(%arg21 : memref<!tpu.dma_semaphore, #tpu.memory_space<semaphore_mem>>) src(%arg9 : memref<32768xf32, #tpu.memory_space<vmem>>) dst(%dma_wait3A_102 : memref<32768xf32, #tpu.memory_space<hbm>>)
    return
  }
}

module attributes {stable_mosaic.version = 14 : i64} {
  func.func @_enc_body(%arg0: i32, %arg1: memref<32x768xf32, #tpu.memory_space<vmem>>, %arg2: memref<2048x768xf32, #tpu.memory_space<vmem>>, %arg3: memref<1x2048xf32, #tpu.memory_space<vmem>>, %arg4: memref<32x32768xf32, #tpu.memory_space<vmem>>, %arg5: memref<32x128xf32, #tpu.memory_space<vmem>>, %arg6: memref<32x2048xf32, #tpu.memory_space<vmem>>) attributes {dimension_semantics = [#tpu.dimension_semantics<arbitrary>], iteration_bounds = array<i64: 16>, scalar_prefetch = 0 : i64, scratch_operands = 0 : i64, tpu.core_type = #tpu.core_type<tc>, window_params = [{pipeline_mode = #tpu.pipeline_mode<synchronous>, transform_indices = @transform_0, window_bounds = array<i64: 32, 768>}, {transform_indices = @transform_1, window_bounds = array<i64: 2048, 768>}, {transform_indices = @transform_2, window_bounds = array<i64: 1, 2048>}, {pipeline_mode = #tpu.pipeline_mode<synchronous>, transform_indices = @transform_3, window_bounds = array<i64: 32, 32768>}, {pipeline_mode = #tpu.pipeline_mode<synchronous>, transform_indices = @transform_4, window_bounds = array<i64: 32, 128>}, {pipeline_mode = #tpu.pipeline_mode<synchronous>, transform_indices = @transform_5, window_bounds = array<i64: 32, 2048>}]} {
    %get3A = arith.constant 0 : index
    %get3A_0 = arith.constant 0 : index
    %get3A_1 = vector.load %arg1[%get3A, %get3A_0] : memref<32x768xf32, #tpu.memory_space<vmem>>, vector<32x768xf32>
    %get3A_2 = arith.constant 0 : index
    %get3A_3 = arith.constant 0 : index
    %get3A_4 = vector.load %arg2[%get3A_2, %get3A_3] : memref<2048x768xf32, #tpu.memory_space<vmem>>, vector<2048x768xf32>
    %dot_general3A = arith.constant dense<0.000000e+00> : vector<32x2048xf32>
    %dot_general3A_5 = tpu.matmul %get3A_1, %get3A_4, %dot_general3A {dimension_numbers = #tpu.dot_dimension_numbers<[1], [1], [0], [0], [0, 0, 1, 0], [], []>, transpose_lhs_hint = false} : vector<32x768xf32>, vector<2048x768xf32>, vector<32x2048xf32> -> vector<32x2048xf32>
    %get3A_6 = arith.constant 0 : index
    %get3A_7 = arith.constant 0 : index
    %get3A_8 = vector.load %arg3[%get3A_6, %get3A_7] : memref<1x2048xf32, #tpu.memory_space<vmem>>, vector<1x2048xf32>
    %add3A = vector.broadcast %get3A_8 : vector<1x2048xf32> to vector<32x2048xf32>
    %add3A_9 = arith.addf %dot_general3A_5, %add3A : vector<32x2048xf32>
    %mul3A = arith.constant 2048 : i32
    %mul3A_10 = arith.muli %arg0, %mul3A : i32
    %swap3A = arith.constant 0 : index
    %swap3A_11 = arith.index_cast %mul3A_10 : i32 to index
    %swap3A_12 = vector.load %arg4[%swap3A, %swap3A_11] : memref<32x32768xf32, #tpu.memory_space<vmem>>, vector<32x2048xf32>
    tpu.vector_store %arg4[%swap3A, %swap3A_11], %add3A_9 {strides = array<i32>} : memref<32x32768xf32, #tpu.memory_space<vmem>>, vector<32x2048xf32>,
    %eq3A = arith.constant 0 : i32
    %eq3A_13 = arith.cmpi eq, %arg0, %eq3A : i32
    %convert_element_type3A = arith.extui %eq3A_13 : i1 to i32
    %cond3A = arith.constant 0 : i32
    %cond3A_14 = arith.cmpi ne, %convert_element_type3A, %cond3A : i32
    scf.if %cond3A_14 {
      %swap3A_24 = arith.constant 0 : index
      %swap3A_25 = arith.constant 0 : index
      %swap3A_26 = vector.load %arg6[%swap3A_24, %swap3A_25] : memref<32x2048xf32, #tpu.memory_space<vmem>>, vector<32x2048xf32>
      tpu.vector_store %arg6[%swap3A_24, %swap3A_25], %add3A_9 {strides = array<i32>} : memref<32x2048xf32, #tpu.memory_space<vmem>>, vector<32x2048xf32>,
    } else {
    }
    %gt3A = arith.constant 0 : i32
    %gt3A_15 = arith.cmpi sgt, %arg0, %gt3A : i32
    %convert_element_type3A_16 = arith.extui %gt3A_15 : i1 to i32
    %cond3A_17 = arith.constant 0 : i32
    %cond3A_18 = arith.cmpi ne, %convert_element_type3A_16, %cond3A_17 : i32
    scf.if %cond3A_18 {
      %get3A_24 = arith.constant 0 : index
      %get3A_25 = arith.constant 0 : index
      %get3A_26 = vector.load %arg6[%get3A_24, %get3A_25] : memref<32x2048xf32, #tpu.memory_space<vmem>>, vector<32x2048xf32>
      %max3A = arith.maximumf %get3A_26, %add3A_9 : vector<32x2048xf32>
      %swap3A_27 = arith.constant 0 : index
      %swap3A_28 = arith.constant 0 : index
      %swap3A_29 = vector.load %arg6[%swap3A_27, %swap3A_28] : memref<32x2048xf32, #tpu.memory_space<vmem>>, vector<32x2048xf32>
      tpu.vector_store %arg6[%swap3A_27, %swap3A_28], %max3A {strides = array<i32>} : memref<32x2048xf32, #tpu.memory_space<vmem>>, vector<32x2048xf32>,
    } else {
    }
    %eq3A_19 = arith.constant 15 : i32
    %eq3A_20 = arith.cmpi eq, %arg0, %eq3A_19 : i32
    %convert_element_type3A_21 = arith.extui %eq3A_20 : i1 to i32
    %cond3A_22 = arith.constant 0 : i32
    %cond3A_23 = arith.cmpi ne, %convert_element_type3A_21, %cond3A_22 : i32
    scf.if %cond3A_23 {
      %get3A_24 = arith.constant 0 : index
      %get3A_25 = arith.constant 0 : index
      %get3A_26 = vector.load %arg6[%get3A_24, %get3A_25] : memref<32x2048xf32, #tpu.memory_space<vmem>>, vector<32x2048xf32>
      %bitcast_convert_type3A = tpu.bitcast %get3A_26 : vector<32x2048xf32> -> vector<32x2048xi32>
      %shift_right_arithmetic3A = arith.constant 31 : i32
      %shift_right_arithmetic3A_27 = vector.broadcast %shift_right_arithmetic3A : i32 to vector<32x2048xi32>
      %shift_right_arithmetic3A_28 = arith.shrsi %bitcast_convert_type3A, %shift_right_arithmetic3A_27 : vector<32x2048xi32>
      %and3A = arith.constant 2147483647 : i32
      %and3A_29 = vector.broadcast %and3A : i32 to vector<32x2048xi32>
      %and3A_30 = arith.andi %shift_right_arithmetic3A_28, %and3A_29 : vector<32x2048xi32>
      %xor3A = arith.xori %bitcast_convert_type3A, %and3A_30 : vector<32x2048xi32>
      %broadcast_in_dim3A = arith.constant 0 : i32
      %broadcast_in_dim3A_31 = vector.broadcast %broadcast_in_dim3A : i32 to vector<32x1xi32>
      %scan3A = arith.constant 0 : i32
      %scan3A_32 = arith.constant 32 : i32
      %scan3A_33 = arith.addi %scan3A, %scan3A_32 : i32
      %scan3A_34 = arith.constant 1 : i32
      %scan3A_35 = scf.for %scan3A_53 = %scan3A to %scan3A_33 step %scan3A_34 iter_args(%scan3A_54 = %broadcast_in_dim3A_31) -> (vector<32x1xi32>)  : i32 {
        %sub3A = arith.constant 31 : i32
        %sub3A_55 = arith.subi %sub3A, %scan3A_53 : i32
        %shift_left3A = arith.constant 1 : i32
        %shift_left3A_56 = arith.shli %shift_left3A, %sub3A_55 : i32
        %or3A = vector.broadcast %shift_left3A_56 : i32 to vector<32x1xi32>
        %or3A_57 = arith.ori %scan3A_54, %or3A : vector<32x1xi32>
        %xor3A_58 = arith.constant -2147483648 : i32
        %xor3A_59 = vector.broadcast %xor3A_58 : i32 to vector<32x1xi32>
        %xor3A_60 = arith.xori %or3A_57, %xor3A_59 : vector<32x1xi32>
        %ge3A = vector.broadcast %xor3A_60 : vector<32x1xi32> to vector<32x2048xi32>
        %ge3A_61 = arith.cmpi sge, %xor3A, %ge3A : vector<32x2048xi32>
        %convert_element_type3A_62 = arith.extui %ge3A_61 : vector<32x2048xi1> to vector<32x2048xi32>
        %reduce_sum3A = arith.constant dense<0> : vector<32xi32>
        %reduce_sum3A_63 = vector.multi_reduction <add>, %convert_element_type3A_62, %reduce_sum3A [1] : vector<32x2048xi32> to vector<32xi32>
        %broadcast_in_dim3A_64 = vector.shape_cast %reduce_sum3A_63 : vector<32xi32> to vector<32x1xi32>
        %ge3A_65 = arith.constant 64 : i32
        %ge3A_66 = vector.broadcast %ge3A_65 : i32 to vector<32x1xi32>
        %ge3A_67 = arith.cmpi sge, %broadcast_in_dim3A_64, %ge3A_66 : vector<32x1xi32>
        %select_n3A = arith.select %ge3A_67, %or3A_57, %scan3A_54 : vector<32x1xi1>, vector<32x1xi32>
        scf.yield %select_n3A : vector<32x1xi32>
      }
      %scan3A_36 = arith.constant 32 : i32
      %xor3A_37 = arith.constant -2147483648 : i32
      %xor3A_38 = vector.broadcast %xor3A_37 : i32 to vector<32x1xi32>
      %xor3A_39 = arith.xori %scan3A_35, %xor3A_38 : vector<32x1xi32>
      %shift_right_arithmetic3A_40 = arith.constant 31 : i32
      %shift_right_arithmetic3A_41 = vector.broadcast %shift_right_arithmetic3A_40 : i32 to vector<32x1xi32>
      %shift_right_arithmetic3A_42 = arith.shrsi %xor3A_39, %shift_right_arithmetic3A_41 : vector<32x1xi32>
      %and3A_43 = arith.constant 2147483647 : i32
      %and3A_44 = vector.broadcast %and3A_43 : i32 to vector<32x1xi32>
      %and3A_45 = arith.andi %shift_right_arithmetic3A_42, %and3A_44 : vector<32x1xi32>
      %xor3A_46 = arith.xori %xor3A_39, %and3A_45 : vector<32x1xi32>
      %bitcast_convert_type3A_47 = tpu.bitcast %xor3A_46 : vector<32x1xi32> -> vector<32x1xf32>
      %broadcast_in_dim3A_48 = vector.shape_cast %bitcast_convert_type3A_47 : vector<32x1xf32> to vector<32x1xf32>
      %broadcast_in_dim3A_49 = vector.broadcast %broadcast_in_dim3A_48 : vector<32x1xf32> to vector<32x128xf32>
      %swap3A_50 = arith.constant 0 : index
      %swap3A_51 = arith.constant 0 : index
      %swap3A_52 = vector.load %arg5[%swap3A_50, %swap3A_51] : memref<32x128xf32, #tpu.memory_space<vmem>>, vector<32x128xf32>
      tpu.vector_store %arg5[%swap3A_50, %swap3A_51], %broadcast_in_dim3A_49 {strides = array<i32>} : memref<32x128xf32, #tpu.memory_space<vmem>>, vector<32x128xf32>,
    } else {
    }
    return
  }
  func.func @transform_0(%arg0: i32) -> (i32, i32) {
    %c0_i32 = arith.constant 0 : i32
    %c0_i32_0 = arith.constant 0 : i32
    %c0_i32_1 = arith.constant 0 : i32
    return %c0_i32, %c0_i32_0 : i32, i32
  }
  func.func @transform_1(%arg0: i32) -> (i32, i32) {
    %c0_i32 = arith.constant 0 : i32
    %c0_i32_0 = arith.constant 0 : i32
    return %arg0, %c0_i32 : i32, i32
  }
  func.func @transform_2(%arg0: i32) -> (i32, i32) {
    %c0_i32 = arith.constant 0 : i32
    %c0_i32_0 = arith.constant 0 : i32
    return %c0_i32, %arg0 : i32, i32
  }
  func.func @transform_3(%arg0: i32) -> (i32, i32) {
    %c0_i32 = arith.constant 0 : i32
    %c0_i32_0 = arith.constant 0 : i32
    %c0_i32_1 = arith.constant 0 : i32
    return %c0_i32, %c0_i32_0 : i32, i32
  }
  func.func @transform_4(%arg0: i32) -> (i32, i32) {
    %c0_i32 = arith.constant 0 : i32
    %c0_i32_0 = arith.constant 0 : i32
    %c0_i32_1 = arith.constant 0 : i32
    return %c0_i32, %c0_i32_0 : i32, i32
  }
  func.func @transform_5(%arg0: i32) -> (i32, i32) {
    %c0_i32 = arith.constant 0 : i32
    %c0_i32_0 = arith.constant 0 : i32
    %c0_i32_1 = arith.constant 0 : i32
    return %c0_i32, %c0_i32_0 : i32, i32
  }
}

</mosaic_0001>

<sc_bundles>
// kernel: kernel.4.cloned.1.call-start
scs
__scs_entry_jumppad:
0x0: {  	(pc) =	sbr.rel $0x88, $3  }
0x1: {  	(tag) =	ssettag $0x0;
	lr =	simm.s32 $0x1  }
0x2: {  	[smem:$0x3F9D] =	sst lr;
	_ =	strace $0xD0000000  }
0x3: {  	_ = 	snop  }
0x4: {  	_ = 	snop  }
0x5: {  	_ = 	snop  }
0x6: {  	_ = 	snop  }
0x7: {  	_ = 	snop  }
__scs_overlays_trampoline_lowered:
0x8: {  	[smem:$0x3FAC] =	sst s0  }
0x9: {  	[smem:$0x3FAD] =	sst s1  }
0xa: {  	[smem:$0x3FAE] =	sst s2  }
0xb: {  	[smem:$0x3FAF] =	sst s3  }
0xc: {  	[smem:$0x3FB0] =	sst s4  }
0xd: {  	[smem:$0x3FB1] =	sst s5  }
0xe: {  	[smem:$0x3FB2] =	sst s6  }
0xf: {  	[smem:$0x3FB3] =	sst s7  }
0x10: {  	[smem:$0x3FB4] =	sst s8  }
0x11: {  	[smem:$0x3FB5] =	sst s9;
	s0 =	simm.s32 @!p0 $0x0  }
0x12: {  	s1 =	sld [smem:$0x3F9B];
	s0 =	simm.s32 @p0 $0x1  }
0x13: {  	[smem:$0x3FB6] =	sst s0;
	s0 =	simm.s32 @!p1 $0x0  }
0x14: {  	s2 =	sld [smem:$0x3F9A];
	s0 =	simm.s32 @p1 $0x1  }
0x15: {  	[smem:$0x3FB7] =	sst s0;
	s0 =	simm.s32 @!p2 $0x0  }
0x16: {  	s3 =	sld [smem:$0x3FDB];
	s0 =	simm.s32 @p2 $0x1  }
0x17: {  	s4 =	simm.s32 $0x1BF5;
	[smem:$0x3FB9] =	sst s0  }
0x18: {  	s0 =	sld [smem:$0x3F9C];
	_ =	swait.ge [sflag:s4], $0x0  }
0x19: {  	s7 =	sld [smem:$0x3F9D]  }
0x1a: {  	s8 =	sadd.s32 $0xFFFFE003, lr  }
0x1b: {  	s9 =	sadd.s32 $0xFFFFFEF7, lr;
	s5 =	simm.s32 $0xFFFFFFFF;
	p2 =	slt.u32 s8, $0xFFFFF086  }
0x1c: {  	p1 =	slt.u32 s9, $0xF7A;
	s5 =	simm.s32 @!p2 $0x0  }
0x1d: {  	s5 =	simm.s32 @p1 $0x1;
	p0 =	seq.s32 s7, s2  }
0x1e: {  	s7 =	smul.u32 @!p0 $0xF7A, s2;
	p2 =	seq.s32 @!p0 s5, $0x0  }
0x1f: {  	s9 =	smul.u32 $0xF7A, s1;
	s8 =	simm.s32 @!p0 $0x1BF5;
	p2 =	por !p2, p0  }
0x20: {  	[sflag:s8] =	ssyncset.s32 @!p0 $0xFFFFF086;
	s6 =	sadd.s32 @!p0 s3, s7;
	s7 =	simm.s32 @!p0 $0x108  }
0x21: {  	s3 =	sadd.s32 s3, s9;
	s6 =	sadd.s32 @!p0 $0x88, s6;
	s7 =	simm.s32 @p2 $0x1082  }
0x22: {  	[simem:s7], [sflag:s8] =	dma.local @!p0 [hbm:s6], $0xF7A  }
0x23: {  	s9 =	sor.u32 $0xD0000000, s2;
	s6 =	simm.s32 $0x108;
	_ =	swait.ge @!p0 [sflag:s8], $0x0  }
0x24: {  	s3 =	sadd.s32 $0x88, s3;
	s6 =	simm.s32 @!p1 $0x1082;
	[sflag:s4] =	ssyncset.s32 $0xFFFFF086  }
0x25: {  	[simem:s6], [sflag:s4] =	dma.local [hbm:s3], $0xF7A  }
0x26: {  	[smem:$0x3F9D] =	sst s1;
	(tag) =	ssettag s2;
	_ =	strace s9  }
0x27: {  	s1 =	sld [smem:$0x3FAD]  }
0x28: {  	s2 =	sld [smem:$0x3FAE]  }
0x29: {  	s4 =	sld [smem:$0x3FB0]  }
0x2a: {  	p0 =	seq.s32 s5, $0x0;
	s5 =	sld [smem:$0x3FB1]  }
0x2b: {  	s6 =	sld [smem:$0x3FB2]  }
0x2c: {  	s7 =	sld [smem:$0x3FB3]  }
0x2d: {  	s3 =	simm.s32 $0x108;
	s8 =	sld [smem:$0x3FB4]  }
0x2e: {  	s3 =	simm.s32 @!p0 $0x1082;
	s9 =	sld [smem:$0x3FB5]  }
0x2f: {  	lr =	sadd.s32 s0, s3;
	s0 =	sld [smem:$0x3FAC]  }
0x30: {  	s3 =	sld [smem:$0x3FAF]  }
0x31: {  	[smem:$0x3FB8] =	sst s10  }
0x32: {  	s10 =	sld [smem:$0x3FB6];
	_ =	sdelay $0x3  }
0x33: {  	p0 =	seq.s32 s10, $0x1;
	s10 =	sld [smem:$0x3FB8];
	_ =	sdelay $0x3  }
0x34: {  	[smem:$0x3FB8] =	sst s10  }
0x35: {  	s10 =	sld [smem:$0x3FB7];
	_ =	sdelay $0x3  }
0x36: {  	p1 =	seq.s32 s10, $0x1;
	s10 =	sld [smem:$0x3FB8];
	_ =	sdelay $0x3  }
0x37: {  	[smem:$0x3FB8] =	sst s10  }
0x38: {  	s10 =	sld [smem:$0x3FB9]  }
0x39: {  	_ = 	snop;
	(pc) =	sbr.ind lr, $3  }
0x3a: {  	_ = 	snop  }
0x3b: {  	_ = 	snop  }
0x3c: {  	p2 =	seq.s32 s10, $0x1;
	s10 =	sld [smem:$0x3FB8]  }
0x3d: {  	_ =	shalt  }
0x3e: {  	_ =	shalt  }
0x3f: {  	_ =	shalt  }
0x40: {  	_ =	shalt  }
0x41: {  	_ =	shalt  }
0x42: {  	_ =	shalt  }
0x43: {  	_ =	shalt  }
0x44: {  	_ =	shalt  }
0x45: {  	_ =	shalt  }
0x46: {  	_ =	shalt  }
0x47: {  	_ =	shalt  }
0x48: {  	_ =	shalt  }
0x49: {  	_ =	shalt  }
0x4a: {  	_ =	shalt  }
0x4b: {  	_ =	shalt  }
0x4c: {  	_ =	shalt  }
0x4d: {  	_ =	shalt  }
0x4e: {  	_ =	shalt  }
0x4f: {  	_ =	shalt  }
0x50: {  	_ =	shalt  }
0x51: {  	_ =	shalt  }
0x52: {  	_ =	shalt  }
0x53: {  	_ =	shalt  }
0x54: {  	_ =	shalt  }
0x55: {  	_ =	shalt  }
0x56: {  	_ =	shalt  }
0x57: {  	_ =	shalt  }
0x58: {  	_ =	shalt  }
0x59: {  	_ =	shalt  }
0x5a: {  	_ =	shalt  }
0x5b: {  	_ =	shalt  }
0x5c: {  	_ =	shalt  }
0x5d: {  	_ =	shalt  }
0x5e: {  	_ =	shalt  }
0x5f: {  	_ =	shalt  }
0x60: {  	_ =	shalt  }
0x61: {  	_ =	shalt  }
0x62: {  	_ =	shalt  }
0x63: {  	_ =	shalt  }
0x64: {  	_ =	shalt  }
0x65: {  	_ =	shalt  }
0x66: {  	_ =	shalt  }
0x67: {  	_ =	shalt  }
0x68: {  	_ =	shalt  }
0x69: {  	_ =	shalt  }
0x6a: {  	_ =	shalt  }
0x6b: {  	_ =	shalt  }
0x6c: {  	_ =	shalt  }
0x6d: {  	_ =	shalt  }
0x6e: {  	_ =	shalt  }
0x6f: {  	_ =	shalt  }
0x70: {  	_ =	shalt  }
0x71: {  	_ =	shalt  }
0x72: {  	_ =	shalt  }
0x73: {  	_ =	shalt  }
0x74: {  	_ =	shalt  }
0x75: {  	_ =	shalt  }
0x76: {  	_ =	shalt  }
0x77: {  	_ =	shalt  }
0x78: {  	_ =	shalt  }
0x79: {  	_ =	shalt  }
0x7a: {  	_ =	shalt  }
0x7b: {  	_ =	shalt  }
0x7c: {  	_ =	shalt  }
0x7d: {  	_ =	shalt  }
0x7e: {  	_ =	shalt  }
0x7f: {  	_ =	shalt  }
0x80: {  	_ =	shalt  }
0x81: {  	_ =	shalt  }
0x82: {  	_ =	shalt  }
0x83: {  	_ =	shalt  }
0x84: {  	_ =	shalt  }
0x85: {  	_ =	shalt  }
0x86: {  	_ =	shalt  }
0x87: {  	_ =	shalt  }
.Lfunc_end0:
.L_simem_size_0:
called_computation_lowered:
.L_overlay_start_0:
0x88: {  	s2 =	sld [smem:$0x3FD9]  }
0x89: {  	s3 =	sld [smem:$0x3FFE];
	_ =	sdelay $0x1  }
0x8a: {  	s1 =	srdreg.scid  }
0x8b: {  	s0 =	sand.u32 $0x1, s1  }
0x8c: {  	s14 =	sshll.u32 s0, $0xA;
	s2 =	sadd.s32 s3, s2  }
0x8d: {  	s2 =	sadd.s32 s2, s14  }
0x8e: {  	[smem:$0x3FC4] =	sst s2  }
0x8f: {  	_ = 	snop  }
0x90: {  	s2 =	sld [smem:$0x3FD0];
	_ =	sdelay $0x2  }
0x91: {  	s4 =	simm.s32 $0xA;
	s5 =	simm.s32 $0x10;
	s15 =	sld [smem:$0x3FC6]  }
0x92: {  	[smem:s5], [sflag:s4] =	dma.local [hbm:s2], $0x1  }
0x93: {  	_ =	swait.eq [sflag:s4], $0x1  }
0x94: {  	s16 =	sld [smem:$0x10];
	[sflag:s4] =	ssyncset.done $0x0  }
0x95: {  	s17 =	sld [smem:$0x11];
	[sflag:s4] =	ssyncadd.s32 $0xFFFFFFFF  }
0x96: {  	s18 =	sld [smem:$0x12];
	(tm) =	ssettm $0x1  }
0x97: {  	s6 =	sld [smem:$0x3FFB];
	_ =	sdelay $0x3  }
0x98: {  	_ =	strace s6  }
0x99: {  	s6 =	sld [smem:$0x3FFC];
	_ =	sdelay $0x3  }
0x9a: {  	_ =	strace s6  }
0x9b: {  	s6 =	sld [smem:$0x3FFD];
	_ =	sdelay $0x3  }
0x9c: {  	_ =	strace s6  }
0x9d: {  	_ =	strace $0x8FFFFFFF  }
0x9e: {  	s19 =	sld [smem:$0x3FDB];
	_ =	sdelay $0x1  }
0x9f: {  	s7 =	simm.s32 $_scs_section_size  }
0xa0: {  	s8 =	simm.s32 $_size__tile_overlayer_lowered;
	s9 =	simm.s32 $_tile_overlayer_lowered  }
0xa1: {  	s22 =	simm.s32 $0x1BFF;
	s21 =	sshll.u32 s9, $0x1;
	s6 =	sadd.s32 s7, s19  }
0xa2: {  	s10 =	simm.s32 $0x0;
	s20 =	sshll.u32 s8, $0x1;
	s8 =	sadd.s32 s21, s6  }
0xa3: {  	[timem:s10], [sflag:s22] =	dma.local [hbm:s8], s20  }
0xa4: {  	_ =	swait.ge [sflag:s22], s20  }
0xa5: {  	s7 =	ssub.s32 $0x0, s20;
	[sflag:s22] =	ssyncset.done $0x0  }
0xa6: {  	[sflag:s22] =	ssyncadd.s32 s7;
	_ =	sdelay $0x1  }
0xa7: {  	s23 =	simm.s32 $0x1B8B  }
0xa8: {  	_ =	swait.ge [sflag:s23], $0x1  }
0xa9: {  	[sflag:s23] =	ssyncset.done $0x0  }
0xaa: {  	s25 =	simm.s32 $0x1B8E;
	s24 =	sld [smem:$0x3FFE];
	[sflag:s23] =	ssyncadd.s32 $0xFFFFFFFF  }
0xab: {  	s26 =	simm.s32 $execute0_lowered;
	[smem:$0x3FD2] =	sst s25  }
0xac: {  	s8 =	sshll.u32 s26, $0x1;
	_ =	strace $0x80000046;
	[dreg:$0x1] =	wrdreg $0xFFFFFFFF  }
0xad: {  	s28 =	simm.s32 $_size_execute0_lowered;
	s6 =	sadd.s32 s6, s8;
	[dreg:$0x0] =	wrdreg $0x0  }
0xae: {  	s8 =	sshll.u32 s28, $0x1;
	[dreg:$0x2] =	wrdreg s6  }
0xaf: {  	[dreg:$0x3] =	wrdreg s8  }
0xb0: {  	[dreg:$0x4] =	wrdreg $0xC0  }
0xb1: {  	_ =	task [dreg:s10], $0x5FFFF  }
0xb2: {  	[dreg:$0x1] =	wrdreg $0xFFFFFFFF  }
0xb3: {  	[dreg:$0x0] =	wrdreg $0x60  }
0xb4: {  	[dreg:$0x2] =	wrdreg s18  }
0xb5: {  	[dreg:$0x3] =	wrdreg s24  }
0xb6: {  	[dreg:$0x4] =	wrdreg s15  }
0xb7: {  	[dreg:$0x5] =	wrdreg s17  }
0xb8: {  	[dreg:$0x6] =	wrdreg s16  }
0xb9: {  	[dreg:$0x7] =	wrdreg $0x9  }
0xba: {  	_ =	task.clear_ibuf [dreg:s10], $0x8FFFF;
	_ =	strace $0x90000046  }
0xbb: {  	s29 =	simm.s32 $0x9;
	_ =	strace $0x80000048  }
0xbc: {  	_ =	swait.ge [sflag:s29], $0x1  }
0xbd: {  	[sflag:s29] =	ssyncadd.s32 $0xFFFFFFFF  }
0xbe: {  	_ =	strace $0x90000048  }
0xbf: {  	_ =	sfence  }
0xc0: {  	s30 =	sld [smem:$0x0];
	_ =	sdelay $0x2  }
0xc1: {  	s31 =	sshll.u32 s1, $0xD;
	s1 =	sshrl.u32 s1, $0x2  }
0xc2: {  	s3 =	sand.u32 $0x4000, s31;
	s1 =	sadd.s32 s1, s30  }
0xc3: {  	s0 =	sor.u32 s3, s0;
	s1 =	sshll.u32 s1, $0x11  }
0xc4: {  	s0 =	sor.u32 s1, s0  }
0xc5: {  	s0 =	sadd.s32 $0x8F2B, s0  }
0xc6: {  	[sflag:s0] =	ssyncadd.remote.s32 $0x1  }
0xc7: {  	_ =	sfence.sel $0xFFFF  }
0xc8: {  	[dreg:$0x0] =	wrdreg $0xFFFFFFFF;
	(pc) =	sbr.abs _section_cstart, $3  }
0xc9: {  	[dreg:$0x1] =	wrdreg $0xFFFFFFFF  }
0xca: {  	_ =	task.clear_ibuf [dreg:s10], $0x2FFFF;
	_ =	strace $0x9FFFFFFF  }
0xcb: {  	(tm) =	ssettm $0x7FFFFFFF  }
tec
execute0_lowered:
.L_overlay_start_1:
0x0: {  	(tag) =	ssettag $0x1  }
0x1: {  	s0 =	rddreg [dreg:$0x0]  }
0x2: {  	s1 =	rddreg [dreg:$0x1]  }
0x3: {  	s2 =	rddreg [dreg:$0x2]  }
0x4: {  	s4 =	rddreg [dreg:$0x3]  }
0x5: {  	s5 =	rddreg [dreg:$0x4]  }
0x6: {  	s3 =	srdreg.scid;
	s7 =	stileid.u32  }
0x7: {  	s17 =	simm.s32 $0x80;
	s21 =	simm.s32 $0x400;
	s28 =	simm.s32 $0x2  }
0x8: {  	s18 =	simm.s32 $0x10880;
	s19 =	simm.s32 $0x80000000;
	s20 =	simm.s32 $0x4000  }
0x9: {  	s14 =	simm.s32 $0x11A00;
	s22 =	simm.s32 $0x0;
	s6 =	sand.u32 $0x1, s3  }
0xa: {  	s29 =	sshll.u32 s7, $0x8;
	s7 =	sshrl.u32 s7, $0x2;
	s3 =	simm.s32 $0x0  }
0xb: {  	s8 =	sshll.u32 s6, $0x7;
	s9 =	sand.u32 $0x300, s29;
	s30 =	sshll.u32 s7, $0xA  }
0xc: {  	[smem:$0x7FF] =	sst s3;
	s10 =	sshll.u32 s7, $0xE;
	s11 =	sshll.u32 s7, $0x12  }
0xd: {  	s6 =	ssub.s32 $0x2, s6;
	s7 =	smul.u32 $0x1800, s7;
	s8 =	sor.u32 s8, s9  }
0xe: {  	_ =	strace $0x80000047;
	s12 =	sshrl.u32 s6, $0x1;
	s9 =	sor.u32 s30, s8  }
0xf: {  	s10 =	sor.u32 s10, s8;
	s11 =	sor.u32 s11, s8;
	s6 =	ssub.s32 s6, s12  }
0x10: {  	s31 =	sor.u32 s7, s8;
	s7 =	sadd.s32 $0x100, s2;
	s8 =	sadd.s32 $0x200, s2  }
0x11: {  	s9 =	sshrl.u32 s9, $0x3;
	s10 =	sshrl.u32 s10, $0x3;
	s11 =	sshrl.u32 s11, $0x3  }
0x12: {  	v0 =	vlaneseq.u32;
	s15 =	smax.u32 s6, $0x1;
	s9 =	sadd.s32 s9, s1;
	s1 =	sadd.s32 s10, s1  }
0x13: {  	v1 =	vimm.s32 $0x0;
	v2 =	vimm.f32 $0.0e+00;
	v4 =	vimm.f32 $-0.0e+00;
	s10 =	sadd.s32 s0, s11;
	s0 =	sshrl.u32 s31, $0x3;
	s11 =	sadd.s32 s4, s11  }
0x14: {  	vm0 =	vmmov $0xffff;
	v3 =	vmul.u32 $0x800, v0;
	v6 =	vshrl.u32 v0, $0x3;
	s4 =	simm.s32 $0x4;
	[dreg:$0x7] =	wrdreg s15;
	s0 =	sadd.s32 s5, s0  }
0x15: {  	v5 =	vand.u32 $0x7, v0;
	v7 =	vor.u32 $0x8, v0;
	v6 =	vmul.u32 $0x8, v6;
	s12 =	sadd.s32 $0x3200, s9;
	s13 =	sadd.s32 $0x1200, s1;
	[dreg:$0x6] =	wrdreg s0  }
.LBB2_1:
0x16: {  	[tilespmem:s3], [sflag:$0x2] =	stream.strided.gather [hbm4b:s10+s17], $0x8000, s21, s17, $0x38;
	[tilespmem:$0x1DD80] =	vst v63  }
0x17: {  	s1 =	simm.s32 $0x10800  }
0x18: {  	[tilespmem:s1], [sflag:$0x4] =	stream.linear.gather [hbm4b:s12+s3], $0x10, $0x38;
	[tilespmem:$0x1DD80] =	vst v63  }
0x19: {  	_ =	swait.ge [sflag:s4], $0x10  }
0x1a: {  	[sflag:s4] =	ssyncset.done $0x0  }
0x1b: {  	s31 =	simm.s32 $0x10000;
	[sflag:s4] =	ssyncadd.s32 $0xFFFFFFF0  }
0x1c: {  	[tilespmem:s31], [sflag:$0x4] =	stream.strided.gather [hbm4b:s13+s17], $0x800, s21, s17, $0x38;
	[tilespmem:$0x1DD80] =	vst v63  }
0x1d: {  	_ =	swait.ge [sflag:s4], $0x800  }
0x1e: {  	[sflag:s4] =	ssyncset.done $0x0  }
0x1f: {  	[sflag:s4] =	ssyncadd.s32 $0xFFFFF800  }
0x20: {  	s4 =	simm.s32 $0x8040;
	[tilespmem:$0x119C0] =	vst v1  }
0x21: {  	v8 =	vld [tilespmem:$0x10800];
	[tilespmem:s4+$0xFFFFFFC0] =	vst v2  }
0x22: {  	[tilespmem:s4+$0x30] =	vst v2  }
0x23: {  	[tilespmem:s4+$0x20] =	vst v2  }
0x24: {  	[tilespmem:s4+$0x10] =	vst v2  }
0x25: {  	[tilespmem:s4+$0x0] =	vst v2  }
0x26: {  	[tilespmem:s4+$0xFFFFFFF0] =	vst v2  }
0x27: {  	s5 =	simm.s32 $0x0;
	[tilespmem:s4+$0xFFFFFFE0] =	vst v2  }
.LBB2_2:
0x28: {  	s5 =	sadd.s32 $0x8, s5;
	[tilespmem:s4+$0xFFFFFFD0] =	vst v2;
	s4 =	sadd.s32 $0x80, s4  }
0x29: {  	[tilespmem:s4+$0xFFFFFFC0] =	vst v2;
	p0 =	slt.u32 s5, $0x7F8  }
0x2a: {  	[tilespmem:s4+$0x30] =	vst v2  }
.Ltmp0:
0x2b: {  	[tilespmem:s4+$0x20] =	vst v2;
	(pc) =	sbr.rel @p0 .LBB2_2-.Ltmp0, $4  }
0x2c: {  	[tilespmem:s4+$0x10] =	vst v2  }
0x2d: {  	[tilespmem:s4+$0x0] =	vst v2  }
0x2e: {  	[tilespmem:s4+$0xFFFFFFF0] =	vst v2  }
0x2f: {  	s6 =	simm.s32 $0x10000;
	[tilespmem:s4+$0xFFFFFFE0] =	vst v2  }
0x30: {  	[tilespmem:s4+$0xFFFFFFD0] =	vst v2  }
0x31: {  	v9 =	vld [tilespmem:s6+$0x0];
	_ =	sdelay $0x4  }
0x32: {  	vm1 =	vge.f32 v9, v8  }
0x33: {  	v9 =	vmpcnt.ones.xlane vm1;
	_ =	sdelay $0x1  }
0x34: {  	(v2sf) =	vpush v9, $0x0;
	_ =	sdelay $0x4  }
0x35: {  	s4 =	simm.s32 $0x0  }
0x36: {  	v10 =	vor.u32 s4, v0  }
0x37: {  	s6 =	simm.s32 $0x10010;
	[tilespmem:s4+$0x10880] =	vst.msk vm1, v10  }
0x38: {  	s5 =	simm.s32 $0x10;
	s9 =	simm.s32 $0x20;
	v9 =	vld [tilespmem:s6+$0x0]  }
.LBB2_4:
0x39: {  	p0 =	sne.s32 s9, $0x7F0;
	_ =	sdelay $0x3  }
0x3a: {  	vm1 =	vge.f32 v9, v8  }
0x3b: {  	v9 =	vmpcnt.ones.xlane vm1  }
0x3c: {  	s16 =	spop (v2sf)  }
0x3d: {  	v10 =	vor.u32 s5, v0;
	s5 =	smov.u32 s9;
	(v2sf) =	vpush v9, $0x0;
	s4 =	sadd.s32 s4, s16  }
0x3e: {  	[tilespmem:s4+$0x10880] =	vst.msk vm1, v10;
	_ =	sdelay $0x2  }
.Ltmp1:
0x3f: {  	(pc) =	sbr.rel @p0 .LBB2_4-.Ltmp1, $3  }
0x40: {  	_ =	sdelay $0x1  }
0x41: {  	s6 =	sadd.s32 $0x10, s6  }
0x42: {  	s9 =	sadd.s32 $0x10, s9;
	v9 =	vld [tilespmem:s6+$0x0]  }
0x43: {  	_ =	sdelay $0x3  }
0x44: {  	vm1 =	vge.f32 v9, v8  }
0x45: {  	v9 =	vmpcnt.ones.xlane vm1;
	_ =	sdelay $0x1  }
0x46: {  	(v2sf) =	vpush v9, $0x0;
	_ =	sdelay $0xc  }
0x47: {  	s6 =	spop (v2sf)  }
0x48: {  	v62 =	vor.u32 s5, v0;
	vm2 =	vlt.s32 v8, $0x0;
	s16 =	sadd.s32 s4, s6  }
0x49: {  	v63 =	vsel vm2, $0x7FFFFFFF, v1;
	[tilespmem:s16+$0x10880] =	vst.msk vm1, v62;
	s23 =	spop (v2sf)  }
0x4a: {  	v8 =	vxor.u32 v8, v63;
	_ =	swait.ge [sflag:s28], $0x8000  }
0x4b: {  	(v2sf) =	vpush v8, $0x0;
	_ =	sdelay $0x8  }
0x4c: {  	s25 =	sadd.s32 s16, s23  }
0x4d: {  	p0 =	slt.s32 s25, $0x81  }
.Ltmp2:
0x4e: {  	_ = 	snop;
	(pc) =	sbr.rel @!p0 .LBB2_6-.Ltmp2, $3  }
0x4f: {  	_ =	sdelay $0x1  }
0x50: {  	[sflag:s28] =	ssyncset.done $0x0  }
0x51: {  	[sflag:s28] =	ssyncadd.s32 $0xFFFF8000;
	s24 =	spop (v2sf)  }
0x52: {  	p0 =	slt.s32 s25, $0x1  }
.Ltmp3:
0x53: {  	_ = 	snop;
	(pc) =	sbr.rel @p0 .LBB2_13-.Ltmp3, $1  }
0x54: {  	_ =	sdelay $0x3  }
0x55: {  	s6 =	simm.s32 $0x0  }
0x56: {  	v8 =	vmov s6;
	_ =	sdelay $0x4  }
0x57: {  	v8 =	vld.idx.msk [tilespmem:v8+s18+$0x0], $0xffff;
	_ =	sdelay $0x3  }
0x58: {  	s5 =	sadd.s32 s16, s23  }
0x59: {  	p1 =	seq.s32 s5, $0x1;
	v8 =	vadd.s32 v3, v8  }
.Ltmp4:
0x5a: {  	_ = 	snop;
	(pc) =	sbr.rel @p1 .LBB2_11-.Ltmp4, $2  }
0x5b: {  	_ =	sdelay $0x2  }
0x5c: {  	s4 =	simm.s32 $0x11100;
	p0 =	por $0x0, $0x0;
	s6 =	simm.s32 $0x1;
	v8 =	vld.idx.msk [tilespmem:v8+s3+$0x0], $0xffff  }
0x5d: {  	_ =	sdelay $0x2  }
0x5e: {  	v9 =	vmov s6  }
0x5f: {  	v10 =	vshra.s32 v8, $0x1F  }
0x60: {  	v10 =	vand.u32 $0x7FFFFFFF, v10  }
0x61: {  	v8 =	vxor.u32 v8, v10  }
0x62: {  	[tilespmem:s4+$0x0] =	vst v8  }
0x63: {  	v8 =	vld.idx.msk [tilespmem:v9+s18+$0x0], $0xffff;
	_ =	sdelay $0x4  }
0x64: {  	p1 =	seq.s32 s5, $0x2;
	v8 =	vadd.s32 v3, v8  }
.Ltmp5:
0x65: {  	_ = 	snop;
	(pc) =	sbr.rel @p1 .LBB2_19-.Ltmp5, $2  }
0x66: {  	_ =	sdelay $0x2  }
0x67: {  	s9 =	simm.s32 $0x2;
	p0 =	por $0x1, $0x1;
	s6 =	simm.s32 $0x11100;
	v8 =	vld.idx.msk [tilespmem:v8+s3+$0x0], $0xffff  }
.LBB2_20:
0x68: {  	_ =	sdelay $0x2  }
0x69: {  	v9 =	vmov s9;
	s9 =	sadd.s32 $0x1, s9  }
0x6a: {  	p1 =	seq.s32 s5, s9;
	v10 =	vshra.s32 v8, $0x1F  }
0x6b: {  	v10 =	vand.u32 $0x7FFFFFFF, v10  }
0x6c: {  	s6 =	sadd.s32 $0x10, s6;
	v8 =	vxor.u32 v8, v10  }
0x6d: {  	[tilespmem:s6+$0x0] =	vst v8  }
0x6e: {  	v8 =	vld.idx.msk [tilespmem:v9+s18+$0x0], $0xffff;
	_ =	sdelay $0x5  }
0x6f: {  	v8 =	vadd.s32 v3, v8  }
.Ltmp6:
0x70: {  	(pc) =	sbr.rel @!p1 .LBB2_20-.Ltmp6, $2  }
0x71: {  	_ =	sdelay $0x2  }
0x72: {  	v8 =	vld.idx.msk [tilespmem:v8+s3+$0x0], $0xffff  }
.LBB2_21:
0x73: {  	_ =	sdelay $0x3  }
0x74: {  	v9 =	vshra.s32 v8, $0x1F  }
0x75: {  	s5 =	sadd.s32 @p0 $0x10, s6;
	v9 =	vand.u32 $0x7FFFFFFF, v9  }
0x76: {  	s4 =	smov.u32 @p0 s5;
	v8 =	vxor.u32 v8, v9  }
0x77: {  	[tilespmem:s4+$0x0] =	vst v8  }
0x78: {  	p0 =	seq.s32 s25, $0x80  }
.Ltmp7:
0x79: {  	_ = 	snop;
	(pc) =	sbr.rel @p0 .LBB2_15-.Ltmp7, $1  }
0x7a: {  	_ =	sdelay $0x3  }
.LBB2_13:
0x7b: {  	s4 =	sadd.s32 s16, s23  }
0x7c: {  	s31 =	ssub.s32 $0x80, s4  }
0x7d: {  	p0 =	sne.s32 s31, $0x1  }
.Ltmp8:
0x7e: {  	_ = 	snop;
	(pc) =	sbr.rel @!p0 .LBB2_15-.Ltmp8, $4  }
0x7f: {  	s5 =	sshll.u32 s4, $0x6  }
0x80: {  	s6 =	sshra.s32 s5, $0x2  }
0x81: {  	s4 =	sadd.s32 $0x11100, s6  }
0x82: {  	s5 =	sadd.s32 $0xFFFFFFFF, s31;
	[tilespmem:s4+$0x0] =	vst v4  }
.LBB2_14:
0x83: {  	p0 =	sne.s32 s5, $0x1  }
.Ltmp9:
0x84: {  	_ = 	snop;
	(pc) =	sbr.rel @p0 .LBB2_14-.Ltmp9, $3  }
0x85: {  	_ =	sdelay $0x1  }
0x86: {  	s5 =	sadd.s32 $0xFFFFFFFF, s5;
	s4 =	sadd.s32 $0x10, s4  }
0x87: {  	[tilespmem:s4+$0x0] =	vst v4  }
.LBB2_15:
.Ltmp10:
0x88: {  	(pc) =	sbr.rel .LBB2_16-.Ltmp10, $2  }
0x89: {  	_ =	sdelay $0x2  }
0x8a: {  	s23 =	simm.s32 $0x0;
	s25 =	simm.s32 $0x0  }
.LBB2_17:
0x8b: {  	s23 =	smov.u32 s26  }
.LBB2_25:
0x8c: {  	s25 =	sadd.s32 $0x1, s25  }
0x8d: {  	p0 =	sne.s32 s25, $0x20  }
.Ltmp11:
0x8e: {  	_ = 	snop;
	(pc) =	sbr.rel @!p0 .LBB2_26-.Ltmp11, $1  }
0x8f: {  	_ =	sdelay $0x3  }
.LBB2_16:
0x90: {  	s4 =	sshrl.u32 s19, s25  }
0x91: {  	s26 =	sor.u32 s4, s23  }
0x92: {  	s4 =	sxor.u32 $0x80000000, s26  }
0x93: {  	p0 =	sle.s32 s4, s24  }
.Ltmp12:
0x94: {  	_ = 	snop;
	(pc) =	sbr.rel @p0 .LBB2_17-.Ltmp12, $1  }
0x95: {  	_ =	sdelay $0x3  }
0x96: {  	s5 =	simm.s32 $0x11140  }
0x97: {  	v9 =	vld [tilespmem:s5+$0xFFFFFFC0]  }
0x98: {  	v10 =	vld [tilespmem:s5+$0xFFFFFFD0]  }
0x99: {  	v11 =	vld [tilespmem:s5+$0xFFFFFFE0]  }
0x9a: {  	v12 =	vld [tilespmem:s5+$0xFFFFFFF0]  }
0x9b: {  	v8 =	vmov s4;
	v13 =	vld [tilespmem:s5+$0x0]  }
0x9c: {  	vm1 =	vge.s32 v9, v8;
	v9 =	vld [tilespmem:s5+$0x10]  }
0x9d: {  	v14 =	vmpcnt.ones.xlane vm1;
	vm1 =	vge.s32 v10, v8;
	v10 =	vld [tilespmem:s5+$0x20]  }
0x9e: {  	s31 =	simm.s32 $0x111C0;
	v15 =	vmpcnt.ones.xlane vm1;
	vm1 =	vge.s32 v11, v8;
	v11 =	vld [tilespmem:s5+$0x30]  }
0x9f: {  	v16 =	vld [tilespmem:s31+$0xFFFFFFC0];
	v17 =	vmpcnt.ones.xlane vm1;
	vm1 =	vge.s32 v12, v8;
	(v2sf) =	vpush v14, $0x0  }
0xa0: {  	v12 =	vld [tilespmem:s31+$0xFFFFFFD0];
	v14 =	vmpcnt.ones.xlane vm1;
	vm1 =	vge.s32 v13, v8;
	(v2sf) =	vpush v15, $0x0  }
0xa1: {  	v13 =	vld [tilespmem:s31+$0xFFFFFFE0];
	v15 =	vmpcnt.ones.xlane vm1;
	vm1 =	vge.s32 v9, v8;
	(v2sf) =	vpush v17, $0x0  }
0xa2: {  	v9 =	vld [tilespmem:s31+$0xFFFFFFF0];
	v17 =	vmpcnt.ones.xlane vm1;
	vm1 =	vge.s32 v10, v8;
	(v2sf) =	vpush v14, $0x0  }
0xa3: {  	v10 =	vld [tilespmem:s31+$0x0];
	v14 =	vmpcnt.ones.xlane vm1;
	vm1 =	vge.s32 v11, v8;
	(v2sf) =	vpush v15, $0x0  }
0xa4: {  	vm2 =	vge.s32 v16, v8;
	v11 =	vld [tilespmem:s31+$0x10];
	v15 =	vmpcnt.ones.xlane vm1;
	(v2sf) =	vpush v17, $0x0  }
0xa5: {  	v16 =	vmpcnt.ones.xlane vm2;
	vm1 =	vge.s32 v12, v8;
	v12 =	vld [tilespmem:s31+$0x20];
	(v2sf) =	vpush v14, $0x0  }
0xa6: {  	v14 =	vmpcnt.ones.xlane vm1;
	vm1 =	vge.s32 v13, v8;
	v13 =	vld [tilespmem:s31+$0x30];
	(v2sf) =	vpush v15, $0x0  }
0xa7: {  	v17 =	vmpcnt.ones.xlane vm1;
	vm1 =	vge.s32 v9, v8;
	(v2sf) =	vpush v16, $0x0  }
0xa8: {  	v9 =	vmpcnt.ones.xlane vm1;
	vm1 =	vge.s32 v10, v8;
	(v2sf) =	vpush v14, $0x0  }
0xa9: {  	v10 =	vmpcnt.ones.xlane vm1;
	vm1 =	vge.s32 v11, v8;
	(v2sf) =	vpush v17, $0x0  }
0xaa: {  	v14 =	vmpcnt.ones.xlane vm1;
	vm1 =	vge.s32 v12, v8;
	(v2sf) =	vpush v9, $0x0  }
0xab: {  	v17 =	vmpcnt.ones.xlane vm1;
	vm1 =	vge.s32 v13, v8;
	(v2sf) =	vpush v10, $0x0  }
0xac: {  	v19 =	vmpcnt.ones.xlane vm1;
	(v2sf) =	vpush v14, $0x0  }
0xad: {  	s6 =	simm.s32 $0x11240;
	(v2sf) =	vpush v17, $0x0  }
0xae: {  	v15 =	vld [tilespmem:s6+$0xFFFFFFC0];
	(v2sf) =	vpush v19, $0x0  }
0xaf: {  	v16 =	vld [tilespmem:s6+$0xFFFFFFD0]  }
0xb0: {  	v18 =	vld [tilespmem:s6+$0xFFFFFFE0]  }
0xb1: {  	v11 =	vld [tilespmem:s6+$0xFFFFFFF0]  }
0xb2: {  	v9 =	vld [tilespmem:s6+$0x0]  }
0xb3: {  	vm2 =	vge.s32 v15, v8;
	v10 =	vld [tilespmem:s6+$0x10]  }
0xb4: {  	s4 =	simm.s32 $0x10;
	v12 =	vld [tilespmem:s6+$0x20];
	v15 =	vmpcnt.ones.xlane vm2;
	vm1 =	vge.s32 v16, v8  }
0xb5: {  	s16 =	simm.s32 $0x112C0;
	s5 =	simm.s32 $0x0;
	v13 =	vld [tilespmem:s6+$0x30];
	v14 =	vmpcnt.ones.xlane vm1;
	vm1 =	vge.s32 v18, v8;
	s6 =	spop (v2sf)  }
.LBB2_23:
0xb6: {  	v16 =	vld [tilespmem:s16+$0xFFFFFFC0];
	s4 =	sadd.s32 $0x8, s4;
	v17 =	vmpcnt.ones.xlane vm1;
	vm1 =	vge.s32 v11, v8;
	(v2sf) =	vpush v15, $0x0;
	s5 =	sadd.s32 s5, s6;
	s6 =	spop (v2sf)  }
0xb7: {  	v18 =	vld [tilespmem:s16+$0xFFFFFFD0];
	p0 =	slt.u32 s4, $0x78;
	v15 =	vmpcnt.ones.xlane vm1;
	vm1 =	vge.s32 v9, v8;
	(v2sf) =	vpush v14, $0x0;
	s5 =	sadd.s32 s6, s5;
	s6 =	spop (v2sf)  }
0xb8: {  	v19 =	vld [tilespmem:s16+$0xFFFFFFE0];
	v14 =	vmpcnt.ones.xlane vm1;
	vm1 =	vge.s32 v10, v8;
	(v2sf) =	vpush v17, $0x0;
	s5 =	sadd.s32 s6, s5;
	s6 =	spop (v2sf)  }
.Ltmp13:
0xb9: {  	v11 =	vld [tilespmem:s16+$0xFFFFFFF0];
	v17 =	vmpcnt.ones.xlane vm1;
	vm1 =	vge.s32 v12, v8;
	(v2sf) =	vpush v15, $0x0;
	s5 =	sadd.s32 s6, s5;
	s6 =	spop (v2sf);
	(pc) =	sbr.rel @p0 .LBB2_23-.Ltmp13, $4  }
0xba: {  	v9 =	vld [tilespmem:s16+$0x0];
	v20 =	vmpcnt.ones.xlane vm1;
	vm1 =	vge.s32 v13, v8;
	(v2sf) =	vpush v14, $0x0;
	s5 =	sadd.s32 s6, s5;
	s6 =	spop (v2sf)  }
0xbb: {  	vm2 =	vge.s32 v16, v8;
	v10 =	vld [tilespmem:s16+$0x10];
	v16 =	vmpcnt.ones.xlane vm1;
	(v2sf) =	vpush v17, $0x0;
	s5 =	sadd.s32 s6, s5;
	s6 =	spop (v2sf)  }
0xbc: {  	v15 =	vmpcnt.ones.xlane vm2;
	vm1 =	vge.s32 v18, v8;
	v12 =	vld [tilespmem:s16+$0x20];
	(v2sf) =	vpush v20, $0x0;
	s5 =	sadd.s32 s6, s5;
	s9 =	spop (v2sf)  }
0xbd: {  	v14 =	vmpcnt.ones.xlane vm1;
	vm1 =	vge.s32 v19, v8;
	v13 =	vld [tilespmem:s16+$0x30];
	s16 =	sadd.s32 $0x80, s16;
	(v2sf) =	vpush v16, $0x0;
	s6 =	spop (v2sf);
	s5 =	sadd.s32 s9, s5  }
0xbe: {  	v16 =	vmpcnt.ones.xlane vm1;
	vm1 =	vge.s32 v11, v8;
	(v2sf) =	vpush v15, $0x0;
	s4 =	sadd.s32 s5, s6;
	s1 =	spop (v2sf)  }
0xbf: {  	v11 =	vmpcnt.ones.xlane vm1;
	vm1 =	vge.s32 v9, v8;
	(v2sf) =	vpush v14, $0x0;
	s4 =	sadd.s32 s1, s4;
	s6 =	spop (v2sf)  }
0xc0: {  	v9 =	vmpcnt.ones.xlane vm1;
	vm1 =	vge.s32 v10, v8;
	(v2sf) =	vpush v16, $0x0;
	s4 =	sadd.s32 s6, s4;
	s9 =	spop (v2sf)  }
0xc1: {  	v10 =	vmpcnt.ones.xlane vm1;
	vm1 =	vge.s32 v12, v8;
	(v2sf) =	vpush v11, $0x0;
	s4 =	sadd.s32 s9, s4;
	s15 =	spop (v2sf)  }
0xc2: {  	v63 =	vmpcnt.ones.xlane vm1;
	vm1 =	vge.s32 v13, v8;
	(v2sf) =	vpush v9, $0x0;
	s4 =	sadd.s32 s15, s4;
	s16 =	spop (v2sf)  }
0xc3: {  	v8 =	vmpcnt.ones.xlane vm1;
	(v2sf) =	vpush v10, $0x0;
	s4 =	sadd.s32 s16, s4;
	s17 =	spop (v2sf)  }
0xc4: {  	(v2sf) =	vpush v63, $0x0;
	s4 =	sadd.s32 s17, s4;
	s21 =	spop (v2sf)  }
0xc5: {  	(v2sf) =	vpush v8, $0x0;
	s28 =	spop (v2sf);
	s4 =	sadd.s32 s21, s4  }
0xc6: {  	s4 =	sadd.s32 s4, s28;
	s29 =	spop (v2sf)  }
0xc7: {  	s4 =	sadd.s32 s29, s4;
	s30 =	spop (v2sf)  }
0xc8: {  	s4 =	sadd.s32 s30, s4;
	s31 =	spop (v2sf)  }
0xc9: {  	s4 =	sadd.s32 s31, s4;
	s0 =	spop (v2sf)  }
0xca: {  	s4 =	sadd.s32 s0, s4;
	s1 =	spop (v2sf)  }
0xcb: {  	s4 =	sadd.s32 s1, s4;
	s6 =	spop (v2sf)  }
0xcc: {  	s4 =	sadd.s32 s6, s4;
	s9 =	spop (v2sf)  }
0xcd: {  	s15 =	spop (v2sf);
	s4 =	sadd.s32 s9, s4  }
0xce: {  	s4 =	sadd.s32 s4, s15;
	s16 =	spop (v2sf)  }
0xcf: {  	s4 =	sadd.s32 s16, s4;
	s17 =	spop (v2sf)  }
0xd0: {  	s4 =	sadd.s32 s17, s4;
	s21 =	spop (v2sf)  }
0xd1: {  	s4 =	sadd.s32 s21, s4;
	s28 =	spop (v2sf)  }
0xd2: {  	s4 =	sadd.s32 s28, s4;
	s29 =	spop (v2sf)  }
.Ltmp14:
0xd3: {  	s4 =	sadd.s32 s29, s4;
	s30 =	spop (v2sf);
	(pc) =	sbr.rel .LBB2_25-.Ltmp14, $4  }
0xd4: {  	s4 =	sadd.s32 s30, s4;
	s31 =	spop (v2sf)  }
0xd5: {  	s4 =	sadd.s32 s31, s4  }
0xd6: {  	p0 =	sgt.s32 s4, $0x3F  }
0xd7: {  	s23 =	smov.u32 @p0 s26  }
.LBB2_6:
.Ltmp15:
0xd8: {  	(pc) =	sbr.rel .LBB2_7-.Ltmp15, $2  }
0xd9: {  	_ =	sdelay $0x2  }
0xda: {  	s23 =	sadd.s32 s16, s23;
	s25 =	simm.s32 $0x0;
	s26 =	simm.s32 $0x0  }
.LBB2_8:
0xdb: {  	s25 =	smov.u32 s28  }
.LBB2_60:
0xdc: {  	s26 =	sadd.s32 $0x1, s26  }
0xdd: {  	p0 =	sne.s32 s26, $0x20  }
.Ltmp16:
0xde: {  	_ = 	snop;
	(pc) =	sbr.rel @!p0 .LBB2_61-.Ltmp16, $1  }
0xdf: {  	_ =	sdelay $0x3  }
.LBB2_7:
0xe0: {  	s1 =	sshrl.u32 s19, s26  }
0xe1: {  	s28 =	sor.u32 s1, s25  }
0xe2: {  	s5 =	sxor.u32 $0x80000000, s28  }
0xe3: {  	p0 =	sle.s32 s5, s24  }
.Ltmp17:
0xe4: {  	_ = 	snop;
	(pc) =	sbr.rel @p0 .LBB2_8-.Ltmp17, $1  }
0xe5: {  	_ =	sdelay $0x3  }
0xe6: {  	p6 =	sne.s32 s23, $0x1;
	p4 =	por $0x0, $0x0  }
.Ltmp18:
0xe7: {  	s29 =	simm.s32 $0x0;
	s1 =	simm.s32 @!p4 $0x0;
	(pc) =	sbr.rel @!p6 .LBB2_42-.Ltmp18, $4  }
0xe8: {  	s4 =	simm.s32 $0x1;
	s1 =	simm.s32 @p4 $0x1;
	p4 =	por $0x0, $0x0  }
0xe9: {  	p0 =	por $0x0, $0x0;
	[smem:$0x7FC] =	sst s1;
	s1 =	simm.s32 @!p4 $0x0  }
0xea: {  	p1 =	por $0x0, $0x0;
	p2 =	por $0x0, $0x0;
	s1 =	simm.s32 @p4 $0x1  }
0xeb: {  	p3 =	por $0x0, $0x0;
	v8 =	vmov s5;
	p5 =	por $0x0, $0x0;
	v9 =	vmov s29;
	[smem:$0x7FD] =	sst s1  }
0xec: {  	p6 =	sne.s32 s23, $0x2  }
.Ltmp19:
0xed: {  	_ = 	snop;
	(pc) =	sbr.rel @!p6 .LBB2_44-.Ltmp19, $2  }
0xee: {  	_ =	sdelay $0x2  }
0xef: {  	v12 =	vld.idx.msk [tilespmem:v9+s18+$0x0], $0xffff;
	s5 =	simm.s32 $0x2;
	v9 =	vmov s4;
	p0 =	por $0x1, $0x1  }
0xf0: {  	p6 =	sne.s32 s23, $0x3  }
.Ltmp20:
0xf1: {  	_ = 	snop;
	(pc) =	sbr.rel @!p6 .LBB2_46-.Ltmp20, $2  }
0xf2: {  	_ =	sdelay $0x2  }
0xf3: {  	v13 =	vld.idx.msk [tilespmem:v9+s18+$0x0], $0xffff;
	s4 =	simm.s32 $0x3;
	v9 =	vmov s5;
	p1 =	por $0x1, $0x1;
	v10 =	vadd.s32 v3, v12  }
0xf4: {  	p6 =	sne.s32 s23, $0x4  }
.Ltmp21:
0xf5: {  	_ = 	snop;
	(pc) =	sbr.rel @!p6 .LBB2_48-.Ltmp21, $3  }
0xf6: {  	_ =	sdelay $0x1  }
0xf7: {  	v14 =	vld.idx.msk [tilespmem:v10+s3+$0x0], $0xffff  }
0xf8: {  	v12 =	vld.idx.msk [tilespmem:v9+s18+$0x0], $0xffff;
	s5 =	simm.s32 $0x4;
	v9 =	vmov s4;
	p2 =	por $0x1, $0x1;
	v10 =	vadd.s32 v3, v13  }
0xf9: {  	_ = 	snop  }
0xfa: {  	p6 =	sne.s32 s23, $0x5  }
.Ltmp22:
0xfb: {  	_ = 	snop;
	(pc) =	sbr.rel @!p6 .LBB2_50-.Ltmp22, $4  }
0xfc: {  	v13 =	vshra.s32 v14, $0x1F  }
0xfd: {  	v11 =	vld.idx.msk [tilespmem:v10+s3+$0x0], $0xffff;
	v10 =	vand.u32 $0x7FFFFFFF, v13  }
0xfe: {  	v14 =	vxor.u32 v14, v10  }
0xff: {  	s4 =	simm.s32 $0x5;
	p3 =	por $0x1, $0x1;
	v13 =	vld.idx.msk [tilespmem:v9+s18+$0x0], $0xffff;
	v9 =	vmov s5;
	v10 =	vadd.s32 v3, v12;
	vm1 =	vge.s32 v14, v8  }
0x100: {  	_ = 	snop  }
0x101: {  	p6 =	sne.s32 s23, $0x6  }
.Ltmp23:
0x102: {  	_ = 	snop;
	(pc) =	sbr.rel @!p6 .LBB2_52-.Ltmp23, $4  }
0x103: {  	v14 =	vmpcnt.ones.xlane vm1;
	v15 =	vshra.s32 v11, $0x1F  }
0x104: {  	v12 =	vld.idx.msk [tilespmem:v10+s3+$0x0], $0xffff;
	v10 =	vand.u32 $0x7FFFFFFF, v15  }
0x105: {  	(v2sf) =	vpush v14, $0x0;
	v11 =	vxor.u32 v11, v10  }
0x106: {  	s6 =	simm.s32 $0x6;
	p4 =	por $0x1, $0x1;
	v15 =	vld.idx.msk [tilespmem:v9+s18+$0x0], $0xffff;
	v9 =	vmov s4;
	v10 =	vadd.s32 v3, v13;
	vm2 =	vge.s32 v11, v8  }
0x107: {  	v11 =	vmpcnt.ones.xlane vm2;
	_ =	sdelay $0x1  }
0x108: {  	(v2sf) =	vpush v11, $0x0;
	_ =	sdelay $0x2  }
0x109: {  	p6 =	sne.s32 s23, $0x7  }
.Ltmp24:
0x10a: {  	_ = 	snop;
	(pc) =	sbr.rel @!p6 .LBB2_54-.Ltmp24, $4  }
0x10b: {  	v13 =	vshra.s32 v12, $0x1F  }
0x10c: {  	s1 =	simm.s32 @!p4 $0x0;
	v14 =	vand.u32 $0x7FFFFFFF, v13  }
0x10d: {  	s1 =	simm.s32 @p4 $0x1;
	v13 =	vld.idx.msk [tilespmem:v9+s18+$0x0], $0xffff;
	v11 =	vxor.u32 v12, v14  }
0x10e: {  	s5 =	simm.s32 $0x7;
	p5 =	por $0x1, $0x1;
	[smem:$0x7FC] =	sst s1;
	v9 =	vmov s6;
	v14 =	vld.idx.msk [tilespmem:v10+s3+$0x0], $0xffff;
	v15 =	vadd.s32 v3, v15;
	vm3 =	vge.s32 v11, v8  }
0x10f: {  	v10 =	vmpcnt.ones.xlane vm3;
	_ =	sdelay $0x1  }
0x110: {  	(v2sf) =	vpush v10, $0x0;
	_ =	sdelay $0x2  }
0x111: {  	p6 =	sne.s32 s23, $0x8  }
.Ltmp25:
0x112: {  	_ = 	snop;
	(pc) =	sbr.rel @!p6 .LBB2_56-.Ltmp25, $4  }
0x113: {  	p4 =	por $0x1, $0x1;
	v11 =	vshra.s32 v14, $0x1F  }
0x114: {  	s1 =	simm.s32 @!p4 $0x0;
	v11 =	vand.u32 $0x7FFFFFFF, v11  }
0x115: {  	s4 =	simm.s32 $0x8;
	s1 =	simm.s32 @p4 $0x1;
	v10 =	vadd.s32 v3, v13;
	v17 =	vxor.u32 v14, v11;
	v11 =	vld.idx.msk [tilespmem:v15+s3+$0x0], $0xffff  }
0x116: {  	v16 =	vld.idx.msk [tilespmem:v9+s18+$0x0], $0xffff;
	v9 =	vmov s5;
	s16 =	simm.s32 $0x0;
	s30 =	spop (v2sf);
	[smem:$0x7FD] =	sst s1;
	vm4 =	vge.s32 v17, v8  }
.LBB2_57:
0x117: {  	s1 =	smov.u32 s4;
	s4 =	sadd.s32 $0x1, s4  }
0x118: {  	v18 =	vmpcnt.ones.xlane vm4;
	s16 =	sadd.s32 s16, s30;
	p6 =	sne.s32 s23, s4  }
.Ltmp26:
0x119: {  	(pc) =	sbr.rel @p6 .LBB2_57-.Ltmp26, $4  }
0x11a: {  	v17 =	vshra.s32 v11, $0x1F;
	v13 =	vmov v11;
	(v2sf) =	vpush v18, $0x0;
	v11 =	vld.idx.msk [tilespmem:v10+s3+$0x0], $0xffff  }
0x11b: {  	v10 =	vadd.s32 v3, v16;
	v17 =	vand.u32 $0x7FFFFFFF, v17;
	v16 =	vld.idx.msk [tilespmem:v9+s18+$0x0], $0xffff  }
0x11c: {  	v9 =	vmov s1;
	v13 =	vxor.u32 v13, v17  }
0x11d: {  	vm4 =	vge.s32 v13, v8;
	s30 =	spop (v2sf)  }
0x11e: {  	_ =	sdelay $0x1  }
0x11f: {  	v13 =	vmov v16  }
.LBB2_59:
0x120: {  	_ =	sdelay $0x2  }
0x121: {  	v13 =	vadd.s32 @p0 v3, v13  }
0x122: {  	v9 =	vld.idx.msk [tilespmem:v9+s18+$0x0], $0xffff;
	v13 =	vpsel p0, v13, v15  }
0x123: {  	v10 =	vld.idx.msk @p1 [tilespmem:v10+s3+$0x0], $0xffff;
	_ =	sdelay $0x3  }
0x124: {  	v16 =	vshra.s32 @p2 v11, $0x1F;
	v9 =	vadd.s32 v3, v9;
	v13 =	vld.idx.msk @p0 [tilespmem:v13+s3+$0x0], $0xffff  }
0x125: {  	v16 =	vand.u32 @p2 $0x7FFFFFFF, v16;
	v10 =	vpsel p1, v10, v14  }
0x126: {  	v11 =	vxor.u32 @p2 v11, v16;
	v14 =	vshra.s32 @p1 v10, $0x1F  }
0x127: {  	v15 =	vmpcnt.ones.xlane @p3 vm4;
	vm4 =	vge.s32 @p2 v11, v8;
	v11 =	vand.u32 @p1 $0x7FFFFFFF, v14  }
0x128: {  	v10 =	vxor.u32 @p1 v10, v11  }
0x129: {  	v9 =	vld.idx.msk [tilespmem:v9+s3+$0x0], $0xffff;
	v12 =	vpsel p0, v13, v12  }
0x12a: {  	(v2sf) =	vpush @p3 v15, $0x0;
	vm3 =	vmmov @p2 vm4;
	v11 =	vshra.s32 @p0 v12, $0x1F  }
0x12b: {  	v13 =	vmpcnt.ones.xlane @p2 vm3;
	vm3 =	vge.s32 @p1 v10, v8;
	v10 =	vmovc @p0 v12;
	v11 =	vand.u32 @p0 $0x7FFFFFFF, v11  }
0x12c: {  	vm2 =	vmmov @p1 vm3;
	v10 =	vxor.u32 @p0 v10, v11  }
0x12d: {  	(v2sf) =	vpush @p2 v13, $0x0;
	v11 =	vmpcnt.ones.xlane @p1 vm2;
	vm2 =	vge.s32 @p0 v10, v8  }
0x12e: {  	v63 =	vshra.s32 v9, $0x1F;
	vm1 =	vmmov @p0 vm2  }
0x12f: {  	(v2sf) =	vpush @p1 v11, $0x0;
	v10 =	vand.u32 $0x7FFFFFFF, v63;
	v11 =	vmpcnt.ones.xlane @p0 vm1  }
0x130: {  	s4 =	sld [smem:$0x7FD];
	v9 =	vxor.u32 v9, v10  }
0x131: {  	vm1 =	vge.s32 v9, v8;
	(v2sf) =	vpush @p0 v11, $0x0  }
0x132: {  	v8 =	vmpcnt.ones.xlane vm1  }
0x133: {  	p4 =	seq.s32 s4, $0x1  }
0x134: {  	s4 =	sadd.s32 @p4 s16, s30;
	s30 =	sld [smem:$0x7FC];
	(v2sf) =	vpush v8, $0x0;
	_ =	sdelay $0x1  }
0x135: {  	s1 =	spop @p5 (v2sf);
	s5 =	simm.s32 $0x0  }
0x136: {  	s1 =	smov.u32 @p5 s1;
	s5 =	smov.u32 @p4 s4;
	p4 =	seq.s32 s30, $0x1  }
0x137: {  	s1 =	sadd.s32 @p5 s5, s1;
	s5 =	simm.s32 $0x0;
	s4 =	spop @p4 (v2sf)  }
0x138: {  	s5 =	smov.u32 @p5 s1;
	s4 =	smov.u32 @p4 s4  }
0x139: {  	s4 =	sadd.s32 @p4 s5, s4;
	s5 =	simm.s32 $0x0;
	s1 =	spop @p3 (v2sf)  }
0x13a: {  	s5 =	smov.u32 @p4 s4;
	s1 =	smov.u32 @p3 s1  }
0x13b: {  	s1 =	sadd.s32 @p3 s5, s1;
	s5 =	simm.s32 $0x0;
	s4 =	spop @p2 (v2sf)  }
0x13c: {  	s5 =	smov.u32 @p3 s1;
	s4 =	smov.u32 @p2 s4  }
0x13d: {  	s1 =	sadd.s32 @p2 s5, s4;
	s5 =	simm.s32 $0x0;
	s4 =	spop @p1 (v2sf)  }
0x13e: {  	s5 =	smov.u32 @p2 s1;
	s4 =	smov.u32 @p1 s4  }
0x13f: {  	s1 =	sadd.s32 @p1 s5, s4;
	s5 =	simm.s32 $0x0;
	s4 =	spop @p0 (v2sf)  }
0x140: {  	s5 =	smov.u32 @p1 s1;
	s4 =	smov.u32 @p0 s4  }
.Ltmp27:
0x141: {  	s1 =	sadd.s32 @p0 s5, s4;
	(pc) =	sbr.rel .LBB2_60-.Ltmp27, $4  }
0x142: {  	s31 =	spop (v2sf);
	s29 =	smov.u32 @p0 s1  }
0x143: {  	s1 =	sadd.s32 s29, s31  }
0x144: {  	p0 =	sgt.s32 s1, $0x3F  }
0x145: {  	s25 =	smov.u32 @p0 s28  }
.LBB2_42:
.Ltmp28:
0x146: {  	(pc) =	sbr.rel .LBB2_59-.Ltmp28, $2  }
0x147: {  	_ =	sdelay $0x2  }
0x148: {  	s16 =	simm.s32 $0x0  }
.LBB2_44:
.Ltmp29:
0x149: {  	_ = 	snop;
	(pc) =	sbr.rel .LBB2_59-.Ltmp29, $2  }
0x14a: {  	_ =	sdelay $0x2  }
0x14b: {  	s16 =	simm.s32 $0x0;
	v13 =	vmov v12  }
.LBB2_46:
.Ltmp30:
0x14c: {  	(pc) =	sbr.rel .LBB2_59-.Ltmp30, $2  }
0x14d: {  	_ =	sdelay $0x2  }
0x14e: {  	s16 =	simm.s32 $0x0  }
.LBB2_48:
.Ltmp31:
0x14f: {  	_ = 	snop;
	(pc) =	sbr.rel .LBB2_59-.Ltmp31, $2  }
0x150: {  	_ =	sdelay $0x2  }
0x151: {  	s16 =	simm.s32 $0x0;
	v11 =	vmov v14;
	v13 =	vmov v12  }
.LBB2_50:
.Ltmp32:
0x152: {  	(pc) =	sbr.rel .LBB2_59-.Ltmp32, $2  }
0x153: {  	_ =	sdelay $0x2  }
0x154: {  	vm4 =	vmmov vm1;
	s16 =	simm.s32 $0x0  }
.LBB2_52:
.Ltmp33:
0x155: {  	_ = 	snop;
	(pc) =	sbr.rel .LBB2_59-.Ltmp33, $4  }
0x156: {  	_ = 	snop  }
0x157: {  	s1 =	simm.s32 @!p4 $0x0  }
0x158: {  	s1 =	simm.s32 @p4 $0x1  }
0x159: {  	vm4 =	vmmov vm2;
	s16 =	simm.s32 $0x0;
	[smem:$0x7FC] =	sst s1;
	v11 =	vmov v12;
	v13 =	vmov v15  }
.LBB2_54:
.Ltmp34:
0x15a: {  	_ = 	snop;
	(pc) =	sbr.rel .LBB2_59-.Ltmp34, $2  }
0x15b: {  	_ =	sdelay $0x2  }
0x15c: {  	vm4 =	vmmov vm3;
	s16 =	simm.s32 $0x0;
	v10 =	vmov v15;
	v11 =	vmov v14  }
.LBB2_56:
.Ltmp35:
0x15d: {  	_ = 	snop;
	(pc) =	sbr.rel .LBB2_59-.Ltmp35, $2  }
0x15e: {  	_ =	sdelay $0x2  }
0x15f: {  	s16 =	simm.s32 $0x0;
	v13 =	vmov v16  }
.LBB2_26:
0x160: {  	s4 =	simm.s32 $0x11140  }
0x161: {  	v14 =	vld [tilespmem:s4+$0x30]  }
0x162: {  	v13 =	vld [tilespmem:s4+$0x20]  }
0x163: {  	v12 =	vld [tilespmem:s4+$0x10]  }
0x164: {  	s5 =	sxor.u32 $0x80000000, s23;
	v10 =	vld [tilespmem:s4+$0x0]  }
0x165: {  	v8 =	vmov s5;
	v11 =	vld [tilespmem:s4+$0xFFFFFFF0]  }
0x166: {  	v9 =	vld [tilespmem:s4+$0xFFFFFFE0];
	vm1 =	vge.s32 v14, v8  }
0x167: {  	v15 =	vld [tilespmem:s4+$0xFFFFFFD0];
	vm2 =	vge.s32 v13, v8;
	v16 =	vmpcnt.ones.xlane vm1  }
0x168: {  	v17 =	vld [tilespmem:s4+$0xFFFFFFC0];
	vm1 =	vge.s32 v12, v8;
	v18 =	vmpcnt.ones.xlane vm2  }
0x169: {  	vm2 =	vge.s32 v10, v8;
	v19 =	vmpcnt.ones.xlane vm1;
	(v2sf) =	vpush v16, $0x0  }
0x16a: {  	vm1 =	vge.s32 v11, v8;
	v16 =	vmpcnt.ones.xlane vm2;
	(v2sf) =	vpush v18, $0x0  }
0x16b: {  	vm2 =	vge.s32 v9, v8;
	v57 =	vmpcnt.ones.xlane vm1;
	(v2sf) =	vpush v19, $0x0  }
0x16c: {  	vm1 =	vge.s32 v15, v8;
	v58 =	vmpcnt.ones.xlane vm2;
	(v2sf) =	vpush v16, $0x0  }
0x16d: {  	vm2 =	vge.s32 v17, v8;
	v16 =	vmpcnt.ones.xlane vm1;
	(v2sf) =	vpush v57, $0x0  }
0x16e: {  	v59 =	vmpcnt.ones.xlane vm2;
	vm1 =	vgt.s32 v17, v8;
	(v2sf) =	vpush v58, $0x0  }
0x16f: {  	v17 =	vmpcnt.ones.xlane vm1;
	vm1 =	vgt.s32 v15, v8;
	(v2sf) =	vpush v16, $0x0  }
0x170: {  	s26 =	simm.s32 $0x111C0;
	v15 =	vmpcnt.ones.xlane vm1;
	vm1 =	vgt.s32 v9, v8;
	(v2sf) =	vpush v59, $0x0  }
0x171: {  	v9 =	vld [tilespmem:s26+$0x30];
	v16 =	vmpcnt.ones.xlane vm1;
	vm1 =	vgt.s32 v11, v8;
	(v2sf) =	vpush v17, $0x0  }
0x172: {  	v11 =	vld [tilespmem:s26+$0x20];
	v17 =	vmpcnt.ones.xlane vm1;
	vm1 =	vgt.s32 v10, v8;
	(v2sf) =	vpush v15, $0x0  }
0x173: {  	v10 =	vld [tilespmem:s26+$0x10];
	v15 =	vmpcnt.ones.xlane vm1;
	vm1 =	vgt.s32 v12, v8;
	(v2sf) =	vpush v16, $0x0  }
0x174: {  	v12 =	vld [tilespmem:s26+$0x0];
	v16 =	vmpcnt.ones.xlane vm1;
	vm1 =	vgt.s32 v13, v8;
	(v2sf) =	vpush v17, $0x0  }
0x175: {  	v13 =	vld [tilespmem:s26+$0xFFFFFFF0];
	v17 =	vmpcnt.ones.xlane vm1;
	vm1 =	vgt.s32 v14, v8;
	(v2sf) =	vpush v15, $0x0  }
0x176: {  	v60 =	vld [tilespmem:s26+$0xFFFFFFE0];
	vm2 =	vge.s32 v9, v8;
	v14 =	vmpcnt.ones.xlane vm1;
	(v2sf) =	vpush v16, $0x0  }
0x177: {  	vm1 =	vge.s32 v11, v8;
	v15 =	vmpcnt.ones.xlane vm2;
	v16 =	vld [tilespmem:s26+$0xFFFFFFD0];
	(v2sf) =	vpush v17, $0x0  }
0x178: {  	vm2 =	vge.s32 v10, v8;
	v61 =	vmpcnt.ones.xlane vm1;
	v17 =	vld [tilespmem:s26+$0xFFFFFFC0];
	s23 =	spop (v2sf);
	(v2sf) =	vpush v14, $0x0  }
0x179: {  	vm1 =	vge.s32 v12, v8;
	v14 =	vmpcnt.ones.xlane vm2;
	(v2sf) =	vpush v15, $0x0;
	s16 =	spop (v2sf)  }
0x17a: {  	vm2 =	vge.s32 v13, v8;
	v15 =	vmpcnt.ones.xlane vm1;
	(v2sf) =	vpush v61, $0x0;
	s24 =	spop (v2sf)  }
0x17b: {  	vm1 =	vge.s32 v60, v8;
	v62 =	vmpcnt.ones.xlane vm2;
	(v2sf) =	vpush v14, $0x0;
	s25 =	spop (v2sf)  }
0x17c: {  	s15 =	smov.u32 s2;
	vm2 =	vge.s32 v16, v8;
	v14 =	vmpcnt.ones.xlane vm1;
	(v2sf) =	vpush v15, $0x0;
	s29 =	spop (v2sf)  }
0x17d: {  	s2 =	smov.u32 s11;
	s17 =	smov.u32 s13;
	vm1 =	vge.s32 v17, v8;
	v20 =	vmpcnt.ones.xlane vm2;
	(v2sf) =	vpush v62, $0x0;
	s31 =	spop (v2sf)  }
0x17e: {  	s0 =	smov.u32 s12;
	s13 =	smov.u32 s10;
	v63 =	vmpcnt.ones.xlane vm1;
	vm1 =	vgt.s32 v17, v8;
	(v2sf) =	vpush v14, $0x0;
	s5 =	spop (v2sf)  }
0x17f: {  	s30 =	simm.s32 $0x0;
	s28 =	simm.s32 $0x11240;
	v15 =	vmpcnt.ones.xlane vm1;
	vm1 =	vgt.s32 v16, v8;
	(v2sf) =	vpush v20, $0x0;
	s6 =	spop (v2sf)  }
0x180: {  	s4 =	simm.s32 $0x0;
	s26 =	simm.s32 $0x8;
	v14 =	vmpcnt.ones.xlane vm1;
	vm1 =	vgt.s32 v60, v8;
	(v2sf) =	vpush v63, $0x0;
	s9 =	spop (v2sf)  }
.LBB2_27:
0x181: {  	v16 =	vld [tilespmem:s28+$0x30];
	v17 =	vmpcnt.ones.xlane vm1;
	vm1 =	vgt.s32 v13, v8;
	(v2sf) =	vpush v15, $0x0;
	s6 =	sadd.s32 s30, s6;
	s4 =	sadd.s32 s4, s9;
	s9 =	spop (v2sf)  }
0x182: {  	v15 =	vld [tilespmem:s28+$0x20];
	v13 =	vmpcnt.ones.xlane vm1;
	vm1 =	vgt.s32 v12, v8;
	(v2sf) =	vpush v14, $0x0;
	s5 =	sadd.s32 s5, s6;
	s4 =	sadd.s32 s9, s4;
	s6 =	spop (v2sf)  }
0x183: {  	v14 =	vmpcnt.ones.xlane vm1;
	vm1 =	vgt.s32 v10, v8;
	v10 =	vld [tilespmem:s28+$0x10];
	(v2sf) =	vpush v17, $0x0;
	s5 =	sadd.s32 s31, s5;
	s4 =	sadd.s32 s6, s4;
	s6 =	spop (v2sf)  }
0x184: {  	v12 =	vld [tilespmem:s28+$0x0];
	v17 =	vmpcnt.ones.xlane vm1;
	vm1 =	vgt.s32 v11, v8;
	(v2sf) =	vpush v13, $0x0;
	s5 =	sadd.s32 s29, s5;
	s4 =	sadd.s32 s6, s4;
	s6 =	spop (v2sf)  }
0x185: {  	v13 =	vld [tilespmem:s28+$0xFFFFFFF0];
	v19 =	vmpcnt.ones.xlane vm1;
	vm1 =	vgt.s32 v9, v8;
	(v2sf) =	vpush v14, $0x0;
	s5 =	sadd.s32 s25, s5;
	s4 =	sadd.s32 s6, s4;
	s6 =	spop (v2sf)  }
0x186: {  	v18 =	vld [tilespmem:s28+$0xFFFFFFE0];
	vm2 =	vge.s32 v16, v8;
	v14 =	vmpcnt.ones.xlane vm1;
	(v2sf) =	vpush v17, $0x0;
	s5 =	sadd.s32 s24, s5;
	s4 =	sadd.s32 s6, s4;
	s6 =	spop (v2sf);
	v9 =	vmovc v16  }
0x187: {  	v16 =	vld [tilespmem:s28+$0xFFFFFFD0];
	vm1 =	vge.s32 v15, v8;
	v17 =	vmpcnt.ones.xlane vm2;
	(v2sf) =	vpush v19, $0x0;
	s5 =	sadd.s32 s16, s5;
	s4 =	sadd.s32 s6, s4;
	s6 =	spop (v2sf);
	v11 =	vmovc v15  }
0x188: {  	v15 =	vld [tilespmem:s28+$0xFFFFFFC0];
	vm2 =	vge.s32 v10, v8;
	v19 =	vmpcnt.ones.xlane vm1;
	(v2sf) =	vpush v14, $0x0;
	s30 =	sadd.s32 s23, s5;
	s23 =	spop (v2sf);
	s4 =	sadd.s32 s6, s4  }
0x189: {  	s26 =	sadd.s32 $0x8, s26;
	vm1 =	vge.s32 v12, v8;
	v14 =	vmpcnt.ones.xlane vm2;
	(v2sf) =	vpush v17, $0x0;
	s16 =	spop (v2sf)  }
0x18a: {  	p0 =	slt.u32 s26, $0x78;
	vm2 =	vge.s32 v13, v8;
	v17 =	vmpcnt.ones.xlane vm1;
	(v2sf) =	vpush v19, $0x0;
	s24 =	spop (v2sf)  }
0x18b: {  	vm1 =	vge.s32 v18, v8;
	v19 =	vmpcnt.ones.xlane vm2;
	(v2sf) =	vpush v14, $0x0;
	s25 =	spop (v2sf)  }
.Ltmp36:
0x18c: {  	vm2 =	vge.s32 v16, v8;
	v14 =	vmpcnt.ones.xlane vm1;
	(v2sf) =	vpush v17, $0x0;
	s29 =	spop (v2sf);
	(pc) =	sbr.rel @p0 .LBB2_27-.Ltmp36, $4  }
0x18d: {  	vm1 =	vge.s32 v15, v8;
	v17 =	vmpcnt.ones.xlane vm2;
	(v2sf) =	vpush v19, $0x0;
	s31 =	spop (v2sf)  }
0x18e: {  	v19 =	vmpcnt.ones.xlane vm1;
	vm1 =	vgt.s32 v15, v8;
	(v2sf) =	vpush v14, $0x0;
	s5 =	spop (v2sf)  }
0x18f: {  	v15 =	vmpcnt.ones.xlane vm1;
	vm1 =	vgt.s32 v16, v8;
	(v2sf) =	vpush v17, $0x0;
	s6 =	spop (v2sf)  }
0x190: {  	s28 =	sadd.s32 $0x80, s28;
	v14 =	vmpcnt.ones.xlane vm1;
	vm1 =	vgt.s32 v18, v8;
	(v2sf) =	vpush v19, $0x0;
	s9 =	spop (v2sf)  }
0x191: {  	s26 =	spop (v2sf)  }
0x192: {  	s28 =	spop (v2sf)  }
0x193: {  	s10 =	spop (v2sf)  }
0x194: {  	s11 =	spop (v2sf)  }
0x195: {  	s1 =	spop (v2sf)  }
0x196: {  	v16 =	vmpcnt.ones.xlane vm1;
	vm1 =	vgt.s32 v13, v8;
	(v2sf) =	vpush v15, $0x0;
	s21 =	spop (v2sf)  }
0x197: {  	v13 =	vmpcnt.ones.xlane vm1;
	vm1 =	vgt.s32 v12, v8;
	(v2sf) =	vpush v14, $0x0;
	s12 =	spop (v2sf)  }
0x198: {  	s6 =	sadd.s32 s30, s6;
	v12 =	vmpcnt.ones.xlane vm1;
	vm1 =	vgt.s32 v10, v8;
	(v2sf) =	vpush v16, $0x0;
	s30 =	spop (v2sf)  }
0x199: {  	s5 =	sadd.s32 s5, s6;
	v10 =	vmpcnt.ones.xlane vm1;
	vm1 =	vgt.s32 v11, v8;
	(v2sf) =	vpush v13, $0x0;
	s6 =	spop (v2sf)  }
0x19a: {  	s4 =	sadd.s32 s4, s9;
	s5 =	sadd.s32 s31, s5;
	v11 =	vmpcnt.ones.xlane vm1;
	vm1 =	vgt.s32 v9, v8;
	(v2sf) =	vpush v12, $0x0;
	s9 =	spop (v2sf)  }
0x19b: {  	s4 =	sadd.s32 s26, s4;
	s5 =	sadd.s32 s29, s5;
	v9 =	vmpcnt.ones.xlane vm1;
	(v2sf) =	vpush v10, $0x0;
	s26 =	spop (v2sf)  }
0x19c: {  	s4 =	sadd.s32 s28, s4;
	s5 =	sadd.s32 s25, s5;
	(v2sf) =	vpush v11, $0x0;
	s28 =	spop (v2sf)  }
0x19d: {  	s5 =	sadd.s32 s24, s5;
	(v2sf) =	vpush v9, $0x0;
	s29 =	spop (v2sf)  }
0x19e: {  	s4 =	sadd.s32 s10, s4;
	s5 =	sadd.s32 s16, s5;
	s31 =	spop (v2sf)  }
0x19f: {  	s4 =	sadd.s32 s11, s4;
	s5 =	sadd.s32 s23, s5;
	s16 =	spop (v2sf)  }
0x1a0: {  	s1 =	sadd.s32 s1, s4;
	s4 =	sadd.s32 s5, s16  }
0x1a1: {  	s4 =	sadd.s32 s31, s4  }
0x1a2: {  	s4 =	sadd.s32 s29, s4  }
0x1a3: {  	s4 =	sadd.s32 s28, s4  }
0x1a4: {  	s1 =	sadd.s32 s21, s1;
	s4 =	sadd.s32 s26, s4  }
0x1a5: {  	s1 =	sadd.s32 s12, s1;
	s21 =	spop (v2sf);
	s4 =	sadd.s32 s9, s4  }
0x1a6: {  	s1 =	sadd.s32 s1, s21;
	s23 =	spop (v2sf);
	s4 =	sadd.s32 s6, s4  }
0x1a7: {  	s1 =	sadd.s32 s23, s1;
	s24 =	spop (v2sf);
	s4 =	sadd.s32 s30, s4  }
0x1a8: {  	s1 =	sadd.s32 s24, s1;
	s25 =	spop (v2sf);
	p0 =	sne.s32 s4, $0x40  }
.Ltmp37:
0x1a9: {  	s1 =	sadd.s32 s25, s1;
	s26 =	spop (v2sf);
	(pc) =	sbr.rel @p0 .LBB2_29-.Ltmp37, $4  }
0x1aa: {  	s1 =	sadd.s32 s26, s1;
	s28 =	spop (v2sf)  }
0x1ab: {  	s1 =	sadd.s32 s28, s1;
	s29 =	spop (v2sf)  }
0x1ac: {  	s1 =	sadd.s32 s29, s1;
	s31 =	spop (v2sf)  }
0x1ad: {  	s16 =	simm.s32 $0x11100;
	s23 =	simm.s32 $0x0;
	s4 =	sadd.s32 s31, s1  }
0x1ae: {  	v9 =	vld [tilespmem:s16+$0x0];
	_ =	sdelay $0x4  }
0x1af: {  	vm1 =	vge.s32 v9, v8  }
0x1b0: {  	v10 =	vmpcnt.ones.xlane vm1;
	_ =	sdelay $0x1  }
0x1b1: {  	(v2sf) =	vpush v10, $0x0;
	_ =	sdelay $0xe  }
0x1b2: {  	s1 =	spop (v2sf)  }
0x1b3: {  	p1 =	slt.s32 s1, $0x1  }
0x1b4: {  	v10 =	vmov @!p1 s23;
	_ =	sdelay $0x3  }
0x1b5: {  	s4 =	simm.s32 @!p1 $0x10880  }
0x1b6: {  	v10 =	vld.idx.msk @!p1 [tilespmem:v10+s4+$0x0], $0xffff;
	_ =	sdelay $0x1  }
0x1b7: {  	v11 =	vlaneseq.u32 @!p1  }
0x1b8: {  	v11 =	vmul.u32 @!p1 $0x800, v11  }
0x1b9: {  	v12 =	vshra.s32 @!p1 v9, $0x1F  }
0x1ba: {  	s10 =	smov.u32 s13;
	s12 =	smov.u32 s0;
	s11 =	smov.u32 s2;
	vm1 =	vge.s32 @!p1 v9, v8;
	v12 =	vand.u32 @!p1 $0x7FFFFFFF, v12;
	v10 =	vadd.s32 @!p1 v11, v10  }
0x1bb: {  	s21 =	simm.s32 $0x400;
	s5 =	sadd.s32 $0x0, s1;
	v9 =	vxor.u32 @!p1 v9, v12;
	s4 =	simm.s32 $0x1;
	[tilespmem:s23+$0x11980] =	vst.msk @!p1 vm1, v10  }
.LBB2_39:
0x1bc: {  	[tilespmem:s23+$0x11A00] =	vst.msk @!p1 vm1, v9;
	s16 =	sadd.s32 $0x10, s16;
	s1 =	smov.u32 s4;
	s4 =	sadd.s32 $0x1, s4  }
0x1bd: {  	s23 =	smov.u32 s5;
	v10 =	vld [tilespmem:s16+$0x0];
	p0 =	seq.s32 s4, $0x80;
	_ =	sdelay $0x4  }
0x1be: {  	vm1 =	vge.s32 v10, v8  }
0x1bf: {  	v9 =	vmpcnt.ones.xlane vm1;
	_ =	sdelay $0x1  }
0x1c0: {  	(v2sf) =	vpush v9, $0x0;
	_ =	sdelay $0xe  }
0x1c1: {  	s6 =	spop (v2sf)  }
0x1c2: {  	p1 =	slt.s32 s6, $0x1;
	s5 =	sadd.s32 s5, s6  }
0x1c3: {  	v9 =	vshra.s32 @!p1 v10, $0x1F;
	v11 =	vmov @!p1 s1;
	v12 =	vlaneseq.u32 @!p1  }
0x1c4: {  	v9 =	vand.u32 @!p1 $0x7FFFFFFF, v9;
	v12 =	vmul.u32 @!p1 $0x800, v12  }
0x1c5: {  	v9 =	vxor.u32 @!p1 v10, v9;
	_ =	sdelay $0x1  }
0x1c6: {  	s1 =	simm.s32 @!p1 $0x10880  }
0x1c7: {  	v11 =	vld.idx.msk @!p1 [tilespmem:v11+s1+$0x0], $0xffff;
	_ =	sdelay $0x2  }
.Ltmp38:
0x1c8: {  	(pc) =	sbr.rel @!p0 .LBB2_39-.Ltmp38, $3  }
0x1c9: {  	_ =	sdelay $0x1  }
0x1ca: {  	vm1 =	vge.s32 @!p1 v10, v8;
	v10 =	vadd.s32 @!p1 v12, v11  }
0x1cb: {  	[tilespmem:s23+$0x11980] =	vst.msk @!p1 vm1, v10  }
.Ltmp39:
0x1cc: {  	(pc) =	sbr.rel .LBB2_108-.Ltmp39, $3  }
0x1cd: {  	_ =	sdelay $0x1  }
0x1ce: {  	s13 =	smov.u32 s17;
	s0 =	rddreg [dreg:$0x6]  }
0x1cf: {  	[tilespmem:s23+$0x11A00] =	vst.msk @!p1 vm1, v9;
	s2 =	smov.u32 s15;
	s15 =	rddreg [dreg:$0x7];
	s17 =	simm.s32 $0x80  }
.LBB2_61:
0x1d0: {  	s1 =	sxor.u32 $0x80000000, s25;
	p6 =	sne.s32 s23, $0x1;
	p4 =	por $0x0, $0x0  }
.Ltmp40:
0x1d1: {  	s24 =	simm.s32 $0x0;
	v8 =	vmov s1;
	s1 =	simm.s32 @!p4 $0x0;
	(pc) =	sbr.rel @!p6 .LBB2_62-.Ltmp40, $4  }
0x1d2: {  	s25 =	simm.s32 $0x1;
	s1 =	simm.s32 @p4 $0x1;
	p4 =	por $0x0, $0x0  }
0x1d3: {  	p0 =	por $0x0, $0x0;
	[smem:$0x7FA] =	sst s1;
	s1 =	simm.s32 @!p4 $0x0  }
0x1d4: {  	p1 =	por $0x0, $0x0;
	p2 =	por $0x0, $0x0;
	s1 =	simm.s32 @p4 $0x1  }
0x1d5: {  	p3 =	por $0x0, $0x0;
	p5 =	por $0x0, $0x0;
	v9 =	vmov s24;
	[smem:$0x7FB] =	sst s1  }
0x1d6: {  	p6 =	sne.s32 s23, $0x2  }
.Ltmp41:
0x1d7: {  	_ = 	snop;
	(pc) =	sbr.rel @!p6 .LBB2_64-.Ltmp41, $2  }
0x1d8: {  	_ =	sdelay $0x2  }
0x1d9: {  	v11 =	vld.idx.msk [tilespmem:v9+s18+$0x0], $0xffff;
	s5 =	simm.s32 $0x2;
	v9 =	vmov s25;
	p0 =	por $0x1, $0x1  }
0x1da: {  	p6 =	sne.s32 s23, $0x3  }
.Ltmp42:
0x1db: {  	_ = 	snop;
	(pc) =	sbr.rel @!p6 .LBB2_66-.Ltmp42, $2  }
0x1dc: {  	_ =	sdelay $0x2  }
0x1dd: {  	v13 =	vld.idx.msk [tilespmem:v9+s18+$0x0], $0xffff;
	s4 =	simm.s32 $0x3;
	v9 =	vmov s5;
	p1 =	por $0x1, $0x1;
	v10 =	vadd.s32 v3, v11  }
0x1de: {  	p6 =	sne.s32 s23, $0x4  }
.Ltmp43:
0x1df: {  	_ = 	snop;
	(pc) =	sbr.rel @!p6 .LBB2_68-.Ltmp43, $3  }
0x1e0: {  	_ =	sdelay $0x1  }
0x1e1: {  	v11 =	vld.idx.msk [tilespmem:v10+s3+$0x0], $0xffff  }
0x1e2: {  	v14 =	vld.idx.msk [tilespmem:v9+s18+$0x0], $0xffff;
	s5 =	simm.s32 $0x4;
	v9 =	vmov s4;
	p2 =	por $0x1, $0x1;
	v10 =	vadd.s32 v3, v13  }
0x1e3: {  	_ = 	snop  }
0x1e4: {  	p6 =	sne.s32 s23, $0x5  }
.Ltmp44:
0x1e5: {  	_ = 	snop;
	(pc) =	sbr.rel @!p6 .LBB2_70-.Ltmp44, $4  }
0x1e6: {  	v13 =	vshra.s32 v11, $0x1F  }
0x1e7: {  	v15 =	vand.u32 $0x7FFFFFFF, v13  }
0x1e8: {  	v12 =	vld.idx.msk [tilespmem:v10+s3+$0x0], $0xffff;
	v10 =	vadd.s32 v3, v14;
	v11 =	vxor.u32 v11, v15  }
0x1e9: {  	s4 =	simm.s32 $0x5;
	p3 =	por $0x1, $0x1;
	v13 =	vld.idx.msk [tilespmem:v9+s18+$0x0], $0xffff;
	v9 =	vmov s5;
	vm2 =	vge.s32 v11, v8;
	vm1 =	vgt.s32 v11, v8  }
0x1ea: {  	v14 =	vmpcnt.ones.xlane vm2  }
0x1eb: {  	v15 =	vmpcnt.ones.xlane vm1  }
0x1ec: {  	(v2sf) =	vpush v14, $0x0  }
0x1ed: {  	(v2sf) =	vpush v15, $0x0;
	_ =	sdelay $0x7  }
0x1ee: {  	p6 =	sne.s32 s23, $0x6  }
.Ltmp45:
0x1ef: {  	_ = 	snop;
	(pc) =	sbr.rel @!p6 .LBB2_72-.Ltmp45, $4  }
0x1f0: {  	p4 =	por $0x1, $0x1;
	v16 =	vshra.s32 v12, $0x1F  }
0x1f1: {  	s1 =	simm.s32 @!p4 $0x0;
	v16 =	vand.u32 $0x7FFFFFFF, v16  }
0x1f2: {  	v14 =	vld.idx.msk [tilespmem:v9+s18+$0x0], $0xffff;
	v9 =	vmov s4;
	s1 =	simm.s32 @p4 $0x1;
	v12 =	vxor.u32 v12, v16  }
0x1f3: {  	v11 =	vld.idx.msk [tilespmem:v10+s3+$0x0], $0xffff;
	s6 =	simm.s32 $0x6;
	[smem:$0x7FA] =	sst s1;
	v10 =	vadd.s32 v3, v13;
	vm3 =	vge.s32 v12, v8;
	vm4 =	vgt.s32 v12, v8  }
0x1f4: {  	v12 =	vmpcnt.ones.xlane vm3  }
0x1f5: {  	v16 =	vmpcnt.ones.xlane vm4  }
0x1f6: {  	(v2sf) =	vpush v12, $0x0  }
0x1f7: {  	(v2sf) =	vpush v16, $0x0;
	_ =	sdelay $0x2  }
0x1f8: {  	p6 =	sne.s32 s23, $0x7  }
.Ltmp46:
0x1f9: {  	_ = 	snop;
	(pc) =	sbr.rel @!p6 .LBB2_74-.Ltmp46, $4  }
0x1fa: {  	v13 =	vshra.s32 v11, $0x1F  }
0x1fb: {  	v12 =	vand.u32 $0x7FFFFFFF, v13  }
0x1fc: {  	v15 =	vadd.s32 v3, v14;
	v14 =	vld.idx.msk [tilespmem:v10+s3+$0x0], $0xffff;
	v12 =	vxor.u32 v11, v12  }
0x1fd: {  	s5 =	simm.s32 $0x7;
	p5 =	por $0x1, $0x1;
	v13 =	vld.idx.msk [tilespmem:v9+s18+$0x0], $0xffff;
	v9 =	vmov s6;
	vm7 =	vge.s32 v12, v8;
	vm8 =	vgt.s32 v12, v8  }
0x1fe: {  	v10 =	vmpcnt.ones.xlane vm7  }
0x1ff: {  	v12 =	vmpcnt.ones.xlane vm8  }
0x200: {  	(v2sf) =	vpush v10, $0x0  }
0x201: {  	(v2sf) =	vpush v12, $0x0;
	_ =	sdelay $0x2  }
0x202: {  	p6 =	sne.s32 s23, $0x8  }
.Ltmp47:
0x203: {  	_ = 	snop;
	(pc) =	sbr.rel @!p6 .LBB2_76-.Ltmp47, $4  }
0x204: {  	p4 =	por $0x1, $0x1;
	v16 =	vshra.s32 v14, $0x1F  }
0x205: {  	s1 =	simm.s32 @!p4 $0x0;
	v17 =	vand.u32 $0x7FFFFFFF, v16  }
0x206: {  	s4 =	simm.s32 $0x8;
	s28 =	spop (v2sf);
	s1 =	simm.s32 @p4 $0x1;
	v12 =	vld.idx.msk [tilespmem:v15+s3+$0x0], $0xffff;
	v10 =	vadd.s32 v3, v13;
	v13 =	vxor.u32 v14, v17  }
0x207: {  	s26 =	simm.s32 $0x0;
	s16 =	simm.s32 $0x0;
	[smem:$0x7FB] =	sst s1;
	v16 =	vld.idx.msk [tilespmem:v9+s18+$0x0], $0xffff;
	v9 =	vmov s5;
	vm5 =	vge.s32 v13, v8;
	vm6 =	vgt.s32 v13, v8  }
.LBB2_77:
0x208: {  	s5 =	smov.u32 s4;
	s4 =	sadd.s32 $0x1, s4  }
0x209: {  	v19 =	vmpcnt.ones.xlane vm5;
	v17 =	vmpcnt.ones.xlane vm6;
	s26 =	sadd.s32 s26, s28;
	s1 =	spop (v2sf);
	p6 =	sne.s32 s23, s4  }
.Ltmp48:
0x20a: {  	s16 =	sadd.s32 s16, s1;
	(pc) =	sbr.rel @p6 .LBB2_77-.Ltmp48, $4  }
0x20b: {  	v18 =	vshra.s32 v12, $0x1F;
	v13 =	vmov v12;
	(v2sf) =	vpush v19, $0x0;
	v12 =	vld.idx.msk [tilespmem:v10+s3+$0x0], $0xffff  }
0x20c: {  	v10 =	vadd.s32 v3, v16;
	v18 =	vand.u32 $0x7FFFFFFF, v18;
	v16 =	vld.idx.msk [tilespmem:v9+s18+$0x0], $0xffff;
	(v2sf) =	vpush v17, $0x0  }
0x20d: {  	v9 =	vmov s5;
	v13 =	vxor.u32 v13, v18  }
0x20e: {  	vm5 =	vge.s32 v13, v8;
	vm6 =	vgt.s32 v13, v8;
	s28 =	spop (v2sf)  }
0x20f: {  	_ =	sdelay $0x1  }
0x210: {  	v13 =	vmov v16  }
.LBB2_79:
0x211: {  	_ =	sdelay $0x2  }
0x212: {  	v13 =	vadd.s32 @p0 v3, v13  }
0x213: {  	v9 =	vld.idx.msk [tilespmem:v9+s18+$0x0], $0xffff;
	v13 =	vpsel p0, v13, v15  }
0x214: {  	v10 =	vld.idx.msk @p1 [tilespmem:v10+s3+$0x0], $0xffff;
	_ =	sdelay $0x1  }
0x215: {  	v15 =	vshra.s32 @p2 v12, $0x1F  }
0x216: {  	v16 =	vmpcnt.ones.xlane @p3 vm5;
	v15 =	vand.u32 @p2 $0x7FFFFFFF, v15  }
0x217: {  	v17 =	vmpcnt.ones.xlane @p3 vm6;
	v12 =	vxor.u32 @p2 v12, v15;
	v9 =	vadd.s32 v3, v9;
	v13 =	vld.idx.msk @p0 [tilespmem:v13+s3+$0x0], $0xffff  }
0x218: {  	(v2sf) =	vpush @p3 v16, $0x0;
	vm5 =	vge.s32 @p2 v12, v8;
	v10 =	vpsel p1, v10, v14  }
0x219: {  	vm6 =	vgt.s32 @p2 v12, v8;
	vm7 =	vmmov @p2 vm5;
	v12 =	vshra.s32 @p1 v10, $0x1F  }
0x21a: {  	vm8 =	vmmov @p2 vm6;
	v14 =	vmpcnt.ones.xlane @p2 vm7;
	v12 =	vand.u32 @p1 $0x7FFFFFFF, v12  }
0x21b: {  	(v2sf) =	vpush @p3 v17, $0x0;
	v15 =	vmpcnt.ones.xlane @p2 vm8;
	v10 =	vxor.u32 @p1 v10, v12  }
0x21c: {  	(v2sf) =	vpush @p2 v14, $0x0;
	vm5 =	vge.s32 @p1 v10, v8;
	v9 =	vld.idx.msk [tilespmem:v9+s3+$0x0], $0xffff;
	v11 =	vpsel p0, v13, v11  }
0x21d: {  	vm6 =	vgt.s32 @p1 v10, v8;
	vm3 =	vmmov @p1 vm5;
	v10 =	vshra.s32 @p0 v11, $0x1F  }
0x21e: {  	s1 =	sld [smem:$0x7FB];
	vm4 =	vmmov @p1 vm6;
	v12 =	vmpcnt.ones.xlane @p1 vm3;
	v10 =	vand.u32 @p0 $0x7FFFFFFF, v10  }
0x21f: {  	(v2sf) =	vpush @p2 v15, $0x0;
	v13 =	vmpcnt.ones.xlane @p1 vm4;
	v10 =	vxor.u32 @p0 v11, v10  }
0x220: {  	(v2sf) =	vpush @p1 v12, $0x0;
	vm3 =	vge.s32 @p0 v10, v8  }
0x221: {  	p6 =	seq.s32 s1, $0x1;
	(v2sf) =	vpush @p1 v13, $0x0;
	v11 =	vshra.s32 v9, $0x1F;
	vm2 =	vmmov @p0 vm3  }
0x222: {  	s6 =	simm.s32 $0x0;
	s29 =	sld [smem:$0x7FA];
	s1 =	spop @p6 (v2sf);
	vm3 =	vgt.s32 @p0 v10, v8;
	v11 =	vand.u32 $0x7FFFFFFF, v11;
	v10 =	vmpcnt.ones.xlane @p0 vm2  }
0x223: {  	s4 =	sadd.s32 @p6 s26, s28;
	s1 =	sadd.s32 @p6 s16, s1;
	s5 =	spop @p5 (v2sf);
	vm1 =	vmmov @p0 vm3;
	v9 =	vxor.u32 v9, v11  }
0x224: {  	s6 =	smov.u32 @p6 s4;
	s4 =	simm.s32 $0x0;
	s5 =	smov.u32 @p5 s5;
	v11 =	vmpcnt.ones.xlane @p0 vm1;
	vm1 =	vge.s32 v9, v8;
	(v2sf) =	vpush @p0 v10, $0x0  }
0x225: {  	s4 =	smov.u32 @p6 s1;
	s1 =	sadd.s32 @p5 s6, s5;
	s5 =	spop @p5 (v2sf);
	v10 =	vmpcnt.ones.xlane vm1  }
0x226: {  	p4 =	seq.s32 s29, $0x1;
	s6 =	simm.s32 $0x0;
	s4 =	sadd.s32 @p5 s4, s5;
	(v2sf) =	vpush @p0 v11, $0x0  }
0x227: {  	s5 =	spop @p4 (v2sf);
	s6 =	smov.u32 @p5 s1;
	s1 =	simm.s32 $0x0;
	(v2sf) =	vpush v10, $0x0  }
0x228: {  	s5 =	smov.u32 @p4 s5;
	s1 =	smov.u32 @p5 s4;
	s4 =	spop @p4 (v2sf)  }
0x229: {  	s5 =	sadd.s32 @p4 s6, s5;
	s1 =	sadd.s32 @p4 s1, s4;
	s6 =	simm.s32 $0x0  }
0x22a: {  	s6 =	smov.u32 @p4 s5;
	s5 =	simm.s32 $0x0;
	s4 =	spop @p3 (v2sf);
	vm1 =	vgt.s32 v9, v8  }
0x22b: {  	s5 =	smov.u32 @p4 s1;
	s4 =	smov.u32 @p3 s4;
	s1 =	spop @p3 (v2sf);
	v9 =	vmpcnt.ones.xlane vm1  }
0x22c: {  	s4 =	sadd.s32 @p3 s6, s4;
	s1 =	sadd.s32 @p3 s5, s1;
	s5 =	simm.s32 $0x0  }
0x22d: {  	s5 =	smov.u32 @p3 s4;
	s4 =	simm.s32 $0x0;
	(v2sf) =	vpush v9, $0x0;
	s6 =	spop @p2 (v2sf)  }
0x22e: {  	s4 =	smov.u32 @p3 s1;
	s6 =	smov.u32 @p2 s6;
	s1 =	spop @p2 (v2sf)  }
0x22f: {  	s5 =	sadd.s32 @p2 s5, s6;
	s1 =	sadd.s32 @p2 s4, s1;
	s6 =	simm.s32 $0x0  }
0x230: {  	s6 =	smov.u32 @p2 s5;
	s5 =	simm.s32 $0x0;
	s4 =	spop @p1 (v2sf)  }
0x231: {  	s5 =	smov.u32 @p2 s1;
	s4 =	smov.u32 @p1 s4;
	s1 =	spop @p1 (v2sf)  }
0x232: {  	s4 =	sadd.s32 @p1 s6, s4;
	s1 =	sadd.s32 @p1 s5, s1;
	s5 =	simm.s32 $0x0  }
0x233: {  	s5 =	smov.u32 @p1 s4;
	s4 =	simm.s32 $0x0;
	s6 =	spop @p0 (v2sf)  }
0x234: {  	s4 =	smov.u32 @p1 s1;
	s6 =	smov.u32 @p0 s6  }
0x235: {  	s1 =	sadd.s32 @p0 s5, s6;
	s5 =	spop @p0 (v2sf);
	s6 =	simm.s32 $0x0  }
0x236: {  	s6 =	smov.u32 @p0 s1;
	s30 =	spop (v2sf)  }
0x237: {  	s4 =	sadd.s32 @p0 s4, s5;
	s5 =	simm.s32 $0x0;
	s1 =	sadd.s32 s6, s30  }
0x238: {  	s5 =	smov.u32 @p0 s4;
	p0 =	sne.s32 s1, $0x40  }
.Ltmp49:
0x239: {  	_ = 	snop;
	(pc) =	sbr.rel @p0 .LBB2_80-.Ltmp49, $3  }
0x23a: {  	_ =	sdelay $0x1  }
0x23b: {  	s31 =	spop (v2sf)  }
0x23c: {  	s4 =	sadd.s32 s5, s31  }
0x23d: {  	v9 =	vmov s24;
	_ =	sdelay $0x4  }
0x23e: {  	v9 =	vld.idx.msk [tilespmem:v9+s18+$0x0], $0xffff;
	_ =	sdelay $0x4  }
0x23f: {  	v9 =	vadd.s32 v3, v9;
	_ =	sdelay $0x4  }
0x240: {  	v10 =	vld.idx.msk [tilespmem:v9+s3+$0x0], $0xffff;
	_ =	sdelay $0x4  }
0x241: {  	v11 =	vshra.s32 v10, $0x1F  }
0x242: {  	p0 =	seq.s32 s23, $0x1;
	v11 =	vand.u32 $0x7FFFFFFF, v11  }
.Ltmp50:
0x243: {  	v11 =	vxor.u32 v10, v11;
	(pc) =	sbr.rel @p0 .LBB2_87-.Ltmp50, $3  }
0x244: {  	vm1 =	vge.s32 v11, v8  }
0x245: {  	v12 =	vmpcnt.ones.xlane vm1;
	_ =	sdelay $0x1  }
0x246: {  	s4 =	simm.s32 $0x1;
	s5 =	simm.s32 $0x0;
	(v2sf) =	vpush v12, $0x0  }
.LBB2_86:
0x247: {  	_ =	sdelay $0xd  }
0x248: {  	v12 =	vmov s4;
	s1 =	spop (v2sf)  }
0x249: {  	s4 =	sadd.s32 $0x1, s4;
	p1 =	slt.s32 s1, $0x1;
	s5 =	sadd.s32 s5, s1  }
0x24a: {  	p0 =	seq.s32 s23, s4;
	vm1 =	vge.s32 @!p1 v11, v8  }
0x24b: {  	[tilespmem:s24+$0x11980] =	vst.msk @!p1 vm1, v9  }
0x24c: {  	[tilespmem:s24+$0x11A00] =	vst.msk @!p1 vm1, v10;
	s24 =	smov.u32 s5  }
0x24d: {  	v9 =	vld.idx.msk [tilespmem:v12+s18+$0x0], $0xffff;
	_ =	sdelay $0x5  }
0x24e: {  	v9 =	vadd.s32 v3, v9;
	_ =	sdelay $0x4  }
0x24f: {  	v10 =	vld.idx.msk [tilespmem:v9+s3+$0x0], $0xffff;
	_ =	sdelay $0x5  }
0x250: {  	v11 =	vshra.s32 v10, $0x1F  }
0x251: {  	v11 =	vand.u32 $0x7FFFFFFF, v11  }
.Ltmp51:
0x252: {  	v11 =	vxor.u32 v10, v11;
	(pc) =	sbr.rel @!p0 .LBB2_86-.Ltmp51, $3  }
0x253: {  	vm1 =	vge.s32 v11, v8  }
0x254: {  	v12 =	vmpcnt.ones.xlane vm1;
	_ =	sdelay $0x1  }
0x255: {  	(v2sf) =	vpush v12, $0x0  }
.LBB2_87:
0x256: {  	_ =	sdelay $0xd  }
.Ltmp52:
0x257: {  	s1 =	spop (v2sf);
	(pc) =	sbr.rel .LBB2_108-.Ltmp52, $4  }
0x258: {  	p0 =	slt.s32 s1, $0x1  }
0x259: {  	vm1 =	vge.s32 @!p0 v11, v8  }
0x25a: {  	[tilespmem:s24+$0x11980] =	vst.msk @!p0 vm1, v9  }
0x25b: {  	[tilespmem:s24+$0x11A00] =	vst.msk @!p0 vm1, v10  }
.LBB2_29:
0x25c: {  	v9 =	vld [tilespmem:s16+$0x0];
	_ =	sdelay $0x4  }
0x25d: {  	vm1 =	vgt.s32 v9, v8  }
0x25e: {  	v10 =	vmpcnt.ones.xlane vm1;
	_ =	sdelay $0x1  }
0x25f: {  	(v2sf) =	vpush v10, $0x0;
	_ =	sdelay $0xe  }
0x260: {  	s1 =	spop (v2sf)  }
0x261: {  	p1 =	slt.s32 s1, $0x1  }
0x262: {  	v10 =	vmov @!p1 s23;
	_ =	sdelay $0x3  }
0x263: {  	s25 =	ssub.s32 $0x40, s4;
	s4 =	simm.s32 @!p1 $0x10880  }
0x264: {  	v10 =	vld.idx.msk @!p1 [tilespmem:v10+s4+$0x0], $0xffff;
	_ =	sdelay $0x1  }
0x265: {  	v11 =	vlaneseq.u32 @!p1  }
0x266: {  	v11 =	vmul.u32 @!p1 $0x800, v11  }
0x267: {  	s21 =	simm.s32 $0x400;
	s11 =	smov.u32 s2;
	v12 =	vshra.s32 @!p1 v9, $0x1F  }
0x268: {  	s5 =	simm.s32 $0x0;
	s10 =	smov.u32 s13;
	s12 =	smov.u32 s0;
	vm1 =	vgt.s32 @!p1 v9, v8;
	v12 =	vand.u32 @!p1 $0x7FFFFFFF, v12;
	v10 =	vadd.s32 @!p1 v11, v10  }
0x269: {  	s2 =	smov.u32 s15;
	s24 =	sadd.s32 $0x0, s1;
	v9 =	vxor.u32 @!p1 v9, v12;
	s4 =	simm.s32 $0x1;
	[tilespmem:s23+$0x11980] =	vst.msk @!p1 vm1, v10  }
.LBB2_30:
0x26a: {  	[tilespmem:s5+$0x11A00] =	vst.msk @!p1 vm1, v9;
	s16 =	sadd.s32 $0x10, s16;
	s1 =	smov.u32 s4;
	s4 =	sadd.s32 $0x1, s4  }
0x26b: {  	s5 =	smov.u32 s24;
	v10 =	vld [tilespmem:s16+$0x0];
	p0 =	seq.s32 s4, $0x80;
	_ =	sdelay $0x4  }
0x26c: {  	vm1 =	vgt.s32 v10, v8  }
0x26d: {  	v9 =	vmpcnt.ones.xlane vm1;
	_ =	sdelay $0x1  }
0x26e: {  	(v2sf) =	vpush v9, $0x0;
	_ =	sdelay $0xe  }
0x26f: {  	s6 =	spop (v2sf)  }
0x270: {  	p1 =	slt.s32 s6, $0x1;
	s24 =	sadd.s32 s24, s6  }
0x271: {  	v9 =	vshra.s32 @!p1 v10, $0x1F;
	v11 =	vmov @!p1 s1;
	v12 =	vlaneseq.u32 @!p1  }
0x272: {  	v9 =	vand.u32 @!p1 $0x7FFFFFFF, v9;
	v12 =	vmul.u32 @!p1 $0x800, v12  }
0x273: {  	v9 =	vxor.u32 @!p1 v10, v9;
	_ =	sdelay $0x1  }
0x274: {  	s1 =	simm.s32 @!p1 $0x10880  }
0x275: {  	v11 =	vld.idx.msk @!p1 [tilespmem:v11+s1+$0x0], $0xffff;
	_ =	sdelay $0x2  }
.Ltmp53:
0x276: {  	(pc) =	sbr.rel @!p0 .LBB2_30-.Ltmp53, $3  }
0x277: {  	_ =	sdelay $0x1  }
0x278: {  	vm1 =	vgt.s32 @!p1 v10, v8;
	v10 =	vadd.s32 @!p1 v12, v11  }
0x279: {  	[tilespmem:s5+$0x11980] =	vst.msk @!p1 vm1, v10  }
0x27a: {  	s16 =	simm.s32 $0x0;
	s0 =	rddreg [dreg:$0x6]  }
0x27b: {  	[tilespmem:s5+$0x11A00] =	vst.msk @!p1 vm1, v9;
	s13 =	smov.u32 s17;
	s15 =	rddreg [dreg:$0x7];
	s17 =	simm.s32 $0x80  }
.LBB2_32:
0x27c: {  	s26 =	simm.s32 $0x0  }
0x27d: {  	v9 =	vmov s26  }
0x27e: {  	s1 =	simm.s32 $0x1  }
0x27f: {  	s6 =	simm.s32 $0x2;
	v10 =	vmov s1  }
0x280: {  	s9 =	simm.s32 $0x11100;
	v11 =	vmov s6  }
0x281: {  	v13 =	vld [tilespmem:s9+$0x0]  }
0x282: {  	s29 =	simm.s32 $0x11110;
	v12 =	vld.idx.msk [tilespmem:v9+s18+$0x0], $0xffff  }
0x283: {  	v14 =	vld [tilespmem:s29+$0x0]  }
0x284: {  	s4 =	sshrl.u32 s20, s16;
	v10 =	vld.idx.msk [tilespmem:v10+s18+$0x0], $0xffff  }
0x285: {  	s28 =	sadd.s32 s4, s23;
	v11 =	vld.idx.msk [tilespmem:v11+s18+$0x0], $0xffff  }
0x286: {  	s30 =	simm.s32 $0x11120;
	s4 =	sadd.s32 $0xFFFFFFFF, s28  }
0x287: {  	v16 =	vld [tilespmem:s30+$0x0];
	v9 =	vmov s4;
	v12 =	vadd.s32 v3, v12  }
0x288: {  	vm1 =	veq.s32 v13, v8;
	vm2 =	vle.s32 v12, v9  }
0x289: {  	vm3 =	veq.s32 v14, v8;
	v10 =	vadd.s32 v3, v10;
	vm1 =	vmand vm1, vm2  }
0x28a: {  	vm2 =	vle.s32 v10, v9;
	v10 =	vadd.s32 v3, v11;
	v11 =	vmpcnt.ones.xlane vm1  }
0x28b: {  	vm2 =	vmand vm3, vm2  }
0x28c: {  	vm3 =	veq.s32 v16, v8;
	vm1 =	vle.s32 v10, v9;
	(v2sf) =	vpush v11, $0x0  }
0x28d: {  	vm1 =	vmand vm3, vm1;
	v10 =	vmpcnt.ones.xlane vm2  }
0x28e: {  	s5 =	simm.s32 $0x3;
	v14 =	vmpcnt.ones.xlane vm1  }
0x28f: {  	v15 =	vmov s5;
	(v2sf) =	vpush v10, $0x0  }
0x290: {  	(v2sf) =	vpush v14, $0x0;
	_ =	sdelay $0x2  }
0x291: {  	s31 =	simm.s32 $0x4  }
0x292: {  	v13 =	vmov s31;
	s4 =	simm.s32 $0x11130;
	v12 =	vld.idx.msk [tilespmem:v15+s18+$0x0], $0xffff  }
0x293: {  	v11 =	vld [tilespmem:s4+$0x0];
	_ =	sdelay $0x3  }
0x294: {  	s5 =	simm.s32 $0x5;
	v10 =	vld.idx.msk [tilespmem:v13+s18+$0x0], $0xffff;
	v12 =	vadd.s32 v3, v12  }
.LBB2_33:
0x295: {  	v13 =	vmov s5;
	p0 =	sne.s32 s5, $0x7F;
	s5 =	sadd.s32 $0x1, s5;
	vm1 =	veq.s32 v11, v8;
	vm2 =	vle.s32 v12, v9;
	s4 =	sadd.s32 $0x10, s4  }
.Ltmp54:
0x296: {  	v11 =	vld [tilespmem:s4+$0x0];
	vm1 =	vmand vm1, vm2;
	s1 =	spop (v2sf);
	(pc) =	sbr.rel @p0 .LBB2_33-.Ltmp54, $3  }
0x297: {  	v12 =	vmpcnt.ones.xlane vm1;
	s26 =	sadd.s32 s26, s1;
	_ =	sdelay $0x1  }
0x298: {  	(v2sf) =	vpush v12, $0x0  }
0x299: {  	v12 =	vadd.s32 v3, v10;
	v10 =	vld.idx.msk [tilespmem:v13+s18+$0x0], $0xffff  }
0x29a: {  	s1 =	sadd.s32 $0x10, s4  }
0x29b: {  	v13 =	vld [tilespmem:s1+$0x0];
	_ =	sdelay $0x3  }
0x29c: {  	vm1 =	veq.s32 v11, v8;
	vm2 =	vle.s32 v12, v9;
	v10 =	vadd.s32 v3, v10  }
0x29d: {  	vm1 =	vmand vm1, vm2;
	vm3 =	vle.s32 v10, v9;
	vm2 =	veq.s32 v13, v8  }
0x29e: {  	v9 =	vmpcnt.ones.xlane vm1;
	vm1 =	vmand vm2, vm3  }
0x29f: {  	v10 =	vmpcnt.ones.xlane vm1  }
0x2a0: {  	(v2sf) =	vpush v9, $0x0  }
0x2a1: {  	(v2sf) =	vpush v10, $0x0;
	_ =	sdelay $0xa  }
0x2a2: {  	s9 =	spop (v2sf)  }
0x2a3: {  	s16 =	sadd.s32 $0x1, s16;
	s1 =	sadd.s32 s26, s9;
	s26 =	spop (v2sf)  }
0x2a4: {  	p1 =	seq.s32 s16, $0xF;
	s1 =	sadd.s32 s1, s26;
	s29 =	spop (v2sf)  }
.Ltmp55:
0x2a5: {  	s1 =	sadd.s32 s1, s29;
	s30 =	spop (v2sf);
	(pc) =	sbr.rel @!p1 .LBB2_32-.Ltmp55, $4  }
0x2a6: {  	s1 =	sadd.s32 s1, s30;
	s31 =	spop (v2sf)  }
0x2a7: {  	s1 =	sadd.s32 s1, s31  }
0x2a8: {  	p0 =	slt.s32 s1, s25  }
0x2a9: {  	s23 =	smov.u32 @p0 s28  }
0x2aa: {  	s5 =	simm.s32 $0x0  }
0x2ab: {  	v10 =	vmov s5;
	_ =	sdelay $0x4  }
0x2ac: {  	s4 =	simm.s32 $0x11100;
	v11 =	vld.idx.msk [tilespmem:v10+s18+$0x0], $0xffff  }
0x2ad: {  	v10 =	vld [tilespmem:s4+$0x0];
	_ =	sdelay $0x3  }
0x2ae: {  	v9 =	vmov s23;
	v11 =	vadd.s32 v3, v11  }
0x2af: {  	vm1 =	veq.s32 v10, v8;
	vm2 =	vle.s32 v11, v9  }
0x2b0: {  	vm1 =	vmand vm1, vm2  }
0x2b1: {  	v12 =	vmpcnt.ones.xlane vm1;
	_ =	sdelay $0x1  }
0x2b2: {  	(v2sf) =	vpush v12, $0x0;
	_ =	sdelay $0xe  }
0x2b3: {  	s16 =	simm.s32 $0x1;
	s5 =	smov.u32 s24;
	s6 =	spop (v2sf)  }
.LBB2_36:
0x2b4: {  	v12 =	vmov s16;
	s16 =	sadd.s32 $0x1, s16;
	p1 =	slt.s32 s6, $0x1;
	s24 =	sadd.s32 s24, s6  }
0x2b5: {  	p0 =	seq.s32 s16, $0x80;
	v13 =	vshra.s32 @!p1 v10, $0x1F  }
0x2b6: {  	v13 =	vand.u32 @!p1 $0x7FFFFFFF, v13  }
0x2b7: {  	v10 =	vxor.u32 @!p1 v10, v13;
	[tilespmem:s5+$0x11980] =	vst.msk @!p1 vm1, v11  }
0x2b8: {  	[tilespmem:s5+$0x11A00] =	vst.msk @!p1 vm1, v10;
	s5 =	smov.u32 s24  }
0x2b9: {  	v11 =	vld.idx.msk [tilespmem:v12+s18+$0x0], $0xffff  }
0x2ba: {  	s4 =	sadd.s32 $0x10, s4  }
0x2bb: {  	v10 =	vld [tilespmem:s4+$0x0];
	_ =	sdelay $0x3  }
0x2bc: {  	v11 =	vadd.s32 v3, v11  }
0x2bd: {  	vm2 =	vle.s32 v11, v9;
	vm1 =	veq.s32 v10, v8  }
0x2be: {  	vm1 =	vmand vm1, vm2  }
0x2bf: {  	v12 =	vmpcnt.ones.xlane vm1;
	_ =	sdelay $0x1  }
0x2c0: {  	(v2sf) =	vpush v12, $0x0;
	_ =	sdelay $0xa  }
.Ltmp56:
0x2c1: {  	(pc) =	sbr.rel @!p0 .LBB2_36-.Ltmp56, $2  }
0x2c2: {  	_ =	sdelay $0x2  }
0x2c3: {  	s6 =	spop (v2sf)  }
.Ltmp57:
0x2c4: {  	p0 =	slt.s32 s6, $0x1;
	(pc) =	sbr.rel .LBB2_108-.Ltmp57, $4  }
0x2c5: {  	v8 =	vshra.s32 @!p0 v10, $0x1F  }
0x2c6: {  	v8 =	vand.u32 @!p0 $0x7FFFFFFF, v8  }
0x2c7: {  	[tilespmem:s5+$0x11980] =	vst.msk @!p0 vm1, v11;
	v8 =	vxor.u32 @!p0 v10, v8  }
0x2c8: {  	[tilespmem:s5+$0x11A00] =	vst.msk @!p0 vm1, v8  }
.LBB2_80:
0x2c9: {  	v9 =	vmov s24;
	_ =	sdelay $0x4  }
0x2ca: {  	v9 =	vld.idx.msk [tilespmem:v9+s18+$0x0], $0xffff;
	_ =	sdelay $0x4  }
0x2cb: {  	v9 =	vadd.s32 v3, v9;
	_ =	sdelay $0x4  }
0x2cc: {  	v10 =	vld.idx.msk [tilespmem:v9+s3+$0x0], $0xffff;
	_ =	sdelay $0x4  }
0x2cd: {  	v11 =	vshra.s32 v10, $0x1F  }
0x2ce: {  	p0 =	seq.s32 s23, $0x1;
	v11 =	vand.u32 $0x7FFFFFFF, v11  }
.Ltmp58:
0x2cf: {  	v11 =	vxor.u32 v10, v11;
	(pc) =	sbr.rel @p0 .LBB2_82-.Ltmp58, $3  }
0x2d0: {  	vm1 =	vgt.s32 v11, v8  }
0x2d1: {  	v12 =	vmpcnt.ones.xlane vm1;
	_ =	sdelay $0x1  }
0x2d2: {  	s26 =	ssub.s32 $0x40, s4;
	s4 =	simm.s32 $0x0;
	s5 =	simm.s32 $0x0;
	(v2sf) =	vpush v12, $0x0  }
.LBB2_81:
0x2d3: {  	_ =	sdelay $0xd  }
0x2d4: {  	v12 =	vmov s25;
	s1 =	spop (v2sf)  }
0x2d5: {  	s25 =	sadd.s32 $0x1, s25;
	p1 =	slt.s32 s1, $0x1;
	s4 =	sadd.s32 s4, s1  }
0x2d6: {  	p0 =	seq.s32 s23, s25;
	vm1 =	vgt.s32 @!p1 v11, v8  }
0x2d7: {  	[tilespmem:s5+$0x11980] =	vst.msk @!p1 vm1, v9  }
0x2d8: {  	[tilespmem:s5+$0x11A00] =	vst.msk @!p1 vm1, v10;
	s5 =	smov.u32 s4  }
0x2d9: {  	v9 =	vld.idx.msk [tilespmem:v12+s18+$0x0], $0xffff;
	_ =	sdelay $0x5  }
0x2da: {  	v9 =	vadd.s32 v3, v9;
	_ =	sdelay $0x4  }
0x2db: {  	v10 =	vld.idx.msk [tilespmem:v9+s3+$0x0], $0xffff;
	_ =	sdelay $0x5  }
0x2dc: {  	v11 =	vshra.s32 v10, $0x1F  }
0x2dd: {  	v11 =	vand.u32 $0x7FFFFFFF, v11  }
.Ltmp59:
0x2de: {  	v11 =	vxor.u32 v10, v11;
	(pc) =	sbr.rel @!p0 .LBB2_81-.Ltmp59, $3  }
0x2df: {  	vm1 =	vgt.s32 v11, v8  }
0x2e0: {  	v12 =	vmpcnt.ones.xlane vm1;
	_ =	sdelay $0x1  }
0x2e1: {  	(v2sf) =	vpush v12, $0x0  }
.LBB2_82:
0x2e2: {  	_ =	sdelay $0xd  }
0x2e3: {  	s1 =	spop (v2sf)  }
0x2e4: {  	p0 =	slt.s32 s1, $0x1  }
0x2e5: {  	vm1 =	vgt.s32 @!p0 v11, v8  }
0x2e6: {  	[tilespmem:s5+$0x11980] =	vst.msk @!p0 vm1, v9  }
0x2e7: {  	s28 =	simm.s32 $0x0;
	s25 =	sadd.s32 s4, s1;
	[tilespmem:s5+$0x11A00] =	vst.msk @!p0 vm1, v10  }
.LBB2_83:
0x2e8: {  	s1 =	sshrl.u32 s20, s28  }
0x2e9: {  	s29 =	sadd.s32 s1, s24  }
0x2ea: {  	p6 =	sne.s32 s23, $0x1;
	p4 =	por $0x0, $0x0;
	s1 =	sadd.s32 $0xFFFFFFFF, s29  }
.Ltmp60:
0x2eb: {  	s30 =	simm.s32 $0x0;
	v9 =	vmov s1;
	s1 =	simm.s32 @!p4 $0x0;
	(pc) =	sbr.rel @!p6 .LBB2_84-.Ltmp60, $4  }
0x2ec: {  	s4 =	simm.s32 $0x1;
	s1 =	simm.s32 @p4 $0x1;
	p4 =	por $0x0, $0x0  }
0x2ed: {  	p0 =	por $0x0, $0x0;
	[smem:$0x7F8] =	sst s1;
	s1 =	simm.s32 @!p4 $0x0  }
0x2ee: {  	p1 =	por $0x0, $0x0;
	p2 =	por $0x0, $0x0;
	s1 =	simm.s32 @p4 $0x1  }
0x2ef: {  	p3 =	por $0x0, $0x0;
	p5 =	por $0x0, $0x0;
	v10 =	vmov s30;
	[smem:$0x7F9] =	sst s1  }
0x2f0: {  	p6 =	sne.s32 s23, $0x2  }
.Ltmp61:
0x2f1: {  	_ = 	snop;
	(pc) =	sbr.rel @!p6 .LBB2_89-.Ltmp61, $2  }
0x2f2: {  	_ =	sdelay $0x2  }
0x2f3: {  	v11 =	vld.idx.msk [tilespmem:v10+s18+$0x0], $0xffff;
	s5 =	simm.s32 $0x2;
	v10 =	vmov s4;
	p0 =	por $0x1, $0x1  }
0x2f4: {  	p6 =	sne.s32 s23, $0x3  }
.Ltmp62:
0x2f5: {  	_ = 	snop;
	(pc) =	sbr.rel @!p6 .LBB2_91-.Ltmp62, $2  }
0x2f6: {  	_ =	sdelay $0x2  }
0x2f7: {  	v17 =	vld.idx.msk [tilespmem:v10+s18+$0x0], $0xffff;
	s4 =	simm.s32 $0x3;
	v10 =	vmov s5;
	p1 =	por $0x1, $0x1;
	v12 =	vadd.s32 v3, v11  }
0x2f8: {  	p6 =	sne.s32 s23, $0x4  }
.Ltmp63:
0x2f9: {  	_ = 	snop;
	(pc) =	sbr.rel @!p6 .LBB2_93-.Ltmp63, $3  }
0x2fa: {  	_ =	sdelay $0x1  }
0x2fb: {  	v11 =	vld.idx.msk [tilespmem:v10+s18+$0x0], $0xffff  }
0x2fc: {  	s5 =	simm.s32 $0x4;
	v14 =	vld.idx.msk [tilespmem:v12+s3+$0x0], $0xffff;
	v10 =	vmov s4;
	p2 =	por $0x1, $0x1;
	v13 =	vadd.s32 v3, v17  }
0x2fd: {  	_ =	sdelay $0x2  }
0x2fe: {  	p6 =	sne.s32 s23, $0x5  }
.Ltmp64:
0x2ff: {  	v15 =	vshra.s32 v14, $0x1F;
	(pc) =	sbr.rel @!p6 .LBB2_95-.Ltmp64, $4  }
0x300: {  	v15 =	vand.u32 $0x7FFFFFFF, v15  }
0x301: {  	v14 =	vxor.u32 v14, v15  }
0x302: {  	v17 =	vld.idx.msk [tilespmem:v10+s18+$0x0], $0xffff;
	vm2 =	vle.s32 v12, v9;
	vm1 =	veq.s32 v14, v8  }
0x303: {  	s4 =	simm.s32 $0x5;
	v10 =	vmov s5;
	p3 =	por $0x1, $0x1;
	v11 =	vadd.s32 v3, v11;
	v14 =	vld.idx.msk [tilespmem:v13+s3+$0x0], $0xffff;
	vm1 =	vmand vm2, vm1  }
0x304: {  	_ =	sdelay $0x2  }
0x305: {  	p6 =	sne.s32 s23, $0x6  }
.Ltmp65:
0x306: {  	v12 =	vshra.s32 v14, $0x1F;
	(pc) =	sbr.rel @!p6 .LBB2_97-.Ltmp65, $4  }
0x307: {  	v12 =	vand.u32 $0x7FFFFFFF, v12  }
0x308: {  	v15 =	vmpcnt.ones.xlane vm1;
	v12 =	vxor.u32 v14, v12  }
0x309: {  	v18 =	vld.idx.msk [tilespmem:v10+s18+$0x0], $0xffff;
	vm3 =	vle.s32 v13, v9;
	v10 =	vmov s4;
	vm2 =	veq.s32 v12, v8  }
0x30a: {  	s5 =	simm.s32 $0x6;
	v13 =	vld.idx.msk [tilespmem:v11+s3+$0x0], $0xffff;
	p4 =	por $0x1, $0x1;
	(v2sf) =	vpush v15, $0x0;
	v16 =	vadd.s32 v3, v17;
	vm2 =	vmand vm3, vm2  }
0x30b: {  	v14 =	vmpcnt.ones.xlane vm2;
	_ =	sdelay $0x1  }
0x30c: {  	(v2sf) =	vpush v14, $0x0;
	_ =	sdelay $0x2  }
0x30d: {  	p6 =	sne.s32 s23, $0x7  }
.Ltmp66:
0x30e: {  	v12 =	vshra.s32 v13, $0x1F;
	(pc) =	sbr.rel @!p6 .LBB2_99-.Ltmp66, $4  }
0x30f: {  	v12 =	vand.u32 $0x7FFFFFFF, v12  }
0x310: {  	s1 =	simm.s32 @!p4 $0x0;
	v12 =	vxor.u32 v13, v12  }
0x311: {  	v17 =	vld.idx.msk [tilespmem:v10+s18+$0x0], $0xffff;
	vm4 =	vle.s32 v11, v9;
	s1 =	simm.s32 @p4 $0x1;
	vm3 =	veq.s32 v12, v8  }
0x312: {  	s6 =	simm.s32 $0x7;
	v19 =	vld.idx.msk [tilespmem:v16+s3+$0x0], $0xffff;
	v10 =	vmov s5;
	p5 =	por $0x1, $0x1;
	[smem:$0x7F8] =	sst s1;
	v18 =	vadd.s32 v3, v18;
	vm3 =	vmand vm4, vm3  }
0x313: {  	v20 =	vmpcnt.ones.xlane vm3;
	_ =	sdelay $0x1  }
0x314: {  	(v2sf) =	vpush v20, $0x0;
	_ =	sdelay $0x2  }
0x315: {  	p6 =	sne.s32 s23, $0x8;
	v12 =	vshra.s32 v19, $0x1F  }
.Ltmp67:
0x316: {  	v12 =	vand.u32 $0x7FFFFFFF, v12;
	(pc) =	sbr.rel @!p6 .LBB2_101-.Ltmp67, $4  }
0x317: {  	p4 =	por $0x1, $0x1;
	v12 =	vxor.u32 v19, v12  }
0x318: {  	v14 =	vld.idx.msk [tilespmem:v18+s3+$0x0], $0xffff;
	s1 =	simm.s32 @!p4 $0x0;
	v15 =	vadd.s32 v3, v17  }
0x319: {  	s4 =	simm.s32 $0x8;
	v21 =	vld.idx.msk [tilespmem:v10+s18+$0x0], $0xffff;
	vm5 =	vle.s32 v16, v9;
	v10 =	vmov s6;
	s1 =	simm.s32 @p4 $0x1;
	vm4 =	veq.s32 v12, v8  }
0x31a: {  	s31 =	simm.s32 $0x0;
	s16 =	spop (v2sf);
	[smem:$0x7F9] =	sst s1;
	v20 =	vmov v18;
	vm4 =	vmand vm5, vm4;
	v12 =	vmov v15  }
.LBB2_102:
0x31b: {  	s1 =	smov.u32 s4;
	s4 =	sadd.s32 $0x1, s4  }
0x31c: {  	v17 =	vmpcnt.ones.xlane vm4;
	s31 =	sadd.s32 s31, s16;
	p6 =	sne.s32 s23, s4  }
.Ltmp68:
0x31d: {  	v22 =	vshra.s32 v14, $0x1F;
	v23 =	vmov v14;
	v14 =	vld.idx.msk [tilespmem:v15+s3+$0x0], $0xffff;
	(pc) =	sbr.rel @p6 .LBB2_102-.Ltmp68, $4  }
0x31e: {  	v15 =	vadd.s32 v3, v21;
	v22 =	vand.u32 $0x7FFFFFFF, v22;
	v21 =	vld.idx.msk [tilespmem:v10+s18+$0x0], $0xffff;
	(v2sf) =	vpush v17, $0x0  }
0x31f: {  	v10 =	vmov s1;
	v17 =	vxor.u32 v23, v22  }
0x320: {  	vm5 =	vle.s32 v20, v9;
	v20 =	vmovc v12;
	v12 =	vmov v15;
	vm4 =	veq.s32 v17, v8  }
0x321: {  	vm4 =	vmand vm5, vm4;
	s16 =	spop (v2sf)  }
0x322: {  	_ = 	snop  }
0x323: {  	v17 =	vmov v21  }
.LBB2_104:
0x324: {  	_ =	sdelay $0x2  }
0x325: {  	v17 =	vadd.s32 @p0 v3, v17  }
0x326: {  	v10 =	vld.idx.msk [tilespmem:v10+s18+$0x0], $0xffff;
	v21 =	vpsel p0, v17, v18;
	_ =	sdelay $0x2  }
0x327: {  	v15 =	vld.idx.msk @p1 [tilespmem:v15+s3+$0x0], $0xffff;
	v22 =	vshra.s32 @p2 v14, $0x1F  }
0x328: {  	v22 =	vand.u32 @p2 $0x7FFFFFFF, v22  }
0x329: {  	v14 =	vxor.u32 @p2 v14, v22;
	v10 =	vadd.s32 v3, v10;
	v21 =	vld.idx.msk @p0 [tilespmem:v21+s3+$0x0], $0xffff  }
0x32a: {  	vm5 =	vle.s32 @p2 v20, v9;
	v22 =	vmpcnt.ones.xlane @p3 vm4;
	vm4 =	veq.s32 @p2 v14, v8  }
0x32b: {  	vm4 =	vmand @p2 vm5, vm4  }
0x32c: {  	v12 =	vpsel p1, v12, v16;
	vm3 =	vmmov @p2 vm4;
	v14 =	vpsel p1, v15, v19  }
0x32d: {  	(v2sf) =	vpush @p3 v22, $0x0;
	v15 =	vmovc @p0 v17;
	v16 =	vmpcnt.ones.xlane @p2 vm3;
	v17 =	vshra.s32 @p1 v14, $0x1F  }
0x32e: {  	v15 =	vpsel p0, v15, v18;
	v17 =	vand.u32 @p1 $0x7FFFFFFF, v17;
	v62 =	vld.idx.msk [tilespmem:v10+s3+$0x0], $0xffff;
	v13 =	vpsel p0, v21, v13  }
0x32f: {  	(v2sf) =	vpush @p2 v16, $0x0;
	v14 =	vxor.u32 @p1 v14, v17;
	v16 =	vshra.s32 @p0 v13, $0x1F  }
0x330: {  	vm4 =	vle.s32 @p1 v12, v9;
	v12 =	vmovc @p0 v15;
	vm3 =	veq.s32 @p1 v14, v8;
	v14 =	vand.u32 @p0 $0x7FFFFFFF, v16  }
0x331: {  	v11 =	vpsel p0, v12, v11;
	vm3 =	vmand @p1 vm4, vm3;
	v12 =	vxor.u32 @p0 v13, v14  }
0x332: {  	vm4 =	vle.s32 @p0 v11, v9;
	vm2 =	vmmov @p1 vm3;
	vm3 =	veq.s32 @p0 v12, v8  }
0x333: {  	v11 =	vmpcnt.ones.xlane @p1 vm2;
	v63 =	vshra.s32 v62, $0x1F;
	vm2 =	vmand @p0 vm4, vm3  }
0x334: {  	v12 =	vand.u32 $0x7FFFFFFF, v63;
	vm1 =	vmmov @p0 vm2  }
0x335: {  	(v2sf) =	vpush @p1 v11, $0x0;
	v12 =	vxor.u32 v62, v12;
	v11 =	vmpcnt.ones.xlane @p0 vm1  }
0x336: {  	s4 =	sld [smem:$0x7F9];
	vm2 =	vle.s32 v10, v9;
	vm1 =	veq.s32 v12, v8  }
0x337: {  	vm1 =	vmand vm2, vm1;
	(v2sf) =	vpush @p0 v11, $0x0  }
0x338: {  	v9 =	vmpcnt.ones.xlane vm1  }
0x339: {  	p4 =	seq.s32 s4, $0x1  }
0x33a: {  	s4 =	sadd.s32 @p4 s31, s16;
	s16 =	sld [smem:$0x7F8];
	(v2sf) =	vpush v9, $0x0;
	_ =	sdelay $0x1  }
0x33b: {  	s1 =	spop @p5 (v2sf);
	s5 =	simm.s32 $0x0  }
0x33c: {  	s1 =	smov.u32 @p5 s1;
	s5 =	smov.u32 @p4 s4;
	p4 =	seq.s32 s16, $0x1  }
0x33d: {  	s1 =	sadd.s32 @p5 s5, s1;
	s5 =	simm.s32 $0x0;
	s4 =	spop @p4 (v2sf)  }
0x33e: {  	s5 =	smov.u32 @p5 s1;
	s4 =	smov.u32 @p4 s4  }
0x33f: {  	s4 =	sadd.s32 @p4 s5, s4;
	s5 =	simm.s32 $0x0;
	s1 =	spop @p3 (v2sf)  }
0x340: {  	s5 =	smov.u32 @p4 s4;
	s1 =	smov.u32 @p3 s1  }
0x341: {  	s1 =	sadd.s32 @p3 s5, s1;
	s5 =	simm.s32 $0x0;
	s4 =	spop @p2 (v2sf)  }
0x342: {  	s5 =	smov.u32 @p3 s1;
	s4 =	smov.u32 @p2 s4  }
0x343: {  	s1 =	sadd.s32 @p2 s5, s4;
	s5 =	simm.s32 $0x0;
	s4 =	spop @p1 (v2sf)  }
0x344: {  	s28 =	sadd.s32 $0x1, s28;
	s5 =	smov.u32 @p2 s1;
	s4 =	smov.u32 @p1 s4  }
0x345: {  	s1 =	sadd.s32 @p1 s5, s4;
	s5 =	simm.s32 $0x0;
	s4 =	spop @p0 (v2sf)  }
0x346: {  	s5 =	smov.u32 @p1 s1;
	p1 =	seq.s32 s28, $0xF;
	s4 =	smov.u32 @p0 s4  }
.Ltmp69:
0x347: {  	s1 =	sadd.s32 @p0 s5, s4;
	(pc) =	sbr.rel @!p1 .LBB2_83-.Ltmp69, $4  }
.Ltmp70:
0x348: {  	s31 =	spop (v2sf);
	s30 =	smov.u32 @p0 s1;
	(pc) =	sbr.rel @p1 .LBB2_105-.Ltmp70, $4  }
0x349: {  	s1 =	sadd.s32 s30, s31  }
0x34a: {  	p0 =	slt.s32 s1, s26  }
0x34b: {  	s24 =	smov.u32 @p0 s29  }
0x34c: {  	_ = 	snop  }
.LBB2_84:
.Ltmp71:
0x34d: {  	(pc) =	sbr.rel .LBB2_104-.Ltmp71, $2  }
0x34e: {  	_ =	sdelay $0x2  }
0x34f: {  	s31 =	simm.s32 $0x0  }
.LBB2_89:
.Ltmp72:
0x350: {  	_ = 	snop;
	(pc) =	sbr.rel .LBB2_104-.Ltmp72, $2  }
0x351: {  	_ =	sdelay $0x2  }
0x352: {  	s31 =	simm.s32 $0x0;
	v17 =	vmov v11  }
.LBB2_91:
.Ltmp73:
0x353: {  	(pc) =	sbr.rel .LBB2_104-.Ltmp73, $2  }
0x354: {  	_ =	sdelay $0x2  }
0x355: {  	s31 =	simm.s32 $0x0;
	v15 =	vmov v12  }
.LBB2_93:
.Ltmp74:
0x356: {  	(pc) =	sbr.rel .LBB2_104-.Ltmp74, $2  }
0x357: {  	_ =	sdelay $0x2  }
0x358: {  	v20 =	vmovc v12;
	s31 =	simm.s32 $0x0;
	v15 =	vmov v13;
	v12 =	vmov v13;
	v17 =	vmov v11  }
.LBB2_95:
.Ltmp75:
0x359: {  	(pc) =	sbr.rel .LBB2_104-.Ltmp75, $2  }
0x35a: {  	_ =	sdelay $0x2  }
0x35b: {  	v15 =	vmovc v11;
	v12 =	vmov v11;
	vm4 =	vmmov vm1;
	s31 =	simm.s32 $0x0;
	v20 =	vmov v13  }
.LBB2_97:
.Ltmp76:
0x35c: {  	_ = 	snop;
	(pc) =	sbr.rel .LBB2_104-.Ltmp76, $4  }
0x35d: {  	_ = 	snop  }
0x35e: {  	s1 =	simm.s32 @!p4 $0x0  }
0x35f: {  	v15 =	vmov v16;
	s1 =	simm.s32 @p4 $0x1  }
0x360: {  	v12 =	vmovc v16;
	vm4 =	vmmov vm2;
	s31 =	simm.s32 $0x0;
	v20 =	vmovc v11;
	[smem:$0x7F8] =	sst s1;
	v17 =	vmov v18;
	v14 =	vmov v13  }
.LBB2_99:
.Ltmp77:
0x361: {  	_ = 	snop;
	(pc) =	sbr.rel .LBB2_104-.Ltmp77, $2  }
0x362: {  	_ =	sdelay $0x2  }
0x363: {  	vm4 =	vmmov vm3;
	s31 =	simm.s32 $0x0;
	v15 =	vmovc v18;
	v20 =	vmovc v16;
	v12 =	vmov v18;
	v14 =	vmov v19  }
.LBB2_101:
.Ltmp78:
0x364: {  	(pc) =	sbr.rel .LBB2_104-.Ltmp78, $2  }
0x365: {  	_ =	sdelay $0x2  }
0x366: {  	s31 =	simm.s32 $0x0;
	v20 =	vmov v18;
	v12 =	vmov v15;
	v17 =	vmov v21  }
.LBB2_105:
0x367: {  	s4 =	simm.s32 $0x0  }
0x368: {  	v10 =	vmov s4;
	_ =	sdelay $0x4  }
0x369: {  	v10 =	vld.idx.msk [tilespmem:v10+s18+$0x0], $0xffff;
	_ =	sdelay $0x4  }
0x36a: {  	v10 =	vadd.s32 v3, v10;
	_ =	sdelay $0x4  }
0x36b: {  	v11 =	vld.idx.msk [tilespmem:v10+s3+$0x0], $0xffff;
	_ =	sdelay $0x4  }
0x36c: {  	v12 =	vshra.s32 v11, $0x1F  }
0x36d: {  	v12 =	vand.u32 $0x7FFFFFFF, v12  }
0x36e: {  	v9 =	vmov s24;
	p0 =	sne.s32 s23, $0x1;
	v12 =	vxor.u32 v11, v12  }
.Ltmp79:
0x36f: {  	vm2 =	vle.s32 v10, v9;
	vm1 =	veq.s32 v12, v8;
	(pc) =	sbr.rel @!p0 .LBB2_107-.Ltmp79, $3  }
0x370: {  	vm1 =	vmand vm2, vm1  }
0x371: {  	v63 =	vmpcnt.ones.xlane vm1;
	_ =	sdelay $0x1  }
0x372: {  	s5 =	smov.u32 s25;
	s4 =	simm.s32 $0x1;
	(v2sf) =	vpush v63, $0x0  }
.LBB2_106:
0x373: {  	_ =	sdelay $0xc  }
0x374: {  	v12 =	vmov s4  }
0x375: {  	s4 =	sadd.s32 $0x1, s4;
	s1 =	spop (v2sf)  }
0x376: {  	p0 =	sne.s32 s23, s4;
	p1 =	slt.s32 s1, $0x1;
	s5 =	sadd.s32 s5, s1  }
0x377: {  	[tilespmem:s25+$0x11980] =	vst.msk @!p1 vm1, v10  }
0x378: {  	[tilespmem:s25+$0x11A00] =	vst.msk @!p1 vm1, v11;
	s25 =	smov.u32 s5  }
0x379: {  	v10 =	vld.idx.msk [tilespmem:v12+s18+$0x0], $0xffff;
	_ =	sdelay $0x5  }
0x37a: {  	v10 =	vadd.s32 v3, v10;
	_ =	sdelay $0x4  }
0x37b: {  	v11 =	vld.idx.msk [tilespmem:v10+s3+$0x0], $0xffff;
	_ =	sdelay $0x5  }
0x37c: {  	v12 =	vshra.s32 v11, $0x1F  }
0x37d: {  	v12 =	vand.u32 $0x7FFFFFFF, v12  }
0x37e: {  	v12 =	vxor.u32 v11, v12  }
.Ltmp80:
0x37f: {  	vm2 =	vle.s32 v10, v9;
	vm1 =	veq.s32 v12, v8;
	(pc) =	sbr.rel @p0 .LBB2_106-.Ltmp80, $3  }
0x380: {  	vm1 =	vmand vm2, vm1  }
0x381: {  	v12 =	vmpcnt.ones.xlane vm1;
	_ =	sdelay $0x1  }
0x382: {  	(v2sf) =	vpush v12, $0x0  }
.LBB2_107:
0x383: {  	_ =	sdelay $0xd  }
0x384: {  	s1 =	spop (v2sf)  }
0x385: {  	p0 =	slt.s32 s1, $0x1  }
0x386: {  	[tilespmem:s25+$0x11980] =	vst.msk @!p0 vm1, v10  }
0x387: {  	[tilespmem:s25+$0x11A00] =	vst.msk @!p0 vm1, v11  }
.LBB2_108:
0x388: {  	v8 =	vld [tilespmem:$0x11980];
	_ =	sdelay $0x4  }
0x389: {  	v9 =	vshrl.u32 v8, $0x3  }
0x38a: {  	v9 =	vmul.u32 $0x30, v9  }
0x38b: {  	v8 =	vand.u32 $0x7, v8  }
0x38c: {  	v8 =	vor.u32 v8, v9  }
0x38d: {  	v9 =	vperm.xlane v8, v5;
	_ =	sdelay $0x1  }
0x38e: {  	v9 =	vadd.s32 v6, v9;
	_ =	sdelay $0x3  }
0x38f: {  	s1 =	simm.s32 $0x11A80;
	v8 =	vperm.xlane v8, v7  }
0x390: {  	[tilespmem:s1], [sflag:$0x1] =	stream.indirect_vreg.gather [hbm4b:s2+s3], $0x80, v9, vm0, $0xb8;
	[tilespmem:$0x1DD80] =	vst v63  }
0x391: {  	s6 =	simm.s32 $0x12280;
	v8 =	vadd.s32 v6, v8  }
0x392: {  	[tilespmem:s6], [sflag:$0x1] =	stream.indirect_vreg.gather [hbm4b:s7+s3], $0x80, v9, vm0, $0xb8;
	[tilespmem:$0x1DD80] =	vst v63  }
0x393: {  	s9 =	simm.s32 $0x12A80  }
0x394: {  	[tilespmem:s9], [sflag:$0x1] =	stream.indirect_vreg.gather [hbm4b:s8+s3], $0x80, v9, vm0, $0xb8;
	[tilespmem:$0x1DD80] =	vst v63  }
0x395: {  	s16 =	simm.s32 $0x13280  }
0x396: {  	[tilespmem:s16], [sflag:$0x1] =	stream.indirect_vreg.gather [hbm4b:s2+s3], $0x80, v8, vm0, $0xb8;
	[tilespmem:$0x1DD80] =	vst v63  }
0x397: {  	s23 =	simm.s32 $0x13A80  }
0x398: {  	[tilespmem:s23], [sflag:$0x1] =	stream.indirect_vreg.gather [hbm4b:s7+s3], $0x80, v8, vm0, $0xb8;
	[tilespmem:$0x1DD80] =	vst v63  }
0x399: {  	s24 =	simm.s32 $0x14280  }
0x39a: {  	[tilespmem:s24], [sflag:$0x1] =	stream.indirect_vreg.gather [hbm4b:s8+s3], $0x80, v8, vm0, $0xb8;
	[tilespmem:$0x1DD80] =	vst v63  }
0x39b: {  	v8 =	vld [tilespmem:$0x11990];
	_ =	sdelay $0x4  }
0x39c: {  	v61 =	vshrl.u32 v8, $0x3  }
0x39d: {  	v9 =	vmul.u32 $0x30, v61  }
0x39e: {  	v8 =	vand.u32 $0x7, v8  }
0x39f: {  	v8 =	vor.u32 v8, v9  }
0x3a0: {  	v9 =	vperm.xlane v8, v5;
	_ =	sdelay $0x1  }
0x3a1: {  	v9 =	vadd.s32 v6, v9;
	_ =	sdelay $0x3  }
0x3a2: {  	s25 =	simm.s32 $0x14A80;
	v8 =	vperm.xlane v8, v7  }
0x3a3: {  	[tilespmem:s25], [sflag:$0x1] =	stream.indirect_vreg.gather [hbm4b:s2+s3], $0x80, v9, vm0, $0xb8;
	[tilespmem:$0x1DD80] =	vst v63  }
0x3a4: {  	s26 =	simm.s32 $0x15280;
	v8 =	vadd.s32 v6, v8  }
0x3a5: {  	[tilespmem:s26], [sflag:$0x1] =	stream.indirect_vreg.gather [hbm4b:s7+s3], $0x80, v9, vm0, $0xb8;
	[tilespmem:$0x1DD80] =	vst v63  }
0x3a6: {  	s28 =	simm.s32 $0x15A80  }
0x3a7: {  	[tilespmem:s28], [sflag:$0x1] =	stream.indirect_vreg.gather [hbm4b:s8+s3], $0x80, v9, vm0, $0xb8;
	[tilespmem:$0x1DD80] =	vst v63  }
0x3a8: {  	s29 =	simm.s32 $0x16280  }
0x3a9: {  	[tilespmem:s29], [sflag:$0x1] =	stream.indirect_vreg.gather [hbm4b:s2+s3], $0x80, v8, vm0, $0xb8;
	[tilespmem:$0x1DD80] =	vst v63  }
0x3aa: {  	s30 =	simm.s32 $0x16A80  }
0x3ab: {  	[tilespmem:s30], [sflag:$0x1] =	stream.indirect_vreg.gather [hbm4b:s7+s3], $0x80, v8, vm0, $0xb8;
	[tilespmem:$0x1DD80] =	vst v63  }
0x3ac: {  	s31 =	simm.s32 $0x17280  }
0x3ad: {  	[tilespmem:s31], [sflag:$0x1] =	stream.indirect_vreg.gather [hbm4b:s8+s3], $0x80, v8, vm0, $0xb8;
	[tilespmem:$0x1DD80] =	vst v63  }
0x3ae: {  	v8 =	vld [tilespmem:$0x119A0];
	_ =	sdelay $0x4  }
0x3af: {  	v62 =	vshrl.u32 v8, $0x3  }
0x3b0: {  	v9 =	vmul.u32 $0x30, v62  }
0x3b1: {  	v8 =	vand.u32 $0x7, v8  }
0x3b2: {  	v8 =	vor.u32 v8, v9  }
0x3b3: {  	v9 =	vperm.xlane v8, v5;
	_ =	sdelay $0x1  }
0x3b4: {  	v9 =	vadd.s32 v6, v9;
	_ =	sdelay $0x3  }
0x3b5: {  	s4 =	simm.s32 $0x17A80;
	v8 =	vperm.xlane v8, v7  }
0x3b6: {  	[tilespmem:s4], [sflag:$0x2] =	stream.indirect_vreg.gather [hbm4b:s2+s3], $0x80, v9, vm0, $0xb8;
	[tilespmem:$0x1DD80] =	vst v63  }
0x3b7: {  	s5 =	simm.s32 $0x18280;
	v8 =	vadd.s32 v6, v8  }
0x3b8: {  	[tilespmem:s5], [sflag:$0x2] =	stream.indirect_vreg.gather [hbm4b:s7+s3], $0x80, v9, vm0, $0xb8;
	[tilespmem:$0x1DD80] =	vst v63  }
0x3b9: {  	s6 =	simm.s32 $0x18A80  }
0x3ba: {  	[tilespmem:s6], [sflag:$0x2] =	stream.indirect_vreg.gather [hbm4b:s8+s3], $0x80, v9, vm0, $0xb8;
	[tilespmem:$0x1DD80] =	vst v63  }
0x3bb: {  	s9 =	simm.s32 $0x19280  }
0x3bc: {  	[tilespmem:s9], [sflag:$0x2] =	stream.indirect_vreg.gather [hbm4b:s2+s3], $0x80, v8, vm0, $0xb8;
	[tilespmem:$0x1DD80] =	vst v63  }
0x3bd: {  	s16 =	simm.s32 $0x19A80  }
0x3be: {  	[tilespmem:s16], [sflag:$0x2] =	stream.indirect_vreg.gather [hbm4b:s7+s3], $0x80, v8, vm0, $0xb8;
	[tilespmem:$0x1DD80] =	vst v63  }
0x3bf: {  	s23 =	simm.s32 $0x1A280  }
0x3c0: {  	[tilespmem:s23], [sflag:$0x2] =	stream.indirect_vreg.gather [hbm4b:s8+s3], $0x80, v8, vm0, $0xb8;
	[tilespmem:$0x1DD80] =	vst v63  }
0x3c1: {  	v8 =	vld [tilespmem:$0x119B0];
	_ =	sdelay $0x4  }
0x3c2: {  	v63 =	vshrl.u32 v8, $0x3  }
0x3c3: {  	v9 =	vmul.u32 $0x30, v63  }
0x3c4: {  	v8 =	vand.u32 $0x7, v8  }
0x3c5: {  	v8 =	vor.u32 v8, v9  }
0x3c6: {  	v9 =	vperm.xlane v8, v5;
	_ =	sdelay $0x1  }
0x3c7: {  	v9 =	vadd.s32 v6, v9;
	_ =	sdelay $0x3  }
0x3c8: {  	s24 =	simm.s32 $0x1AA80;
	v8 =	vperm.xlane v8, v7  }
0x3c9: {  	[tilespmem:s24], [sflag:$0x2] =	stream.indirect_vreg.gather [hbm4b:s2+s3], $0x80, v9, vm0, $0xb8;
	[tilespmem:$0x1DD80] =	vst v63  }
0x3ca: {  	s25 =	simm.s32 $0x1B280;
	v8 =	vadd.s32 v6, v8  }
0x3cb: {  	[tilespmem:s25], [sflag:$0x2] =	stream.indirect_vreg.gather [hbm4b:s7+s3], $0x80, v9, vm0, $0xb8;
	[tilespmem:$0x1DD80] =	vst v63  }
0x3cc: {  	s26 =	simm.s32 $0x1BA80  }
0x3cd: {  	[tilespmem:s26], [sflag:$0x2] =	stream.indirect_vreg.gather [hbm4b:s8+s3], $0x80, v9, vm0, $0xb8;
	[tilespmem:$0x1DD80] =	vst v63  }
0x3ce: {  	s28 =	simm.s32 $0x1C280  }
0x3cf: {  	[tilespmem:s28], [sflag:$0x2] =	stream.indirect_vreg.gather [hbm4b:s2+s3], $0x80, v8, vm0, $0xb8;
	[tilespmem:$0x1DD80] =	vst v63  }
0x3d0: {  	s29 =	simm.s32 $0x1CA80  }
0x3d1: {  	[tilespmem:s29], [sflag:$0x2] =	stream.indirect_vreg.gather [hbm4b:s7+s3], $0x80, v8, vm0, $0xb8;
	[tilespmem:$0x1DD80] =	vst v63  }
0x3d2: {  	s30 =	simm.s32 $0x1D280  }
0x3d3: {  	[tilespmem:s30], [sflag:$0x2] =	stream.indirect_vreg.gather [hbm4b:s8+s3], $0x80, v8, vm0, $0xb8;
	[tilespmem:$0x1DD80] =	vst v63  }
0x3d4: {  	v8 =	vld [tilespmem:$0x11980];
	_ =	sdelay $0x2  }
0x3d5: {  	v9 =	vld [tilespmem:$0x11A00];
	_ =	sdelay $0x3  }
0x3d6: {  	s31 =	simm.s32 $0x8000  }
0x3d7: {  	[tilespmem:v8+s31+$0x0] =	vst.idx.msk $0xffff, v9  }
0x3d8: {  	v8 =	vld [tilespmem:$0x11990];
	_ =	sdelay $0x2  }
0x3d9: {  	v9 =	vld [tilespmem:$0x11A10];
	_ =	sdelay $0x4  }
0x3da: {  	[tilespmem:v8+s31+$0x0] =	vst.idx.msk $0xffff, v9  }
0x3db: {  	v8 =	vld [tilespmem:$0x119A0];
	_ =	sdelay $0x2  }
0x3dc: {  	v9 =	vld [tilespmem:$0x11A20];
	_ =	sdelay $0x4  }
0x3dd: {  	[tilespmem:v8+s31+$0x0] =	vst.idx.msk $0xffff, v9  }
0x3de: {  	v8 =	vld [tilespmem:$0x119B0];
	_ =	sdelay $0x2  }
0x3df: {  	v9 =	vld [tilespmem:$0x11A30];
	_ =	sdelay $0x4  }
0x3e0: {  	s4 =	simm.s32 $0x1DAC0;
	[tilespmem:v8+s31+$0x0] =	vst.idx.msk $0xffff, v9  }
0x3e1: {  	[hbm4b:s11+s17] =	stream.strided.scatter [tilespmem:s31], [sflag:$0x3], $0x8000, s21, s17, $0x38;
	[tilespmem:$0x1DD80] =	vst v63  }
0x3e2: {  	[tilespmem:s4+$0xFFFFFFC0] =	vst v2  }
0x3e3: {  	[tilespmem:s4+$0x30] =	vst v2  }
0x3e4: {  	[tilespmem:s4+$0x20] =	vst v2  }
0x3e5: {  	[tilespmem:s4+$0x10] =	vst v2  }
0x3e6: {  	[tilespmem:s4+$0x0] =	vst v2  }
0x3e7: {  	[tilespmem:s4+$0xFFFFFFF0] =	vst v2  }
0x3e8: {  	s5 =	simm.s32 $0x0;
	[tilespmem:s4+$0xFFFFFFE0] =	vst v2  }
.LBB2_109:
0x3e9: {  	s5 =	sadd.s32 $0x8, s5;
	[tilespmem:s4+$0xFFFFFFD0] =	vst v2;
	s4 =	sadd.s32 $0x80, s4  }
0x3ea: {  	[tilespmem:s4+$0xFFFFFFC0] =	vst v2;
	p0 =	slt.u32 s5, $0x28  }
0x3eb: {  	[tilespmem:s4+$0x30] =	vst v2  }
.Ltmp81:
0x3ec: {  	[tilespmem:s4+$0x20] =	vst v2;
	(pc) =	sbr.rel @p0 .LBB2_109-.Ltmp81, $4  }
0x3ed: {  	[tilespmem:s4+$0x10] =	vst v2  }
0x3ee: {  	[tilespmem:s4+$0x0] =	vst v2  }
0x3ef: {  	[tilespmem:s4+$0xFFFFFFF0] =	vst v2  }
0x3f0: {  	[tilespmem:s4+$0xFFFFFFE0] =	vst v2  }
0x3f1: {  	[tilespmem:s4+$0xFFFFFFD0] =	vst v2;
	s1 =	simm.s32 $0x1  }
0x3f2: {  	_ =	swait.ge [sflag:s1], $0x6000  }
0x3f3: {  	s16 =	simm.s32 $0x0;
	[sflag:s1] =	ssyncset.done $0x0  }
0x3f4: {  	s23 =	simm.s32 $0x0;
	s24 =	simm.s32 $0x0;
	[sflag:s1] =	ssyncadd.s32 $0xFFFFA000  }
.LBB2_111:
0x3f5: {  	s26 =	sshllo.u32 s24, $0x1  }
0x3f6: {  	s4 =	sshrl.u32 s24, $0x2;
	v9 =	vmov s26  }
0x3f7: {  	s31 =	sand.u32 $0x3, s16;
	s30 =	smul.u32 $0x6000, s4  }
0x3f8: {  	s5 =	sand.u32 $0x7, s23;
	s4 =	sshll.u32 s31, $0xA  }
0x3f9: {  	s1 =	sshll.u32 s24, $0x1;
	s5 =	sshll.u32 s5, $0x9;
	s4 =	sor.u32 s4, s30  }
0x3fa: {  	v8 =	vmov s1;
	s1 =	sor.u32 s5, s30;
	s4 =	sshra.s32 s4, $0x2  }
0x3fb: {  	s1 =	sshra.s32 s1, $0x2;
	s4 =	sadd.s32 $0x11AC0, s4;
	v9 =	vld.idx.msk [tilespmem:v9+s14+$0x0], $0xffff  }
0x3fc: {  	s25 =	sadd.s32 $0x11B70, s1;
	v10 =	vld [tilespmem:s4+$0x30]  }
0x3fd: {  	v11 =	vld [tilespmem:s25+$0x0]  }
0x3fe: {  	v12 =	vld [tilespmem:s25+$0xFFFFFF90]  }
0x3ff: {  	v8 =	vbroadcast v8, $0x0;
	v13 =	vld [tilespmem:s4+$0xFFFFFFD0]  }
0x400: {  	v14 =	vld [tilespmem:s25+$0xFFFFFFA0]  }
0x401: {  	v15 =	vld [tilespmem:s4+$0xFFFFFFE0]  }
0x402: {  	v16 =	vld [tilespmem:s25+$0xFFFFFFB0]  }
0x403: {  	v17 =	vld [tilespmem:s4+$0xFFFFFFF0]  }
0x404: {  	v18 =	vld [tilespmem:s25+$0xFFFFFFC0]  }
0x405: {  	v8 =	vld.idx.msk [tilespmem:v8+s14+$0x0], $0xffff  }
0x406: {  	v19 =	vld [tilespmem:s4+$0x0]  }
0x407: {  	v20 =	vld [tilespmem:s25+$0xFFFFFFD0]  }
0x408: {  	v21 =	vld [tilespmem:s4+$0x10]  }
0x409: {  	v22 =	vld [tilespmem:s25+$0xFFFFFFE0]  }
0x40a: {  	v23 =	vld [tilespmem:s4+$0x20];
	v11 =	vmul.f32 v11, v9;
	v10 =	vmul.f32 v10, v8  }
0x40b: {  	v24 =	vld [tilespmem:s25+$0xFFFFFFF0];
	v14 =	vmul.f32 v14, v9;
	v13 =	vmul.f32 v13, v8  }
0x40c: {  	v56 =	vld [tilespmem:s4+$0xFFFFFFC0];
	v55 =	vmul.f32 v16, v9;
	v10 =	vadd.f32 v11, v10;
	v11 =	vmul.f32 v15, v8  }
0x40d: {  	s26 =	simm.s32 $0x1DAF0;
	v58 =	vmul.f32 v18, v9;
	v57 =	vmul.f32 v17, v8;
	v13 =	vadd.f32 v14, v13  }
0x40e: {  	v59 =	vmul.f32 v20, v9;
	[tilespmem:s26+$0x0] =	vst.add.f32.msk $0xffff, v10;
	v10 =	vadd.f32 v55, v11;
	v11 =	vmul.f32 v19, v8  }
0x40f: {  	v61 =	vmul.f32 v22, v9;
	v60 =	vmul.f32 v21, v8;
	v14 =	vadd.f32 v58, v57;
	[tilespmem:s26+$0xFFFFFFA0] =	vst.add.f32.msk $0xffff, v13  }
0x410: {  	v62 =	vmul.f32 v24, v9;
	v11 =	vadd.f32 v59, v11;
	[tilespmem:s26+$0xFFFFFFB0] =	vst.add.f32.msk $0xffff, v10;
	v10 =	vmul.f32 v23, v8  }
0x411: {  	v12 =	vmul.f32 v12, v9;
	v63 =	vmul.f32 v56, v8;
	[tilespmem:s26+$0xFFFFFFC0] =	vst.add.f32.msk $0xffff, v14;
	v13 =	vadd.f32 v61, v60  }
0x412: {  	[tilespmem:s26+$0xFFFFFFD0] =	vst.add.f32.msk $0xffff, v11;
	v11 =	vadd.f32 v62, v10  }
0x413: {  	s28 =	simm.s32 $0x0;
	s29 =	simm.s32 $0x1DAF0;
	s4 =	sadd.s32 $0x400, s4;
	[tilespmem:s26+$0xFFFFFFE0] =	vst.add.f32.msk $0xffff, v13;
	v10 =	vadd.f32 v12, v63  }
.LBB2_112:
0x414: {  	v12 =	vld [tilespmem:s4+$0x30];
	s25 =	sadd.s32 $0x400, s25;
	v13 =	vmov v11  }
0x415: {  	s28 =	sadd.s32 $0x8, s28;
	v11 =	vld [tilespmem:s25+$0x0]  }
0x416: {  	p0 =	slt.u32 s28, $0x28;
	v14 =	vld [tilespmem:s25+$0xFFFFFF90]  }
0x417: {  	v15 =	vld [tilespmem:s4+$0xFFFFFFD0]  }
0x418: {  	v16 =	vld [tilespmem:s25+$0xFFFFFFA0]  }
0x419: {  	v17 =	vld [tilespmem:s4+$0xFFFFFFE0]  }
0x41a: {  	v12 =	vmul.f32 v12, v8;
	v18 =	vld [tilespmem:s25+$0xFFFFFFB0];
	v11 =	vmul.f32 v11, v9  }
0x41b: {  	v14 =	vmul.f32 v14, v9;
	v19 =	vld [tilespmem:s4+$0xFFFFFFF0]  }
0x41c: {  	v15 =	vmul.f32 v15, v8;
	v20 =	vld [tilespmem:s25+$0xFFFFFFC0];
	v11 =	vadd.f32 v11, v12  }
0x41d: {  	s26 =	sadd.s32 $0x80, s26;
	v12 =	vmul.f32 v16, v9;
	v16 =	vld [tilespmem:s4+$0x0]  }
0x41e: {  	v17 =	vmul.f32 v17, v8;
	[tilespmem:s26+$0x0] =	vst.add.f32.msk $0xffff, v11  }
0x41f: {  	v11 =	vadd.f32 v12, v15;
	v12 =	vmul.f32 v18, v9;
	v15 =	vld [tilespmem:s25+$0xFFFFFFD0]  }
0x420: {  	v18 =	vmul.f32 v19, v8;
	v19 =	vld [tilespmem:s4+$0x10]  }
0x421: {  	v12 =	vadd.f32 v12, v17;
	v17 =	vmul.f32 v20, v9;
	v20 =	vld [tilespmem:s25+$0xFFFFFFE0]  }
0x422: {  	v16 =	vmul.f32 v16, v8;
	v21 =	vld [tilespmem:s4+$0x20]  }
0x423: {  	v17 =	vadd.f32 v17, v18;
	v18 =	vld [tilespmem:s25+$0xFFFFFFF0]  }
0x424: {  	v22 =	vld [tilespmem:s4+$0xFFFFFFC0];
	v15 =	vmul.f32 v15, v9  }
0x425: {  	v19 =	vmul.f32 v19, v8;
	[tilespmem:s29+$0xFFFFFF90] =	vst.add.f32.msk $0xffff, v10  }
0x426: {  	[tilespmem:s26+$0xFFFFFFA0] =	vst.add.f32.msk $0xffff, v11;
	v10 =	vadd.f32 v15, v16;
	v11 =	vmul.f32 v20, v9  }
.Ltmp82:
0x427: {  	[tilespmem:s26+$0xFFFFFFB0] =	vst.add.f32.msk $0xffff, v12;
	v12 =	vmul.f32 v21, v8;
	(pc) =	sbr.rel @p0 .LBB2_112-.Ltmp82, $4  }
0x428: {  	[tilespmem:s26+$0xFFFFFFC0] =	vst.add.f32.msk $0xffff, v17;
	v11 =	vadd.f32 v11, v19;
	v15 =	vmul.f32 v18, v9  }
0x429: {  	v16 =	vmul.f32 v22, v8;
	[tilespmem:s26+$0xFFFFFFD0] =	vst.add.f32.msk $0xffff, v10  }
0x42a: {  	[tilespmem:s26+$0xFFFFFFE0] =	vst.add.f32.msk $0xffff, v11;
	v11 =	vadd.f32 v15, v12  }
0x42b: {  	s4 =	sadd.s32 $0x400, s4;
	v10 =	vadd.f32 v14, v16;
	[tilespmem:s29+$0xFFFFFFF0] =	vst.add.f32.msk $0xffff, v13;
	s29 =	smov.u32 s26  }
0x42c: {  	s24 =	sadd.s32 $0x1, s24  }
0x42d: {  	p0 =	sne.s32 s24, $0x10  }
.Ltmp83:
0x42e: {  	_ = 	snop;
	(pc) =	sbr.rel @p0 .LBB2_111-.Ltmp83, $3  }
0x42f: {  	_ =	sdelay $0x1  }
0x430: {  	[tilespmem:s29+$0xFFFFFFF0] =	vst.add.f32.msk $0xffff, v11  }
0x431: {  	s23 =	sadd.s32 $0x2, s23;
	s16 =	sadd.s32 $0x1, s16;
	[tilespmem:s29+$0xFFFFFF90] =	vst.add.f32.msk $0xffff, v10  }
0x432: {  	s28 =	simm.s32 $0x2  }
0x433: {  	_ =	swait.ge [sflag:s28], $0x6000  }
0x434: {  	[sflag:s28] =	ssyncset.done $0x0  }
0x435: {  	s16 =	simm.s32 $0x0;
	s23 =	simm.s32 $0x0;
	[sflag:s28] =	ssyncadd.s32 $0xFFFFA000  }
.LBB2_115:
0x436: {  	s1 =	sshll.u32 s23, $0x1;
	s29 =	sshrl.u32 s23, $0x2  }
0x437: {  	s31 =	sand.u32 $0x3, s16;
	s4 =	sor.u32 $0x20, s1;
	s30 =	smul.u32 $0x6000, s29  }
0x438: {  	s1 =	sor.u32 $0x21, s1;
	v8 =	vmov s4;
	s4 =	sshll.u32 s31, $0xA  }
0x439: {  	v9 =	vmov s1;
	s1 =	sor.u32 s4, s30  }
0x43a: {  	s1 =	sshra.s32 s1, $0x2  }
0x43b: {  	s1 =	sadd.s32 $0x17B00, s1  }
0x43c: {  	v10 =	vld [tilespmem:s1+$0xFFFFFFF0]  }
0x43d: {  	v11 =	vld [tilespmem:s1+$0x70]  }
0x43e: {  	v12 =	vld [tilespmem:s1+$0x0]  }
0x43f: {  	v13 =	vld [tilespmem:s1+$0xFFFFFF90]  }
0x440: {  	v8 =	vbroadcast v8, $0x0;
	v14 =	vld [tilespmem:s1+$0x10]  }
0x441: {  	v15 =	vld [tilespmem:s1+$0xFFFFFFA0]  }
0x442: {  	v16 =	vld [tilespmem:s1+$0x20]  }
0x443: {  	v17 =	vld [tilespmem:s1+$0xFFFFFFB0]  }
0x444: {  	v18 =	vld [tilespmem:s1+$0x30]  }
0x445: {  	v9 =	vld.idx.msk [tilespmem:v9+s14+$0x0], $0xffff  }
0x446: {  	v8 =	vld.idx.msk [tilespmem:v8+s14+$0x0], $0xffff  }
0x447: {  	v19 =	vld [tilespmem:s1+$0xFFFFFFC0]  }
0x448: {  	v20 =	vld [tilespmem:s1+$0x40]  }
0x449: {  	v21 =	vld [tilespmem:s1+$0xFFFFFFD0]  }
0x44a: {  	v22 =	vld [tilespmem:s1+$0x50]  }
0x44b: {  	v23 =	vld [tilespmem:s1+$0xFFFFFFE0];
	v11 =	vmul.f32 v11, v9;
	v10 =	vmul.f32 v10, v8  }
0x44c: {  	v24 =	vld [tilespmem:s1+$0x60];
	v14 =	vmul.f32 v14, v9;
	v13 =	vmul.f32 v13, v8  }
0x44d: {  	v56 =	vld [tilespmem:s1+$0xFFFFFF80];
	v55 =	vmul.f32 v16, v9;
	v10 =	vadd.f32 v11, v10;
	v11 =	vmul.f32 v15, v8  }
0x44e: {  	s24 =	simm.s32 $0x1DAF0;
	v58 =	vmul.f32 v18, v9;
	v57 =	vmul.f32 v17, v8;
	v13 =	vadd.f32 v14, v13  }
0x44f: {  	v59 =	vmul.f32 v20, v9;
	[tilespmem:s24+$0x0] =	vst.add.f32.msk $0xffff, v10;
	v10 =	vadd.f32 v55, v11;
	v11 =	vmul.f32 v19, v8  }
0x450: {  	v61 =	vmul.f32 v22, v9;
	v60 =	vmul.f32 v21, v8;
	v14 =	vadd.f32 v58, v57;
	[tilespmem:s24+$0xFFFFFFA0] =	vst.add.f32.msk $0xffff, v13  }
0x451: {  	v62 =	vmul.f32 v24, v9;
	v11 =	vadd.f32 v59, v11;
	[tilespmem:s24+$0xFFFFFFB0] =	vst.add.f32.msk $0xffff, v10;
	v10 =	vmul.f32 v23, v8  }
0x452: {  	v12 =	vmul.f32 v12, v9;
	v63 =	vmul.f32 v56, v8;
	[tilespmem:s24+$0xFFFFFFC0] =	vst.add.f32.msk $0xffff, v14;
	v13 =	vadd.f32 v61, v60  }
0x453: {  	[tilespmem:s24+$0xFFFFFFD0] =	vst.add.f32.msk $0xffff, v11;
	v11 =	vadd.f32 v62, v10  }
0x454: {  	s25 =	simm.s32 $0x0;
	s26 =	simm.s32 $0x1DAF0;
	s4 =	sadd.s32 $0x400, s1;
	[tilespmem:s24+$0xFFFFFFE0] =	vst.add.f32.msk $0xffff, v13;
	v10 =	vadd.f32 v12, v63  }
.LBB2_116:
0x455: {  	v12 =	vld [tilespmem:s4+$0xFFFFFFF0];
	v13 =	vmov v11  }
0x456: {  	s25 =	sadd.s32 $0x8, s25;
	v11 =	vld [tilespmem:s4+$0x70]  }
0x457: {  	p0 =	slt.u32 s25, $0x28;
	v14 =	vld [tilespmem:s4+$0x0]  }
0x458: {  	v15 =	vld [tilespmem:s4+$0xFFFFFF90]  }
0x459: {  	v16 =	vld [tilespmem:s4+$0x10]  }
0x45a: {  	v17 =	vld [tilespmem:s4+$0xFFFFFFA0]  }
0x45b: {  	v12 =	vmul.f32 v12, v8;
	v18 =	vld [tilespmem:s4+$0x20];
	v11 =	vmul.f32 v11, v9  }
0x45c: {  	v14 =	vmul.f32 v14, v9;
	v19 =	vld [tilespmem:s4+$0xFFFFFFB0]  }
0x45d: {  	v15 =	vmul.f32 v15, v8;
	v20 =	vld [tilespmem:s4+$0x30];
	v11 =	vadd.f32 v11, v12  }
0x45e: {  	s24 =	sadd.s32 $0x80, s24;
	v12 =	vmul.f32 v16, v9;
	v16 =	vld [tilespmem:s4+$0xFFFFFFC0]  }
0x45f: {  	v17 =	vmul.f32 v17, v8;
	[tilespmem:s24+$0x0] =	vst.add.f32.msk $0xffff, v11  }
0x460: {  	v11 =	vadd.f32 v12, v15;
	v12 =	vmul.f32 v18, v9;
	v15 =	vld [tilespmem:s4+$0x40]  }
0x461: {  	v18 =	vmul.f32 v19, v8;
	v19 =	vld [tilespmem:s4+$0xFFFFFFD0]  }
0x462: {  	v12 =	vadd.f32 v12, v17;
	v17 =	vmul.f32 v20, v9;
	v20 =	vld [tilespmem:s4+$0x50]  }
0x463: {  	v16 =	vmul.f32 v16, v8;
	v21 =	vld [tilespmem:s4+$0xFFFFFFE0]  }
0x464: {  	v17 =	vadd.f32 v17, v18;
	v18 =	vld [tilespmem:s4+$0x60]  }
0x465: {  	v22 =	vld [tilespmem:s4+$0xFFFFFF80];
	v15 =	vmul.f32 v15, v9  }
0x466: {  	v19 =	vmul.f32 v19, v8;
	[tilespmem:s26+$0xFFFFFF90] =	vst.add.f32.msk $0xffff, v10  }
0x467: {  	[tilespmem:s24+$0xFFFFFFA0] =	vst.add.f32.msk $0xffff, v11;
	v10 =	vadd.f32 v15, v16;
	v11 =	vmul.f32 v20, v9  }
.Ltmp84:
0x468: {  	[tilespmem:s24+$0xFFFFFFB0] =	vst.add.f32.msk $0xffff, v12;
	v12 =	vmul.f32 v21, v8;
	(pc) =	sbr.rel @p0 .LBB2_116-.Ltmp84, $4  }
0x469: {  	[tilespmem:s24+$0xFFFFFFC0] =	vst.add.f32.msk $0xffff, v17;
	v11 =	vadd.f32 v11, v19;
	v15 =	vmul.f32 v18, v9  }
0x46a: {  	v16 =	vmul.f32 v22, v8;
	[tilespmem:s24+$0xFFFFFFD0] =	vst.add.f32.msk $0xffff, v10  }
0x46b: {  	[tilespmem:s24+$0xFFFFFFE0] =	vst.add.f32.msk $0xffff, v11;
	v11 =	vadd.f32 v15, v12  }
0x46c: {  	s4 =	sadd.s32 $0x400, s4;
	v10 =	vadd.f32 v14, v16;
	[tilespmem:s26+$0xFFFFFFF0] =	vst.add.f32.msk $0xffff, v13;
	s26 =	smov.u32 s24  }
0x46d: {  	s23 =	sadd.s32 $0x1, s23  }
0x46e: {  	p0 =	sne.s32 s23, $0x10  }
.Ltmp85:
0x46f: {  	_ = 	snop;
	(pc) =	sbr.rel @p0 .LBB2_115-.Ltmp85, $3  }
0x470: {  	_ =	sdelay $0x1  }
0x471: {  	[tilespmem:s26+$0xFFFFFFF0] =	vst.add.f32.msk $0xffff, v11  }
0x472: {  	s16 =	sadd.s32 $0x1, s16;
	[tilespmem:s26+$0xFFFFFF90] =	vst.add.f32.msk $0xffff, v10  }
0x473: {  	s1 =	simm.s32 $0x1DA80;
	s4 =	simm.s32 $0x4;
	s22 =	sadd.s32 $0x1, s22  }
0x474: {  	[hbm4b:s0+s17] =	stream.strided.scatter [tilespmem:s1], [sflag:$0x4], $0x300, s21, s17, $0x38;
	[tilespmem:$0x1DD80] =	vst v63  }
0x475: {  	p0 =	sne.s32 s22, s15;
	_ =	swait.ge [sflag:s4], $0x300  }
.Ltmp86:
0x476: {  	[sflag:s4] =	ssyncset.done $0x0;
	(pc) =	sbr.rel @p0 .LBB2_1-.Ltmp86, $4  }
.Ltmp87:
0x477: {  	s31 =	simm.s32 $0x3;
	[sflag:s4] =	ssyncadd.s32 $0xFFFFFD00;
	(pc) =	sbr.rel @!p0 .LBB2_119-.Ltmp87, $4  }
0x478: {  	_ =	swait.ge [sflag:s31], $0x8000  }
0x479: {  	[sflag:s31] =	ssyncset.done $0x0  }
0x47a: {  	[sflag:s31] =	ssyncadd.s32 $0xFFFF8000  }
0x47b: {  	_ = 	snop  }
.LBB2_62:
.Ltmp88:
0x47c: {  	(pc) =	sbr.rel .LBB2_79-.Ltmp88, $2  }
0x47d: {  	_ =	sdelay $0x2  }
0x47e: {  	s26 =	simm.s32 $0x0;
	s16 =	simm.s32 $0x0  }
.LBB2_64:
.Ltmp89:
0x47f: {  	_ = 	snop;
	(pc) =	sbr.rel .LBB2_79-.Ltmp89, $2  }
0x480: {  	_ =	sdelay $0x2  }
0x481: {  	s26 =	simm.s32 $0x0;
	s16 =	simm.s32 $0x0;
	v13 =	vmov v11  }
.LBB2_66:
.Ltmp90:
0x482: {  	(pc) =	sbr.rel .LBB2_79-.Ltmp90, $2  }
0x483: {  	_ =	sdelay $0x2  }
0x484: {  	s26 =	simm.s32 $0x0;
	s16 =	simm.s32 $0x0  }
.LBB2_68:
.Ltmp91:
0x485: {  	_ = 	snop;
	(pc) =	sbr.rel .LBB2_79-.Ltmp91, $2  }
0x486: {  	_ =	sdelay $0x2  }
0x487: {  	s26 =	simm.s32 $0x0;
	s16 =	simm.s32 $0x0;
	v12 =	vmov v11;
	v13 =	vmov v14  }
.LBB2_70:
.Ltmp92:
0x488: {  	(pc) =	sbr.rel .LBB2_79-.Ltmp92, $2  }
0x489: {  	_ =	sdelay $0x2  }
0x48a: {  	vm5 =	vmmov vm2;
	vm6 =	vmmov vm1;
	s26 =	simm.s32 $0x0;
	s16 =	simm.s32 $0x0  }
.LBB2_72:
.Ltmp93:
0x48b: {  	_ = 	snop;
	(pc) =	sbr.rel .LBB2_79-.Ltmp93, $2  }
0x48c: {  	_ =	sdelay $0x2  }
0x48d: {  	vm5 =	vmmov vm3;
	vm6 =	vmmov vm4;
	s26 =	simm.s32 $0x0;
	s16 =	simm.s32 $0x0;
	v13 =	vmovc v14;
	v12 =	vmov v11  }
.LBB2_74:
.Ltmp94:
0x48e: {  	(pc) =	sbr.rel .LBB2_79-.Ltmp94, $2  }
0x48f: {  	_ =	sdelay $0x3  }
0x490: {  	vm5 =	vmmov vm7;
	vm6 =	vmmov vm8;
	s26 =	simm.s32 $0x0;
	s16 =	simm.s32 $0x0;
	v10 =	vmovc v15;
	v12 =	vmov v14  }
.LBB2_76:
.Ltmp95:
0x491: {  	_ = 	snop;
	(pc) =	sbr.rel .LBB2_79-.Ltmp95, $2  }
0x492: {  	_ =	sdelay $0x2  }
0x493: {  	s26 =	simm.s32 $0x0;
	s16 =	simm.s32 $0x0;
	v13 =	vmov v16  }
.LBB2_11:
.Ltmp96:
0x494: {  	(pc) =	sbr.rel .LBB2_21-.Ltmp96, $2  }
0x495: {  	_ =	sdelay $0x2  }
0x496: {  	s6 =	simm.s32 $0x11100  }
.LBB2_19:
.Ltmp97:
0x497: {  	(pc) =	sbr.rel .LBB2_21-.Ltmp97, $2  }
0x498: {  	_ =	sdelay $0x2  }
0x499: {  	s6 =	simm.s32 $0x11100  }
.LBB2_119:
0x49a: {  	_ =	sfence.sel $0x180000  }
0x49b: {  	[bflag:$0x0] =	sbarrier.arrive $0xFFFF  }
0x49c: {  	_ =	strace $0x90000047  }
0x49d: {  	s0 =	stileid.u32;
	[bflag:$0x2] =	sbarrier.arrive $0xFFFF  }
0x49e: {  	p0 =	sne.s32 s0, $0x0;
	s0 =	rddreg [dreg:$0x5]  }
0x49f: {  	s0 =	sadd.s32 @!p0 $0x100000, s0  }
0x4a0: {  	[sflag:s0] =	ssyncadd.tile.s32 @!p0 $0x1;
	_ =	shalt  }
.Lfunc_end2:
_tile_overlayer_lowered:
.L_overlay_start_2:
0x4a1: {  	(tag) =	ssettag $0x2  }
0x4a2: {  	s0 =	rddreg [dreg:$0x0];
	s2 =	stileid.u32  }
0x4a3: {  	s1 =	rddreg [dreg:$0x1];
	p0 =	sne.s32 s2, $0x0  }
0x4a4: {  	s3 =	rddreg [dreg:$0x2];
	[bflag:$0x3] =	sbarrier.arrive $0xFFFF;
	s2 =	simm.s32 @!p0 $0x1C04  }
0x4a5: {  	[timem:s3], [sflag:s2] =	dma.local @!p0 [hbm:s0], s1  }
0x4a6: {  	s0 =	simm.s32 @!p0 $0x4  }
0x4a7: {  	_ =	swait.ge @!p0 [sflag:s0], s1  }
0x4a8: {  	s1 =	ssub.s32 @!p0 $0x0, s1;
	[sflag:s0] =	ssyncset.done @!p0 $0x0  }
0x4a9: {  	[sflag:s0] =	ssyncadd.s32 @!p0 s1  }
0x4aa: {  	[bflag:$0x3] =	sbarrier.arrive $0xFFFF  }
0x4ab: {  	_ =	shalt  }

</sc_bundles>
